<compile_context>
chip_gen: v7x
topology: tpu7x:2x2x1
jax: 0.10.2.dev20260603
libtpu: 0.0.44.dev20260713+nightly
codegen_flags: <defaults>
</compile_context>

<pallas_src>
import functools

import jax
import jax.numpy as jnp
from jax import lax
from jax.experimental import pallas as pl
from jax.experimental.pallas import tpu as pltpu, tpu_sc as plsc

N_NODES = 10000
NP = 10240
N_EDGES = 320000
F_IN = 128
HIDDEN = 256
N_CLASS = 47
W2P = 48
DW = 16

NC, NS, L = 2, 16, 16
NW = NC * NS
EPW = N_EDGES // NW
KB = 125
NB = EPW // KB
CHB = 4
KB2 = 125
NB2 = EPW // KB2
CHB2 = 4
RPT = NP // NS


def _sc_aggregate(feat_hbm, ei_hbm, agg_out, deg_out,
                  acc, dacc, srcv, dstv, rows0, rows1, ones, zbuf,
                  gsem0, gsem1, ssem0, ssem1, dsem, isem, *, width, with_deg,
                  KB, NB, CHB):
    cid = lax.axis_index("c")
    sid = lax.axis_index("s")
    wid = sid * NC + cid
    NCH = NB // CHB

    zf = jnp.zeros((L,), jnp.float32)
    cpr = width // L

    def zrow(r, carry):
        for c in range(cpr):
            rows0[r, pl.ds(c * L, L)] = zf
        return carry

    lax.fori_loop(0, KB, zrow, 0)

    if with_deg:
        onev = jnp.ones((L,), jnp.float32)

        def orow(r, carry):
            ones[r, pl.ds(0, L)] = onev
            zbuf[r, pl.ds(0, L)] = zf
            return carry

        lax.fori_loop(0, KB, orow, 0)

        def zrow2(r, carry):
            zbuf[r, pl.ds(0, L)] = zf
            return carry

        lax.fori_loop(KB, 128, zrow2, 0)

    base = sid * RPT
    chunks = []
    off = 0
    while off < RPT:
        sz = min(KB, RPT - off)
        chunks.append((off, sz))
        off += sz
    for off, sz in chunks:
        if sz == KB:
            pltpu.sync_copy(rows0, acc.at[pl.ds(base + off, sz)])
        else:
            pltpu.sync_copy(rows0.at[pl.ds(0, sz)],
                            acc.at[pl.ds(base + off, sz)])
    if with_deg:
        for r in range(5):
            pltpu.sync_copy(zbuf, dacc.at[pl.ds(base + r * 128, 128)])
    plsc.subcore_barrier()

    def fire_gather(slot, r, buf, sem):
        return pltpu.async_copy(feat_hbm.at[srcv.at[slot, r]], buf, sem)

    def wait_gather(slot, r, buf, sem):
        pltpu.make_async_copy(feat_hbm.at[srcv.at[slot, r]], buf, sem).wait()

    def fire_scatter(slot, r, buf, sem):
        return pltpu.async_copy(buf, acc.at[dstv.at[slot, r]], sem, add=True)

    def wait_scatter(slot, r, buf, sem):
        pltpu.make_async_copy(buf, acc.at[dstv.at[slot, r]], sem).wait()

    def fire_deg(slot, r):
        return pltpu.async_copy(ones, dacc.at[dstv.at[slot, r]], dsem,
                                add=True)

    def wait_deg(slot, r):
        pltpu.make_async_copy(ones, dacc.at[dstv.at[slot, r]], dsem).wait()

    def fire_stage(ch, slot, sem):
        pltpu.async_copy(ei_hbm.at[0, wid, pl.ds(ch * CHB, CHB)],
                         srcv.at[slot], sem)
        pltpu.async_copy(ei_hbm.at[1, wid, pl.ds(ch * CHB, CHB)],
                         dstv.at[slot], sem)

    def wait_stage(ch, slot, sem):
        pltpu.make_async_copy(ei_hbm.at[0, wid, pl.ds(ch * CHB, CHB)],
                              srcv.at[slot], sem).wait()
        pltpu.make_async_copy(ei_hbm.at[1, wid, pl.ds(ch * CHB, CHB)],
                              dstv.at[slot], sem).wait()

    pltpu.sync_copy(ei_hbm.at[0, wid, pl.ds(0, CHB)], srcv.at[0])
    pltpu.sync_copy(ei_hbm.at[1, wid, pl.ds(0, CHB)], dstv.at[0])
    fire_stage(1, 1, isem)
    fire_gather(0, 0, rows0, gsem0)
    fire_gather(0, 1, rows1, gsem1)

    def body(g, carry):
        j0 = 2 * g
        slot = (j0 // CHB) & 1
        r0 = j0 % CHB
        wait_gather(slot, r0, rows0, gsem0)
        fire_scatter(slot, r0, rows0, ssem0)
        if with_deg:
            fire_deg(slot, r0)
        wait_gather(slot, r0 + 1, rows1, gsem1)
        fire_scatter(slot, r0 + 1, rows1, ssem1)
        if with_deg:
            fire_deg(slot, r0 + 1)

        @pl.when(j0 + 2 < NB)
        def _refill():
            nslot = ((j0 + 2) // CHB) & 1
            nr = (j0 + 2) % CHB
            ch = j0 // CHB

            @pl.when((r0 == 0) & (ch >= 1) & (ch + 1 < NCH))
            def _pstage():
                fire_stage(ch + 1, 1 - slot, isem)

            @pl.when(r0 == CHB - 2)
            def _wstage():
                wait_stage((j0 + 2) // CHB, nslot, isem)

            wait_scatter(slot, r0, rows0, ssem0)
            fire_gather(nslot, nr, rows0, gsem0)
            wait_scatter(slot, r0 + 1, rows1, ssem1)
            fire_gather(nslot, nr + 1, rows1, gsem1)
            if with_deg:
                wait_deg(slot, r0)
                wait_deg(slot, r0 + 1)

        return carry

    lax.fori_loop(0, NB // 2, body, 0)
    lslot = ((NB - 2) // CHB) & 1
    lr = (NB - 2) % CHB
    wait_scatter(lslot, lr, rows0, ssem0)
    wait_scatter(lslot, lr + 1, rows1, ssem1)
    if with_deg:
        wait_deg(lslot, lr)
        wait_deg(lslot, lr + 1)

    plsc.subcore_barrier()

    for off, sz in chunks:
        sl = pl.ds(base + off, sz)
        if sz == KB:
            pltpu.sync_copy(acc.at[sl], rows0)
            pltpu.sync_copy(rows0, agg_out.at[cid, sl])
        else:
            pltpu.sync_copy(acc.at[sl], rows0.at[pl.ds(0, sz)])
            pltpu.sync_copy(rows0.at[pl.ds(0, sz)], agg_out.at[cid, sl])
    if with_deg:
        for r in range(5):
            dsl = pl.ds(base + r * 128, 128)
            pltpu.sync_copy(dacc.at[dsl], zbuf)
            pltpu.sync_copy(zbuf, deg_out.at[cid, dsl])



def _sc_agg(width, with_deg, kb, nb, chb):
    mesh = plsc.VectorSubcoreMesh(core_axis_name="c", subcore_axis_name="s",
                                  num_cores=NC, num_subcores=NS)
    out_type = (
        jax.ShapeDtypeStruct((NC, NP, width), jnp.float32),
        jax.ShapeDtypeStruct((NC, NP, DW), jnp.float32),
    )
    body = functools.partial(_sc_aggregate, width=width, with_deg=True,
                             KB=kb, NB=nb, CHB=chb)
    scratch = [
        pltpu.VMEM_SHARED((NP, width), jnp.float32),
        pltpu.VMEM_SHARED((NP, DW), jnp.float32),
        pltpu.VMEM((2, chb, kb), jnp.int32),
        pltpu.VMEM((2, chb, kb), jnp.int32),
        pltpu.VMEM((kb, width), jnp.float32),
        pltpu.VMEM((kb, width), jnp.float32),
        pltpu.VMEM((kb, DW), jnp.float32),
        pltpu.VMEM((128, DW), jnp.float32),
    ]
    scratch += [pltpu.SemaphoreType.DMA] * 6
    return pl.kernel(
        body,
        out_type=out_type,
        mesh=mesh,
        scratch_types=scratch,
        compiler_params=pltpu.CompilerParams(use_tc_tiling_on_sc=False),
    )


GC = 4


def _sc_aggregate_l2(feat_hbm, eis_hbm, eid_hbm, agg_out,
                     acc, srcv, dstv, big0, big1,
                     gsem0, gsem1, ssem0, ssem1, isems, isemd):
    width = W2P
    GCK = GC * KB2
    NCH = EPW // GCK
    cid = lax.axis_index("c")
    sid = lax.axis_index("s")
    wid = sid * NC + cid

    zf = jnp.zeros((L,), jnp.float32)
    cpr = width // L

    def zrow(r, carry):
        for c in range(cpr):
            big0[r, pl.ds(c * L, L)] = zf
        return carry

    lax.fori_loop(0, GCK, zrow, 0)

    base = sid * RPT
    pltpu.sync_copy(big0, acc.at[pl.ds(base, GCK)])
    pltpu.sync_copy(big0.at[pl.ds(0, RPT - GCK)],
                    acc.at[pl.ds(base + GCK, RPT - GCK)])

    plsc.subcore_barrier()

    def fire_gather(slot, buf, sem):
        return pltpu.async_copy(feat_hbm.at[srcv.at[slot]], buf, sem)

    def wait_gather(slot, buf, sem):
        pltpu.make_async_copy(feat_hbm.at[srcv.at[slot]], buf, sem).wait()

    def fire_scatter(slot, q, buf, sem):
        return pltpu.async_copy(buf.at[pl.ds(q * KB2, KB2)],
                                acc.at[dstv.at[slot, q]], sem, add=True)

    def wait_scatter(slot, q, buf, sem):
        pltpu.make_async_copy(buf.at[pl.ds(q * KB2, KB2)],
                              acc.at[dstv.at[slot, q]], sem).wait()

    def fire_sstage(ch, slot):
        pltpu.async_copy(eis_hbm.at[wid, ch], srcv.at[slot], isems)

    def wait_sstage(ch, slot):
        pltpu.make_async_copy(eis_hbm.at[wid, ch], srcv.at[slot],
                              isems).wait()

    def fire_dstage(ch, slot):
        pltpu.async_copy(eid_hbm.at[wid, ch], dstv.at[slot], isemd)

    def wait_dstage(ch, slot):
        pltpu.make_async_copy(eid_hbm.at[wid, ch], dstv.at[slot],
                              isemd).wait()

    pltpu.sync_copy(eis_hbm.at[wid, 0], srcv.at[0])
    pltpu.sync_copy(eid_hbm.at[wid, 0], dstv.at[0])
    pltpu.sync_copy(eis_hbm.at[wid, 1], srcv.at[1])
    pltpu.sync_copy(eid_hbm.at[wid, 1], dstv.at[1])
    fire_gather(0, big0, gsem0)
    fire_gather(1, big1, gsem1)

    def half(c, slot, buf, gsem, ssem):
        wait_gather(slot, buf, gsem)

        @pl.when(c + 2 < NCH)
        def _ps():
            fire_sstage(c + 2, slot)

        for q in range(GC):
            fire_scatter(slot, q, buf, ssem)
        for q in range(GC):
            wait_scatter(slot, q, buf, ssem)

        @pl.when(c + 2 < NCH)
        def _refill():
            fire_dstage(c + 2, slot)
            wait_sstage(c + 2, slot)
            fire_gather(slot, buf, gsem)
            wait_dstage(c + 2, slot)

    def body(g, carry):
        c0 = 2 * g
        half(c0, 0, big0, gsem0, ssem0)
        half(c0 + 1, 1, big1, gsem1, ssem1)
        return carry

    lax.fori_loop(0, NCH // 2, body, 0)

    plsc.subcore_barrier()

    for off, sz in ((0, GCK), (GCK, RPT - GCK)):
        sl = pl.ds(base + off, sz)
        pltpu.sync_copy(acc.at[sl], big0.at[pl.ds(0, sz)])
        pltpu.sync_copy(big0.at[pl.ds(0, sz)], agg_out.at[cid, sl])


def _sc_agg_l2():
    mesh = plsc.VectorSubcoreMesh(core_axis_name="c", subcore_axis_name="s",
                                  num_cores=NC, num_subcores=NS)
    GCK = GC * KB2
    return pl.kernel(
        _sc_aggregate_l2,
        out_type=jax.ShapeDtypeStruct((NC, NP, W2P), jnp.float32),
        mesh=mesh,
        scratch_types=[
            pltpu.VMEM_SHARED((NP, W2P), jnp.float32),
            pltpu.VMEM((2, GCK), jnp.int32),
            pltpu.VMEM((2, GC, KB2), jnp.int32),
            pltpu.VMEM((GCK, W2P), jnp.float32),
            pltpu.VMEM((GCK, W2P), jnp.float32),
            pltpu.SemaphoreType.DMA,
            pltpu.SemaphoreType.DMA,
            pltpu.SemaphoreType.DMA,
            pltpu.SemaphoreType.DMA,
            pltpu.SemaphoreType.DMA,
            pltpu.SemaphoreType.DMA,
        ],
        compiler_params=pltpu.CompilerParams(use_tc_tiling_on_sc=False),
    )


TC_BLK = 1024


def _tc1_body(x, aggp, degp, w1s, w1n, b1, w2s, w2n, b2, p_out, s_out,
              inv_out):
    sums = jnp.sum(aggp[...], axis=0)
    deg = jnp.sum(degp[...], axis=0)[:, 0:1]
    inv = 1.0 / jnp.maximum(deg, 1.0)
    mean1 = sums * inv
    h = (jnp.dot(x[...], w1s[...], preferred_element_type=jnp.float32)
         + jnp.dot(mean1, w1n[...], preferred_element_type=jnp.float32)
         + b1[...])
    h = jnp.maximum(h, 0.0)
    p_out[...] = jnp.dot(h, w2n[...], preferred_element_type=jnp.float32)
    s_out[...] = (jnp.dot(h, w2s[...], preferred_element_type=jnp.float32)
                  + b2[...])
    inv_out[...] = inv


def _tc2_body(s, agg2p, inv, out):
    r = s[...] + jnp.sum(agg2p[...], axis=0) * inv[...]
    out[...] = r[:, :N_CLASS]


def kernel(ids, edge_index, emb_table, W1_self, W1_neigh, b1, W2_self,
           W2_neigh, b2):
    del ids
    x = emb_table.astype(jnp.float32)
    ei4 = edge_index.reshape(2, NW, NB, KB)
    eis = ei4[0].reshape(NW, EPW // (GC * KB2), GC * KB2)
    eid = ei4[1].reshape(NW, EPW // (GC * KB2), GC, KB2)

    aggp, degp = _sc_agg(F_IN, True, KB, NB, CHB)(x, ei4)

    w2n_pad = jnp.pad(W2_neigh, ((0, 0), (0, W2P - N_CLASS)))
    w2s_pad = jnp.pad(W2_self, ((0, 0), (0, W2P - N_CLASS)))
    b2_pad = jnp.pad(b2, (0, W2P - N_CLASS)).reshape(1, W2P)
    b1r = b1.reshape(1, HIDDEN)

    grid = (NP // TC_BLK,)
    p, s, inv = pl.pallas_call(
        _tc1_body,
        grid=grid,
        in_specs=[
            pl.BlockSpec((TC_BLK, F_IN), lambda i: (i, 0)),
            pl.BlockSpec((NC, TC_BLK, F_IN), lambda i: (0, i, 0)),
            pl.BlockSpec((NC, TC_BLK, DW), lambda i: (0, i, 0)),
            pl.BlockSpec((F_IN, HIDDEN), lambda i: (0, 0)),
            pl.BlockSpec((F_IN, HIDDEN), lambda i: (0, 0)),
            pl.BlockSpec((1, HIDDEN), lambda i: (0, 0)),
            pl.BlockSpec((HIDDEN, W2P), lambda i: (0, 0)),
            pl.BlockSpec((HIDDEN, W2P), lambda i: (0, 0)),
            pl.BlockSpec((1, W2P), lambda i: (0, 0)),
        ],
        out_specs=[
            pl.BlockSpec((TC_BLK, W2P), lambda i: (i, 0)),
            pl.BlockSpec((TC_BLK, W2P), lambda i: (i, 0)),
            pl.BlockSpec((TC_BLK, 1), lambda i: (i, 0)),
        ],
        out_shape=[
            jax.ShapeDtypeStruct((NP, W2P), jnp.float32),
            jax.ShapeDtypeStruct((NP, W2P), jnp.float32),
            jax.ShapeDtypeStruct((NP, 1), jnp.float32),
        ],
    )(x, aggp, degp, W1_self, W1_neigh, b1r, w2s_pad, w2n_pad, b2_pad)

    agg2p = _sc_agg_l2()(p, eis, eid)

    out = pl.pallas_call(
        _tc2_body,
        grid=grid,
        in_specs=[
            pl.BlockSpec((TC_BLK, W2P), lambda i: (i, 0)),
            pl.BlockSpec((NC, TC_BLK, W2P), lambda i: (0, i, 0)),
            pl.BlockSpec((TC_BLK, 1), lambda i: (i, 0)),
        ],
        out_specs=pl.BlockSpec((TC_BLK, N_CLASS), lambda i: (i, 0)),
        out_shape=jax.ShapeDtypeStruct((N_NODES, N_CLASS), jnp.float32),
    )(s, agg2p, inv)

    return out

# --- scband reference (transcript-rebuilt; emitter-appended) ---
"""Pipeline reference for scband-homo-gnnmodel-51908974739743 (READ-ONLY COPY).

The authoritative reference and input builder live on the scoring server;
editing this copy changes nothing except your own understanding.
"""

import jax, jax.numpy as jnp
import numpy as np

N_NODES = 10000
N_EDGES = 320000
F_IN = 128
HIDDEN = 256
N_CLASS = 47


def setup_inputs(seed: int = 0) -> dict:
    key = jax.random.key(seed)
    ks = jax.random.split(key, 10)
    ids = jnp.arange(N_NODES, dtype=jnp.int32)
    edge_index = jax.random.randint(ks[0], (2, N_EDGES), 0, N_NODES, dtype=jnp.int32)
    emb_table = jax.random.normal(ks[1], (N_NODES, F_IN), dtype=jnp.float32) * 0.1
    W1_self = jax.random.normal(ks[2], (F_IN, HIDDEN), dtype=jnp.float32) * (1.0 / np.sqrt(F_IN))
    W1_neigh = jax.random.normal(ks[3], (F_IN, HIDDEN), dtype=jnp.float32) * (1.0 / np.sqrt(F_IN))
    b1 = jnp.zeros((HIDDEN,), dtype=jnp.float32)
    W2_self = jax.random.normal(ks[4], (HIDDEN, N_CLASS), dtype=jnp.float32) * (1.0 / np.sqrt(HIDDEN))
    W2_neigh = jax.random.normal(ks[5], (HIDDEN, N_CLASS), dtype=jnp.float32) * (1.0 / np.sqrt(HIDDEN))
    b2 = jnp.zeros((N_CLASS,), dtype=jnp.float32)
    return {"ids": ids, "edge_index": edge_index, "emb_table": emb_table,
            "W1_self": W1_self, "W1_neigh": W1_neigh, "b1": b1,
            "W2_self": W2_self, "W2_neigh": W2_neigh, "b2": b2}


def _sage_layer(x, src, dst, W_self, W_neigh, b, num_nodes):
    # SAGEConv with 'mean' aggregator: h = x @ W_self + mean_{src->dst}(x_src) @ W_neigh + b
    msgs = jnp.take(x, src, axis=0)                               # gather (SparseCore)
    agg = jax.ops.segment_sum(msgs, dst, num_segments=num_nodes)  # scatter-add
    deg = jax.ops.segment_sum(jnp.ones((msgs.shape[0],), dtype=x.dtype), dst, num_segments=num_nodes)
    mean = agg / jnp.maximum(deg, 1.0)[:, None]
    return x @ W_self + mean @ W_neigh + b


def reference(ids, edge_index, emb_table, W1_self, W1_neigh, b1, W2_self, W2_neigh, b2):
    # HomoGNNModel.forward (eval mode, 2-layer SAGE 'mean', dropout inactive):
    # 1) gather node features from the (WholeMemory) embedding table
    x = jnp.take(emb_table, ids, axis=0).astype(jnp.float32)
    n = x.shape[0]
    src = edge_index[0]
    dst = edge_index[1]
    # 2) layer 0: SAGE -> relu (F.dropout is identity in eval)
    h = _sage_layer(x, src, dst, W1_self, W1_neigh, b1, n)
    h = jax.nn.relu(h)
    # 3) layer 1 (output layer, class_count outputs, no activation)
    out = _sage_layer(h, src, dst, W2_self, W2_neigh, b2, n)
    return out

if __name__ == "__main__":
    import jax
    _d = setup_inputs()
    print(jax.jit(kernel)(*tuple(_d.values())))

</pallas_src>

<mosaic_0001>
#map = affine_map<(d0, d1) -> (0, 0)>
#map1 = affine_map<(d0, d1) -> (0, 0, 0, 0)>
#map2 = affine_map<(d0, d1) -> (0, 0, 0)>
module attributes {stable_mosaic.version = 14 : i64} {
  func.func @_sc_aggregate(%arg0: i32, %arg1: i32, %arg2: memref<10000x128xf32, #tpu.memory_space<hbm>>, %arg3: memref<2x32x80x125xi32, #tpu.memory_space<hbm>>, %arg4: memref<2x10240x128xf32, #tpu.memory_space<hbm>>, %arg5: memref<2x10240x16xf32, #tpu.memory_space<hbm>>, %arg6: memref<10240x128xf32, #tpu.memory_space<vmem_shared>>, %arg7: memref<10240x16xf32, #tpu.memory_space<vmem_shared>>, %arg8: memref<2x4x125xi32, #tpu.memory_space<vmem>>, %arg9: memref<2x4x125xi32, #tpu.memory_space<vmem>>, %arg10: memref<125x128xf32, #tpu.memory_space<vmem>>, %arg11: memref<125x128xf32, #tpu.memory_space<vmem>>, %arg12: memref<125x16xf32, #tpu.memory_space<vmem>>, %arg13: memref<128x16xf32, #tpu.memory_space<vmem>>, %arg14: memref<!tpu.dma_semaphore, #tpu.memory_space<semaphore_mem>>, %arg15: memref<!tpu.dma_semaphore, #tpu.memory_space<semaphore_mem>>, %arg16: memref<!tpu.dma_semaphore, #tpu.memory_space<semaphore_mem>>, %arg17: memref<!tpu.dma_semaphore, #tpu.memory_space<semaphore_mem>>, %arg18: memref<!tpu.dma_semaphore, #tpu.memory_space<semaphore_mem>>, %arg19: memref<!tpu.dma_semaphore, #tpu.memory_space<semaphore_mem>>) attributes {dimension_semantics = [#tpu.dimension_semantics<core_parallel>, #tpu.dimension_semantics<subcore_parallel>], iteration_bounds = array<i64: 2, 16>, scalar_prefetch = 0 : i64, scratch_operands = 14 : i64, tpu.core_type = #tpu.core_type<sc_vector_subcore>, window_params = [{transform_indices = #map}, {transform_indices = #map1}, {transform_indices = #map2}, {transform_indices = #map2}]} {
    %mul3A = arith.constant 2 : i32
    %mul3A_0 = arith.muli %arg1, %mul3A : i32
    %add3A = arith.addi %mul3A_0, %arg0 : i32
    %broadcast_in_dim3A = arith.constant 0.000000e+00 : f32
    %broadcast_in_dim3A_1 = vector.broadcast %broadcast_in_dim3A : f32 to vector<16xf32>
    %scan3A = arith.constant 0 : i32
    %scan3A_2 = arith.constant 0 : i32
    %scan3A_3 = arith.constant 125 : i32
    %scan3A_4 = arith.addi %scan3A_2, %scan3A_3 : i32
    %scan3A_5 = arith.constant 1 : i32
    scf.for %scan3A_159 = %scan3A_2 to %scan3A_4 step %scan3A_5  : i32 {
      %swap3A = arith.index_cast %scan3A_159 : i32 to index
      %swap3A_160 = arith.constant 0 : index
      %swap3A_161 = tpu.vector_load %arg10[%swap3A, %swap3A_160] {strides = array<i32>} : memref<125x128xf32, #tpu.memory_space<vmem>>, vector<1x16xf32>,
      %swap3A_162 = vector.shape_cast %swap3A_161 : vector<1x16xf32> to vector<16xf32>
      %swap3A_163 = vector.shape_cast %broadcast_in_dim3A_1 : vector<16xf32> to vector<1x16xf32>
      tpu.vector_store %arg10[%swap3A, %swap3A_160], %swap3A_163 {strides = array<i32>} : memref<125x128xf32, #tpu.memory_space<vmem>>, vector<1x16xf32>,
      %swap3A_164 = arith.index_cast %scan3A_159 : i32 to index
      %swap3A_165 = arith.constant 16 : index
      %swap3A_166 = tpu.vector_load %arg10[%swap3A_164, %swap3A_165] {strides = array<i32>} : memref<125x128xf32, #tpu.memory_space<vmem>>, vector<1x16xf32>,
      %swap3A_167 = vector.shape_cast %swap3A_166 : vector<1x16xf32> to vector<16xf32>
      %swap3A_168 = vector.shape_cast %broadcast_in_dim3A_1 : vector<16xf32> to vector<1x16xf32>
      tpu.vector_store %arg10[%swap3A_164, %swap3A_165], %swap3A_168 {strides = array<i32>} : memref<125x128xf32, #tpu.memory_space<vmem>>, vector<1x16xf32>,
      %swap3A_169 = arith.index_cast %scan3A_159 : i32 to index
      %swap3A_170 = arith.constant 32 : index
      %swap3A_171 = tpu.vector_load %arg10[%swap3A_169, %swap3A_170] {strides = array<i32>} : memref<125x128xf32, #tpu.memory_space<vmem>>, vector<1x16xf32>,
      %swap3A_172 = vector.shape_cast %swap3A_171 : vector<1x16xf32> to vector<16xf32>
      %swap3A_173 = vector.shape_cast %broadcast_in_dim3A_1 : vector<16xf32> to vector<1x16xf32>
      tpu.vector_store %arg10[%swap3A_169, %swap3A_170], %swap3A_173 {strides = array<i32>} : memref<125x128xf32, #tpu.memory_space<vmem>>, vector<1x16xf32>,
      %swap3A_174 = arith.index_cast %scan3A_159 : i32 to index
      %swap3A_175 = arith.constant 48 : index
      %swap3A_176 = tpu.vector_load %arg10[%swap3A_174, %swap3A_175] {strides = array<i32>} : memref<125x128xf32, #tpu.memory_space<vmem>>, vector<1x16xf32>,
      %swap3A_177 = vector.shape_cast %swap3A_176 : vector<1x16xf32> to vector<16xf32>
      %swap3A_178 = vector.shape_cast %broadcast_in_dim3A_1 : vector<16xf32> to vector<1x16xf32>
      tpu.vector_store %arg10[%swap3A_174, %swap3A_175], %swap3A_178 {strides = array<i32>} : memref<125x128xf32, #tpu.memory_space<vmem>>, vector<1x16xf32>,
      %swap3A_179 = arith.index_cast %scan3A_159 : i32 to index
      %swap3A_180 = arith.constant 64 : index
      %swap3A_181 = tpu.vector_load %arg10[%swap3A_179, %swap3A_180] {strides = array<i32>} : memref<125x128xf32, #tpu.memory_space<vmem>>, vector<1x16xf32>,
      %swap3A_182 = vector.shape_cast %swap3A_181 : vector<1x16xf32> to vector<16xf32>
      %swap3A_183 = vector.shape_cast %broadcast_in_dim3A_1 : vector<16xf32> to vector<1x16xf32>
      tpu.vector_store %arg10[%swap3A_179, %swap3A_180], %swap3A_183 {strides = array<i32>} : memref<125x128xf32, #tpu.memory_space<vmem>>, vector<1x16xf32>,
      %swap3A_184 = arith.index_cast %scan3A_159 : i32 to index
      %swap3A_185 = arith.constant 80 : index
      %swap3A_186 = tpu.vector_load %arg10[%swap3A_184, %swap3A_185] {strides = array<i32>} : memref<125x128xf32, #tpu.memory_space<vmem>>, vector<1x16xf32>,
      %swap3A_187 = vector.shape_cast %swap3A_186 : vector<1x16xf32> to vector<16xf32>
      %swap3A_188 = vector.shape_cast %broadcast_in_dim3A_1 : vector<16xf32> to vector<1x16xf32>
      tpu.vector_store %arg10[%swap3A_184, %swap3A_185], %swap3A_188 {strides = array<i32>} : memref<125x128xf32, #tpu.memory_space<vmem>>, vector<1x16xf32>,
      %swap3A_189 = arith.index_cast %scan3A_159 : i32 to index
      %swap3A_190 = arith.constant 96 : index
      %swap3A_191 = tpu.vector_load %arg10[%swap3A_189, %swap3A_190] {strides = array<i32>} : memref<125x128xf32, #tpu.memory_space<vmem>>, vector<1x16xf32>,
      %swap3A_192 = vector.shape_cast %swap3A_191 : vector<1x16xf32> to vector<16xf32>
      %swap3A_193 = vector.shape_cast %broadcast_in_dim3A_1 : vector<16xf32> to vector<1x16xf32>
      tpu.vector_store %arg10[%swap3A_189, %swap3A_190], %swap3A_193 {strides = array<i32>} : memref<125x128xf32, #tpu.memory_space<vmem>>, vector<1x16xf32>,
      %swap3A_194 = arith.index_cast %scan3A_159 : i32 to index
      %swap3A_195 = arith.constant 112 : index
      %swap3A_196 = tpu.vector_load %arg10[%swap3A_194, %swap3A_195] {strides = array<i32>} : memref<125x128xf32, #tpu.memory_space<vmem>>, vector<1x16xf32>,
      %swap3A_197 = vector.shape_cast %swap3A_196 : vector<1x16xf32> to vector<16xf32>
      %swap3A_198 = vector.shape_cast %broadcast_in_dim3A_1 : vector<16xf32> to vector<1x16xf32>
      tpu.vector_store %arg10[%swap3A_194, %swap3A_195], %swap3A_198 {strides = array<i32>} : memref<125x128xf32, #tpu.memory_space<vmem>>, vector<1x16xf32>,
    }
    %scan3A_6 = arith.constant 125 : i32
    %broadcast_in_dim3A_7 = arith.constant 1.000000e+00 : f32
    %broadcast_in_dim3A_8 = vector.broadcast %broadcast_in_dim3A_7 : f32 to vector<16xf32>
    %scan3A_9 = arith.constant 0 : i32
    %scan3A_10 = arith.constant 0 : i32
    %scan3A_11 = arith.constant 125 : i32
    %scan3A_12 = arith.addi %scan3A_10, %scan3A_11 : i32
    %scan3A_13 = arith.constant 1 : i32
    scf.for %scan3A_159 = %scan3A_10 to %scan3A_12 step %scan3A_13  : i32 {
      %swap3A = arith.index_cast %scan3A_159 : i32 to index
      %swap3A_160 = arith.constant 0 : index
      %swap3A_161 = tpu.vector_load %arg12[%swap3A, %swap3A_160] {strides = array<i32>} : memref<125x16xf32, #tpu.memory_space<vmem>>, vector<1x16xf32>,
      %swap3A_162 = vector.shape_cast %swap3A_161 : vector<1x16xf32> to vector<16xf32>
      %swap3A_163 = vector.shape_cast %broadcast_in_dim3A_8 : vector<16xf32> to vector<1x16xf32>
      tpu.vector_store %arg12[%swap3A, %swap3A_160], %swap3A_163 {strides = array<i32>} : memref<125x16xf32, #tpu.memory_space<vmem>>, vector<1x16xf32>,
      %swap3A_164 = arith.index_cast %scan3A_159 : i32 to index
      %swap3A_165 = arith.constant 0 : index
      %swap3A_166 = tpu.vector_load %arg13[%swap3A_164, %swap3A_165] {strides = array<i32>} : memref<128x16xf32, #tpu.memory_space<vmem>>, vector<1x16xf32>,
      %swap3A_167 = vector.shape_cast %swap3A_166 : vector<1x16xf32> to vector<16xf32>
      %swap3A_168 = vector.shape_cast %broadcast_in_dim3A_1 : vector<16xf32> to vector<1x16xf32>
      tpu.vector_store %arg13[%swap3A_164, %swap3A_165], %swap3A_168 {strides = array<i32>} : memref<128x16xf32, #tpu.memory_space<vmem>>, vector<1x16xf32>,
    }
    %scan3A_14 = arith.constant 125 : i32
    %scan3A_15 = arith.constant 0 : i32
    %scan3A_16 = arith.constant 125 : i32
    %scan3A_17 = arith.constant 3 : i32
    %scan3A_18 = arith.addi %scan3A_16, %scan3A_17 : i32
    %scan3A_19 = arith.constant 1 : i32
    scf.for %scan3A_159 = %scan3A_16 to %scan3A_18 step %scan3A_19  : i32 {
      %swap3A = arith.index_cast %scan3A_159 : i32 to index
      %swap3A_160 = arith.constant 0 : index
      %swap3A_161 = tpu.vector_load %arg13[%swap3A, %swap3A_160] {strides = array<i32>} : memref<128x16xf32, #tpu.memory_space<vmem>>, vector<1x16xf32>,
      %swap3A_162 = vector.shape_cast %swap3A_161 : vector<1x16xf32> to vector<16xf32>
      %swap3A_163 = vector.shape_cast %broadcast_in_dim3A_1 : vector<16xf32> to vector<1x16xf32>
      tpu.vector_store %arg13[%swap3A, %swap3A_160], %swap3A_163 {strides = array<i32>} : memref<128x16xf32, #tpu.memory_space<vmem>>, vector<1x16xf32>,
    }
    %scan3A_20 = arith.constant 3 : i32
    %mul3A_21 = arith.constant 640 : i32
    %mul3A_22 = arith.muli %arg1, %mul3A_21 : i32
    %add3A_23 = arith.constant 0 : i32
    %add3A_24 = arith.addi %mul3A_22, %add3A_23 : i32
    "tpu.region"() ({
      %run_scoped3A_159 = tpu.sem_alloc : memref<!tpu.dma_semaphore, #tpu.memory_space<semaphore_mem>>
      %dma_start3A_160 = arith.constant 0 : i32
      %dma_start3A_161 = tpu.memref_slice %arg6[%add3A_24, %dma_start3A_160] : memref<10240x128xf32, #tpu.memory_space<vmem_shared>> -> memref<125x128xf32, #tpu.memory_space<vmem_shared>>
      %dma_start3A_162 = arith.constant 0 : i32
      %dma_start3A_163 = tpu.memref_slice %arg6[%add3A_24, %dma_start3A_162] : memref<10240x128xf32, #tpu.memory_space<vmem_shared>> -> memref<125x128xf32, #tpu.memory_space<vmem_shared>>
      tpu.enqueue_dma source(%arg10 : memref<125x128xf32, #tpu.memory_space<vmem>>) target(%dma_start3A_163 : memref<125x128xf32, #tpu.memory_space<vmem_shared>>) target_semaphore(%run_scoped3A_159 : memref<!tpu.dma_semaphore, #tpu.memory_space<semaphore_mem>>)
      %dma_wait3A_164 = arith.constant 0 : i32
      %dma_wait3A_165 = tpu.memref_slice %arg6[%add3A_24, %dma_wait3A_164] : memref<10240x128xf32, #tpu.memory_space<vmem_shared>> -> memref<125x128xf32, #tpu.memory_space<vmem_shared>>
      %dma_wait3A_166 = arith.constant 0 : i32
      %dma_wait3A_167 = tpu.memref_slice %arg6[%add3A_24, %dma_wait3A_166] : memref<10240x128xf32, #tpu.memory_space<vmem_shared>> -> memref<125x128xf32, #tpu.memory_space<vmem_shared>>
      tpu.wait_dma2 semaphore(%run_scoped3A_159 : memref<!tpu.dma_semaphore, #tpu.memory_space<semaphore_mem>>) src(%arg10 : memref<125x128xf32, #tpu.memory_space<vmem>>) dst(%dma_wait3A_167 : memref<125x128xf32, #tpu.memory_space<vmem_shared>>)
      tpu.yield
    }) : () -> ()
    %add3A_25 = arith.constant 125 : i32
    %add3A_26 = arith.addi %mul3A_22, %add3A_25 : i32
    "tpu.region"() ({
      %run_scoped3A_159 = tpu.sem_alloc : memref<!tpu.dma_semaphore, #tpu.memory_space<semaphore_mem>>
      %dma_start3A_160 = arith.constant 0 : i32
      %dma_start3A_161 = tpu.memref_slice %arg6[%add3A_26, %dma_start3A_160] : memref<10240x128xf32, #tpu.memory_space<vmem_shared>> -> memref<125x128xf32, #tpu.memory_space<vmem_shared>>
      %dma_start3A_162 = arith.constant 0 : i32
      %dma_start3A_163 = tpu.memref_slice %arg6[%add3A_26, %dma_start3A_162] : memref<10240x128xf32, #tpu.memory_space<vmem_shared>> -> memref<125x128xf32, #tpu.memory_space<vmem_shared>>
      tpu.enqueue_dma source(%arg10 : memref<125x128xf32, #tpu.memory_space<vmem>>) target(%dma_start3A_163 : memref<125x128xf32, #tpu.memory_space<vmem_shared>>) target_semaphore(%run_scoped3A_159 : memref<!tpu.dma_semaphore, #tpu.memory_space<semaphore_mem>>)
      %dma_wait3A_164 = arith.constant 0 : i32
      %dma_wait3A_165 = tpu.memref_slice %arg6[%add3A_26, %dma_wait3A_164] : memref<10240x128xf32, #tpu.memory_space<vmem_shared>> -> memref<125x128xf32, #tpu.memory_space<vmem_shared>>
      %dma_wait3A_166 = arith.constant 0 : i32
      %dma_wait3A_167 = tpu.memref_slice %arg6[%add3A_26, %dma_wait3A_166] : memref<10240x128xf32, #tpu.memory_space<vmem_shared>> -> memref<125x128xf32, #tpu.memory_space<vmem_shared>>
      tpu.wait_dma2 semaphore(%run_scoped3A_159 : memref<!tpu.dma_semaphore, #tpu.memory_space<semaphore_mem>>) src(%arg10 : memref<125x128xf32, #tpu.memory_space<vmem>>) dst(%dma_wait3A_167 : memref<125x128xf32, #tpu.memory_space<vmem_shared>>)
      tpu.yield
    }) : () -> ()
    %add3A_27 = arith.constant 250 : i32
    %add3A_28 = arith.addi %mul3A_22, %add3A_27 : i32
    "tpu.region"() ({
      %run_scoped3A_159 = tpu.sem_alloc : memref<!tpu.dma_semaphore, #tpu.memory_space<semaphore_mem>>
      %dma_start3A_160 = arith.constant 0 : i32
      %dma_start3A_161 = tpu.memref_slice %arg6[%add3A_28, %dma_start3A_160] : memref<10240x128xf32, #tpu.memory_space<vmem_shared>> -> memref<125x128xf32, #tpu.memory_space<vmem_shared>>
      %dma_start3A_162 = arith.constant 0 : i32
      %dma_start3A_163 = tpu.memref_slice %arg6[%add3A_28, %dma_start3A_162] : memref<10240x128xf32, #tpu.memory_space<vmem_shared>> -> memref<125x128xf32, #tpu.memory_space<vmem_shared>>
      tpu.enqueue_dma source(%arg10 : memref<125x128xf32, #tpu.memory_space<vmem>>) target(%dma_start3A_163 : memref<125x128xf32, #tpu.memory_space<vmem_shared>>) target_semaphore(%run_scoped3A_159 : memref<!tpu.dma_semaphore, #tpu.memory_space<semaphore_mem>>)
      %dma_wait3A_164 = arith.constant 0 : i32
      %dma_wait3A_165 = tpu.memref_slice %arg6[%add3A_28, %dma_wait3A_164] : memref<10240x128xf32, #tpu.memory_space<vmem_shared>> -> memref<125x128xf32, #tpu.memory_space<vmem_shared>>
      %dma_wait3A_166 = arith.constant 0 : i32
      %dma_wait3A_167 = tpu.memref_slice %arg6[%add3A_28, %dma_wait3A_166] : memref<10240x128xf32, #tpu.memory_space<vmem_shared>> -> memref<125x128xf32, #tpu.memory_space<vmem_shared>>
      tpu.wait_dma2 semaphore(%run_scoped3A_159 : memref<!tpu.dma_semaphore, #tpu.memory_space<semaphore_mem>>) src(%arg10 : memref<125x128xf32, #tpu.memory_space<vmem>>) dst(%dma_wait3A_167 : memref<125x128xf32, #tpu.memory_space<vmem_shared>>)
      tpu.yield
    }) : () -> ()
    %add3A_29 = arith.constant 375 : i32
    %add3A_30 = arith.addi %mul3A_22, %add3A_29 : i32
    "tpu.region"() ({
      %run_scoped3A_159 = tpu.sem_alloc : memref<!tpu.dma_semaphore, #tpu.memory_space<semaphore_mem>>
      %dma_start3A_160 = arith.constant 0 : i32
      %dma_start3A_161 = tpu.memref_slice %arg6[%add3A_30, %dma_start3A_160] : memref<10240x128xf32, #tpu.memory_space<vmem_shared>> -> memref<125x128xf32, #tpu.memory_space<vmem_shared>>
      %dma_start3A_162 = arith.constant 0 : i32
      %dma_start3A_163 = tpu.memref_slice %arg6[%add3A_30, %dma_start3A_162] : memref<10240x128xf32, #tpu.memory_space<vmem_shared>> -> memref<125x128xf32, #tpu.memory_space<vmem_shared>>
      tpu.enqueue_dma source(%arg10 : memref<125x128xf32, #tpu.memory_space<vmem>>) target(%dma_start3A_163 : memref<125x128xf32, #tpu.memory_space<vmem_shared>>) target_semaphore(%run_scoped3A_159 : memref<!tpu.dma_semaphore, #tpu.memory_space<semaphore_mem>>)
      %dma_wait3A_164 = arith.constant 0 : i32
      %dma_wait3A_165 = tpu.memref_slice %arg6[%add3A_30, %dma_wait3A_164] : memref<10240x128xf32, #tpu.memory_space<vmem_shared>> -> memref<125x128xf32, #tpu.memory_space<vmem_shared>>
      %dma_wait3A_166 = arith.constant 0 : i32
      %dma_wait3A_167 = tpu.memref_slice %arg6[%add3A_30, %dma_wait3A_166] : memref<10240x128xf32, #tpu.memory_space<vmem_shared>> -> memref<125x128xf32, #tpu.memory_space<vmem_shared>>
      tpu.wait_dma2 semaphore(%run_scoped3A_159 : memref<!tpu.dma_semaphore, #tpu.memory_space<semaphore_mem>>) src(%arg10 : memref<125x128xf32, #tpu.memory_space<vmem>>) dst(%dma_wait3A_167 : memref<125x128xf32, #tpu.memory_space<vmem_shared>>)
      tpu.yield
    }) : () -> ()
    %add3A_31 = arith.constant 500 : i32
    %add3A_32 = arith.addi %mul3A_22, %add3A_31 : i32
    "tpu.region"() ({
      %run_scoped3A_159 = tpu.sem_alloc : memref<!tpu.dma_semaphore, #tpu.memory_space<semaphore_mem>>
      %dma_start3A_160 = arith.constant 0 : i32
      %dma_start3A_161 = tpu.memref_slice %arg6[%add3A_32, %dma_start3A_160] : memref<10240x128xf32, #tpu.memory_space<vmem_shared>> -> memref<125x128xf32, #tpu.memory_space<vmem_shared>>
      %dma_start3A_162 = arith.constant 0 : i32
      %dma_start3A_163 = tpu.memref_slice %arg6[%add3A_32, %dma_start3A_162] : memref<10240x128xf32, #tpu.memory_space<vmem_shared>> -> memref<125x128xf32, #tpu.memory_space<vmem_shared>>
      tpu.enqueue_dma source(%arg10 : memref<125x128xf32, #tpu.memory_space<vmem>>) target(%dma_start3A_163 : memref<125x128xf32, #tpu.memory_space<vmem_shared>>) target_semaphore(%run_scoped3A_159 : memref<!tpu.dma_semaphore, #tpu.memory_space<semaphore_mem>>)
      %dma_wait3A_164 = arith.constant 0 : i32
      %dma_wait3A_165 = tpu.memref_slice %arg6[%add3A_32, %dma_wait3A_164] : memref<10240x128xf32, #tpu.memory_space<vmem_shared>> -> memref<125x128xf32, #tpu.memory_space<vmem_shared>>
      %dma_wait3A_166 = arith.constant 0 : i32
      %dma_wait3A_167 = tpu.memref_slice %arg6[%add3A_32, %dma_wait3A_166] : memref<10240x128xf32, #tpu.memory_space<vmem_shared>> -> memref<125x128xf32, #tpu.memory_space<vmem_shared>>
      tpu.wait_dma2 semaphore(%run_scoped3A_159 : memref<!tpu.dma_semaphore, #tpu.memory_space<semaphore_mem>>) src(%arg10 : memref<125x128xf32, #tpu.memory_space<vmem>>) dst(%dma_wait3A_167 : memref<125x128xf32, #tpu.memory_space<vmem_shared>>)
      tpu.yield
    }) : () -> ()
    %add3A_33 = arith.constant 625 : i32
    %add3A_34 = arith.addi %mul3A_22, %add3A_33 : i32
    "tpu.region"() ({
      %run_scoped3A_159 = tpu.sem_alloc : memref<!tpu.dma_semaphore, #tpu.memory_space<semaphore_mem>>
      %dma_start3A_160 = arith.constant 0 : i32
      %dma_start3A_161 = arith.constant 0 : i32
      %dma_start3A_162 = tpu.memref_slice %arg10[%dma_start3A_160, %dma_start3A_161] : memref<125x128xf32, #tpu.memory_space<vmem>> -> memref<15x128xf32, #tpu.memory_space<vmem>>
      %dma_start3A_163 = arith.constant 0 : i32
      %dma_start3A_164 = tpu.memref_slice %arg6[%add3A_34, %dma_start3A_163] : memref<10240x128xf32, #tpu.memory_space<vmem_shared>> -> memref<15x128xf32, #tpu.memory_space<vmem_shared>>
      %dma_start3A_165 = arith.constant 0 : i32
      %dma_start3A_166 = tpu.memref_slice %arg6[%add3A_34, %dma_start3A_165] : memref<10240x128xf32, #tpu.memory_space<vmem_shared>> -> memref<15x128xf32, #tpu.memory_space<vmem_shared>>
      %dma_start3A_167 = arith.constant 0 : i32
      %dma_start3A_168 = arith.constant 0 : i32
      %dma_start3A_169 = tpu.memref_slice %arg10[%dma_start3A_167, %dma_start3A_168] : memref<125x128xf32, #tpu.memory_space<vmem>> -> memref<15x128xf32, #tpu.memory_space<vmem>>
      tpu.enqueue_dma source(%dma_start3A_169 : memref<15x128xf32, #tpu.memory_space<vmem>>) target(%dma_start3A_166 : memref<15x128xf32, #tpu.memory_space<vmem_shared>>) target_semaphore(%run_scoped3A_159 : memref<!tpu.dma_semaphore, #tpu.memory_space<semaphore_mem>>)
      %dma_wait3A_170 = arith.constant 0 : i32
      %dma_wait3A_171 = arith.constant 0 : i32
      %dma_wait3A_172 = tpu.memref_slice %arg10[%dma_wait3A_170, %dma_wait3A_171] : memref<125x128xf32, #tpu.memory_space<vmem>> -> memref<15x128xf32, #tpu.memory_space<vmem>>
      %dma_wait3A_173 = arith.constant 0 : i32
      %dma_wait3A_174 = tpu.memref_slice %arg6[%add3A_34, %dma_wait3A_173] : memref<10240x128xf32, #tpu.memory_space<vmem_shared>> -> memref<15x128xf32, #tpu.memory_space<vmem_shared>>
      %dma_wait3A_175 = arith.constant 0 : i32
      %dma_wait3A_176 = tpu.memref_slice %arg6[%add3A_34, %dma_wait3A_175] : memref<10240x128xf32, #tpu.memory_space<vmem_shared>> -> memref<15x128xf32, #tpu.memory_space<vmem_shared>>
      %dma_wait3A_177 = arith.constant 0 : i32
      %dma_wait3A_178 = arith.constant 0 : i32
      %dma_wait3A_179 = tpu.memref_slice %arg10[%dma_wait3A_177, %dma_wait3A_178] : memref<125x128xf32, #tpu.memory_space<vmem>> -> memref<15x128xf32, #tpu.memory_space<vmem>>
      tpu.wait_dma2 semaphore(%run_scoped3A_159 : memref<!tpu.dma_semaphore, #tpu.memory_space<semaphore_mem>>) src(%dma_wait3A_179 : memref<15x128xf32, #tpu.memory_space<vmem>>) dst(%dma_wait3A_176 : memref<15x128xf32, #tpu.memory_space<vmem_shared>>)
      tpu.yield
    }) : () -> ()
    %add3A_35 = arith.constant 0 : i32
    %add3A_36 = arith.addi %mul3A_22, %add3A_35 : i32
    "tpu.region"() ({
      %run_scoped3A_159 = tpu.sem_alloc : memref<!tpu.dma_semaphore, #tpu.memory_space<semaphore_mem>>
      %dma_start3A_160 = arith.constant 0 : i32
      %dma_start3A_161 = tpu.memref_slice %arg7[%add3A_36, %dma_start3A_160] : memref<10240x16xf32, #tpu.memory_space<vmem_shared>> -> memref<128x16xf32, #tpu.memory_space<vmem_shared>>
      %dma_start3A_162 = arith.constant 0 : i32
      %dma_start3A_163 = tpu.memref_slice %arg7[%add3A_36, %dma_start3A_162] : memref<10240x16xf32, #tpu.memory_space<vmem_shared>> -> memref<128x16xf32, #tpu.memory_space<vmem_shared>>
      tpu.enqueue_dma source(%arg13 : memref<128x16xf32, #tpu.memory_space<vmem>>) target(%dma_start3A_163 : memref<128x16xf32, #tpu.memory_space<vmem_shared>>) target_semaphore(%run_scoped3A_159 : memref<!tpu.dma_semaphore, #tpu.memory_space<semaphore_mem>>)
      %dma_wait3A_164 = arith.constant 0 : i32
      %dma_wait3A_165 = tpu.memref_slice %arg7[%add3A_36, %dma_wait3A_164] : memref<10240x16xf32, #tpu.memory_space<vmem_shared>> -> memref<128x16xf32, #tpu.memory_space<vmem_shared>>
      %dma_wait3A_166 = arith.constant 0 : i32
      %dma_wait3A_167 = tpu.memref_slice %arg7[%add3A_36, %dma_wait3A_166] : memref<10240x16xf32, #tpu.memory_space<vmem_shared>> -> memref<128x16xf32, #tpu.memory_space<vmem_shared>>
      tpu.wait_dma2 semaphore(%run_scoped3A_159 : memref<!tpu.dma_semaphore, #tpu.memory_space<semaphore_mem>>) src(%arg13 : memref<128x16xf32, #tpu.memory_space<vmem>>) dst(%dma_wait3A_167 : memref<128x16xf32, #tpu.memory_space<vmem_shared>>)
      tpu.yield
    }) : () -> ()
    %add3A_37 = arith.constant 128 : i32
    %add3A_38 = arith.addi %mul3A_22, %add3A_37 : i32
    "tpu.region"() ({
      %run_scoped3A_159 = tpu.sem_alloc : memref<!tpu.dma_semaphore, #tpu.memory_space<semaphore_mem>>
      %dma_start3A_160 = arith.constant 0 : i32
      %dma_start3A_161 = tpu.memref_slice %arg7[%add3A_38, %dma_start3A_160] : memref<10240x16xf32, #tpu.memory_space<vmem_shared>> -> memref<128x16xf32, #tpu.memory_space<vmem_shared>>
      %dma_start3A_162 = arith.constant 0 : i32
      %dma_start3A_163 = tpu.memref_slice %arg7[%add3A_38, %dma_start3A_162] : memref<10240x16xf32, #tpu.memory_space<vmem_shared>> -> memref<128x16xf32, #tpu.memory_space<vmem_shared>>
      tpu.enqueue_dma source(%arg13 : memref<128x16xf32, #tpu.memory_space<vmem>>) target(%dma_start3A_163 : memref<128x16xf32, #tpu.memory_space<vmem_shared>>) target_semaphore(%run_scoped3A_159 : memref<!tpu.dma_semaphore, #tpu.memory_space<semaphore_mem>>)
      %dma_wait3A_164 = arith.constant 0 : i32
      %dma_wait3A_165 = tpu.memref_slice %arg7[%add3A_38, %dma_wait3A_164] : memref<10240x16xf32, #tpu.memory_space<vmem_shared>> -> memref<128x16xf32, #tpu.memory_space<vmem_shared>>
      %dma_wait3A_166 = arith.constant 0 : i32
      %dma_wait3A_167 = tpu.memref_slice %arg7[%add3A_38, %dma_wait3A_166] : memref<10240x16xf32, #tpu.memory_space<vmem_shared>> -> memref<128x16xf32, #tpu.memory_space<vmem_shared>>
      tpu.wait_dma2 semaphore(%run_scoped3A_159 : memref<!tpu.dma_semaphore, #tpu.memory_space<semaphore_mem>>) src(%arg13 : memref<128x16xf32, #tpu.memory_space<vmem>>) dst(%dma_wait3A_167 : memref<128x16xf32, #tpu.memory_space<vmem_shared>>)
      tpu.yield
    }) : () -> ()
    %add3A_39 = arith.constant 256 : i32
    %add3A_40 = arith.addi %mul3A_22, %add3A_39 : i32
    "tpu.region"() ({
      %run_scoped3A_159 = tpu.sem_alloc : memref<!tpu.dma_semaphore, #tpu.memory_space<semaphore_mem>>
      %dma_start3A_160 = arith.constant 0 : i32
      %dma_start3A_161 = tpu.memref_slice %arg7[%add3A_40, %dma_start3A_160] : memref<10240x16xf32, #tpu.memory_space<vmem_shared>> -> memref<128x16xf32, #tpu.memory_space<vmem_shared>>
      %dma_start3A_162 = arith.constant 0 : i32
      %dma_start3A_163 = tpu.memref_slice %arg7[%add3A_40, %dma_start3A_162] : memref<10240x16xf32, #tpu.memory_space<vmem_shared>> -> memref<128x16xf32, #tpu.memory_space<vmem_shared>>
      tpu.enqueue_dma source(%arg13 : memref<128x16xf32, #tpu.memory_space<vmem>>) target(%dma_start3A_163 : memref<128x16xf32, #tpu.memory_space<vmem_shared>>) target_semaphore(%run_scoped3A_159 : memref<!tpu.dma_semaphore, #tpu.memory_space<semaphore_mem>>)
      %dma_wait3A_164 = arith.constant 0 : i32
      %dma_wait3A_165 = tpu.memref_slice %arg7[%add3A_40, %dma_wait3A_164] : memref<10240x16xf32, #tpu.memory_space<vmem_shared>> -> memref<128x16xf32, #tpu.memory_space<vmem_shared>>
      %dma_wait3A_166 = arith.constant 0 : i32
      %dma_wait3A_167 = tpu.memref_slice %arg7[%add3A_40, %dma_wait3A_166] : memref<10240x16xf32, #tpu.memory_space<vmem_shared>> -> memref<128x16xf32, #tpu.memory_space<vmem_shared>>
      tpu.wait_dma2 semaphore(%run_scoped3A_159 : memref<!tpu.dma_semaphore, #tpu.memory_space<semaphore_mem>>) src(%arg13 : memref<128x16xf32, #tpu.memory_space<vmem>>) dst(%dma_wait3A_167 : memref<128x16xf32, #tpu.memory_space<vmem_shared>>)
      tpu.yield
    }) : () -> ()
    %add3A_41 = arith.constant 384 : i32
    %add3A_42 = arith.addi %mul3A_22, %add3A_41 : i32
    "tpu.region"() ({
      %run_scoped3A_159 = tpu.sem_alloc : memref<!tpu.dma_semaphore, #tpu.memory_space<semaphore_mem>>
      %dma_start3A_160 = arith.constant 0 : i32
      %dma_start3A_161 = tpu.memref_slice %arg7[%add3A_42, %dma_start3A_160] : memref<10240x16xf32, #tpu.memory_space<vmem_shared>> -> memref<128x16xf32, #tpu.memory_space<vmem_shared>>
      %dma_start3A_162 = arith.constant 0 : i32
      %dma_start3A_163 = tpu.memref_slice %arg7[%add3A_42, %dma_start3A_162] : memref<10240x16xf32, #tpu.memory_space<vmem_shared>> -> memref<128x16xf32, #tpu.memory_space<vmem_shared>>
      tpu.enqueue_dma source(%arg13 : memref<128x16xf32, #tpu.memory_space<vmem>>) target(%dma_start3A_163 : memref<128x16xf32, #tpu.memory_space<vmem_shared>>) target_semaphore(%run_scoped3A_159 : memref<!tpu.dma_semaphore, #tpu.memory_space<semaphore_mem>>)
      %dma_wait3A_164 = arith.constant 0 : i32
      %dma_wait3A_165 = tpu.memref_slice %arg7[%add3A_42, %dma_wait3A_164] : memref<10240x16xf32, #tpu.memory_space<vmem_shared>> -> memref<128x16xf32, #tpu.memory_space<vmem_shared>>
      %dma_wait3A_166 = arith.constant 0 : i32
      %dma_wait3A_167 = tpu.memref_slice %arg7[%add3A_42, %dma_wait3A_166] : memref<10240x16xf32, #tpu.memory_space<vmem_shared>> -> memref<128x16xf32, #tpu.memory_space<vmem_shared>>
      tpu.wait_dma2 semaphore(%run_scoped3A_159 : memref<!tpu.dma_semaphore, #tpu.memory_space<semaphore_mem>>) src(%arg13 : memref<128x16xf32, #tpu.memory_space<vmem>>) dst(%dma_wait3A_167 : memref<128x16xf32, #tpu.memory_space<vmem_shared>>)
      tpu.yield
    }) : () -> ()
    %add3A_43 = arith.constant 512 : i32
    %add3A_44 = arith.addi %mul3A_22, %add3A_43 : i32
    "tpu.region"() ({
      %run_scoped3A_159 = tpu.sem_alloc : memref<!tpu.dma_semaphore, #tpu.memory_space<semaphore_mem>>
      %dma_start3A_160 = arith.constant 0 : i32
      %dma_start3A_161 = tpu.memref_slice %arg7[%add3A_44, %dma_start3A_160] : memref<10240x16xf32, #tpu.memory_space<vmem_shared>> -> memref<128x16xf32, #tpu.memory_space<vmem_shared>>
      %dma_start3A_162 = arith.constant 0 : i32
      %dma_start3A_163 = tpu.memref_slice %arg7[%add3A_44, %dma_start3A_162] : memref<10240x16xf32, #tpu.memory_space<vmem_shared>> -> memref<128x16xf32, #tpu.memory_space<vmem_shared>>
      tpu.enqueue_dma source(%arg13 : memref<128x16xf32, #tpu.memory_space<vmem>>) target(%dma_start3A_163 : memref<128x16xf32, #tpu.memory_space<vmem_shared>>) target_semaphore(%run_scoped3A_159 : memref<!tpu.dma_semaphore, #tpu.memory_space<semaphore_mem>>)
      %dma_wait3A_164 = arith.constant 0 : i32
      %dma_wait3A_165 = tpu.memref_slice %arg7[%add3A_44, %dma_wait3A_164] : memref<10240x16xf32, #tpu.memory_space<vmem_shared>> -> memref<128x16xf32, #tpu.memory_space<vmem_shared>>
      %dma_wait3A_166 = arith.constant 0 : i32
      %dma_wait3A_167 = tpu.memref_slice %arg7[%add3A_44, %dma_wait3A_166] : memref<10240x16xf32, #tpu.memory_space<vmem_shared>> -> memref<128x16xf32, #tpu.memory_space<vmem_shared>>
      tpu.wait_dma2 semaphore(%run_scoped3A_159 : memref<!tpu.dma_semaphore, #tpu.memory_space<semaphore_mem>>) src(%arg13 : memref<128x16xf32, #tpu.memory_space<vmem>>) dst(%dma_wait3A_167 : memref<128x16xf32, #tpu.memory_space<vmem_shared>>)
      tpu.yield
    }) : () -> ()
    %barrier3A = arith.constant 0 : index
    tpu.barrier barrier_id(%barrier3A)
    %run_scoped3A = arith.constant 0 : i32
    %run_scoped3A_45 = arith.constant 0 : i32
    "tpu.region"() ({
      %run_scoped3A_159 = tpu.sem_alloc : memref<!tpu.dma_semaphore, #tpu.memory_space<semaphore_mem>>
      %dma_start3A_160 = arith.constant 0 : i32
      %dma_start3A_161 = arith.constant 0 : i32
      %dma_start3A_162 = tpu.memref_slice %arg8[%run_scoped3A_45, %dma_start3A_160, %dma_start3A_161] : memref<2x4x125xi32, #tpu.memory_space<vmem>> -> memref<1x4x125xi32, #tpu.memory_space<vmem>>
      %dma_start3A_163 = tpu.memref_squeeze %dma_start3A_162 : memref<1x4x125xi32, #tpu.memory_space<vmem>> -> memref<4x125xi32, #tpu.memory_space<vmem>>
      %dma_start3A_164 = arith.constant 0 : i32
      %dma_start3A_165 = arith.constant 0 : i32
      %dma_start3A_166 = tpu.memref_slice %arg3[%run_scoped3A, %add3A, %dma_start3A_164, %dma_start3A_165] : memref<2x32x80x125xi32, #tpu.memory_space<hbm>> -> memref<1x1x4x125xi32, #tpu.memory_space<hbm>>
      %dma_start3A_167 = tpu.memref_squeeze %dma_start3A_166 : memref<1x1x4x125xi32, #tpu.memory_space<hbm>> -> memref<4x125xi32, #tpu.memory_space<hbm>>
      %dma_start3A_168 = arith.constant 0 : i32
      %dma_start3A_169 = arith.constant 0 : i32
      %dma_start3A_170 = tpu.memref_slice %arg8[%run_scoped3A_45, %dma_start3A_168, %dma_start3A_169] : memref<2x4x125xi32, #tpu.memory_space<vmem>> -> memref<1x4x125xi32, #tpu.memory_space<vmem>>
      %dma_start3A_171 = tpu.memref_squeeze %dma_start3A_170 : memref<1x4x125xi32, #tpu.memory_space<vmem>> -> memref<4x125xi32, #tpu.memory_space<vmem>>
      %dma_start3A_172 = arith.constant 0 : i32
      %dma_start3A_173 = arith.constant 0 : i32
      %dma_start3A_174 = tpu.memref_slice %arg3[%run_scoped3A, %add3A, %dma_start3A_172, %dma_start3A_173] : memref<2x32x80x125xi32, #tpu.memory_space<hbm>> -> memref<1x1x4x125xi32, #tpu.memory_space<hbm>>
      %dma_start3A_175 = tpu.memref_squeeze %dma_start3A_174 : memref<1x1x4x125xi32, #tpu.memory_space<hbm>> -> memref<4x125xi32, #tpu.memory_space<hbm>>
      tpu.enqueue_dma source(%dma_start3A_175 : memref<4x125xi32, #tpu.memory_space<hbm>>) target(%dma_start3A_171 : memref<4x125xi32, #tpu.memory_space<vmem>>) target_semaphore(%run_scoped3A_159 : memref<!tpu.dma_semaphore, #tpu.memory_space<semaphore_mem>>)
      %dma_wait3A_176 = arith.constant 0 : i32
      %dma_wait3A_177 = arith.constant 0 : i32
      %dma_wait3A_178 = tpu.memref_slice %arg8[%run_scoped3A_45, %dma_wait3A_176, %dma_wait3A_177] : memref<2x4x125xi32, #tpu.memory_space<vmem>> -> memref<1x4x125xi32, #tpu.memory_space<vmem>>
      %dma_wait3A_179 = tpu.memref_squeeze %dma_wait3A_178 : memref<1x4x125xi32, #tpu.memory_space<vmem>> -> memref<4x125xi32, #tpu.memory_space<vmem>>
      %dma_wait3A_180 = arith.constant 0 : i32
      %dma_wait3A_181 = arith.constant 0 : i32
      %dma_wait3A_182 = tpu.memref_slice %arg3[%run_scoped3A, %add3A, %dma_wait3A_180, %dma_wait3A_181] : memref<2x32x80x125xi32, #tpu.memory_space<hbm>> -> memref<1x1x4x125xi32, #tpu.memory_space<hbm>>
      %dma_wait3A_183 = tpu.memref_squeeze %dma_wait3A_182 : memref<1x1x4x125xi32, #tpu.memory_space<hbm>> -> memref<4x125xi32, #tpu.memory_space<hbm>>
      %dma_wait3A_184 = arith.constant 0 : i32
      %dma_wait3A_185 = arith.constant 0 : i32
      %dma_wait3A_186 = tpu.memref_slice %arg8[%run_scoped3A_45, %dma_wait3A_184, %dma_wait3A_185] : memref<2x4x125xi32, #tpu.memory_space<vmem>> -> memref<1x4x125xi32, #tpu.memory_space<vmem>>
      %dma_wait3A_187 = tpu.memref_squeeze %dma_wait3A_186 : memref<1x4x125xi32, #tpu.memory_space<vmem>> -> memref<4x125xi32, #tpu.memory_space<vmem>>
      %dma_wait3A_188 = arith.constant 0 : i32
      %dma_wait3A_189 = arith.constant 0 : i32
      %dma_wait3A_190 = tpu.memref_slice %arg3[%run_scoped3A, %add3A, %dma_wait3A_188, %dma_wait3A_189] : memref<2x32x80x125xi32, #tpu.memory_space<hbm>> -> memref<1x1x4x125xi32, #tpu.memory_space<hbm>>
      %dma_wait3A_191 = tpu.memref_squeeze %dma_wait3A_190 : memref<1x1x4x125xi32, #tpu.memory_space<hbm>> -> memref<4x125xi32, #tpu.memory_space<hbm>>
      tpu.wait_dma2 semaphore(%run_scoped3A_159 : memref<!tpu.dma_semaphore, #tpu.memory_space<semaphore_mem>>) src(%dma_wait3A_191 : memref<4x125xi32, #tpu.memory_space<hbm>>) dst(%dma_wait3A_187 : memref<4x125xi32, #tpu.memory_space<vmem>>)
      tpu.yield
    }) : () -> ()
    %run_scoped3A_46 = arith.constant 1 : i32
    %run_scoped3A_47 = arith.constant 0 : i32
    "tpu.region"() ({
      %run_scoped3A_159 = tpu.sem_alloc : memref<!tpu.dma_semaphore, #tpu.memory_space<semaphore_mem>>
      %dma_start3A_160 = arith.constant 0 : i32
      %dma_start3A_161 = arith.constant 0 : i32
      %dma_start3A_162 = tpu.memref_slice %arg9[%run_scoped3A_47, %dma_start3A_160, %dma_start3A_161] : memref<2x4x125xi32, #tpu.memory_space<vmem>> -> memref<1x4x125xi32, #tpu.memory_space<vmem>>
      %dma_start3A_163 = tpu.memref_squeeze %dma_start3A_162 : memref<1x4x125xi32, #tpu.memory_space<vmem>> -> memref<4x125xi32, #tpu.memory_space<vmem>>
      %dma_start3A_164 = arith.constant 0 : i32
      %dma_start3A_165 = arith.constant 0 : i32
      %dma_start3A_166 = tpu.memref_slice %arg3[%run_scoped3A_46, %add3A, %dma_start3A_164, %dma_start3A_165] : memref<2x32x80x125xi32, #tpu.memory_space<hbm>> -> memref<1x1x4x125xi32, #tpu.memory_space<hbm>>
      %dma_start3A_167 = tpu.memref_squeeze %dma_start3A_166 : memref<1x1x4x125xi32, #tpu.memory_space<hbm>> -> memref<4x125xi32, #tpu.memory_space<hbm>>
      %dma_start3A_168 = arith.constant 0 : i32
      %dma_start3A_169 = arith.constant 0 : i32
      %dma_start3A_170 = tpu.memref_slice %arg9[%run_scoped3A_47, %dma_start3A_168, %dma_start3A_169] : memref<2x4x125xi32, #tpu.memory_space<vmem>> -> memref<1x4x125xi32, #tpu.memory_space<vmem>>
      %dma_start3A_171 = tpu.memref_squeeze %dma_start3A_170 : memref<1x4x125xi32, #tpu.memory_space<vmem>> -> memref<4x125xi32, #tpu.memory_space<vmem>>
      %dma_start3A_172 = arith.constant 0 : i32
      %dma_start3A_173 = arith.constant 0 : i32
      %dma_start3A_174 = tpu.memref_slice %arg3[%run_scoped3A_46, %add3A, %dma_start3A_172, %dma_start3A_173] : memref<2x32x80x125xi32, #tpu.memory_space<hbm>> -> memref<1x1x4x125xi32, #tpu.memory_space<hbm>>
      %dma_start3A_175 = tpu.memref_squeeze %dma_start3A_174 : memref<1x1x4x125xi32, #tpu.memory_space<hbm>> -> memref<4x125xi32, #tpu.memory_space<hbm>>
      tpu.enqueue_dma source(%dma_start3A_175 : memref<4x125xi32, #tpu.memory_space<hbm>>) target(%dma_start3A_171 : memref<4x125xi32, #tpu.memory_space<vmem>>) target_semaphore(%run_scoped3A_159 : memref<!tpu.dma_semaphore, #tpu.memory_space<semaphore_mem>>)
      %dma_wait3A_176 = arith.constant 0 : i32
      %dma_wait3A_177 = arith.constant 0 : i32
      %dma_wait3A_178 = tpu.memref_slice %arg9[%run_scoped3A_47, %dma_wait3A_176, %dma_wait3A_177] : memref<2x4x125xi32, #tpu.memory_space<vmem>> -> memref<1x4x125xi32, #tpu.memory_space<vmem>>
      %dma_wait3A_179 = tpu.memref_squeeze %dma_wait3A_178 : memref<1x4x125xi32, #tpu.memory_space<vmem>> -> memref<4x125xi32, #tpu.memory_space<vmem>>
      %dma_wait3A_180 = arith.constant 0 : i32
      %dma_wait3A_181 = arith.constant 0 : i32
      %dma_wait3A_182 = tpu.memref_slice %arg3[%run_scoped3A_46, %add3A, %dma_wait3A_180, %dma_wait3A_181] : memref<2x32x80x125xi32, #tpu.memory_space<hbm>> -> memref<1x1x4x125xi32, #tpu.memory_space<hbm>>
      %dma_wait3A_183 = tpu.memref_squeeze %dma_wait3A_182 : memref<1x1x4x125xi32, #tpu.memory_space<hbm>> -> memref<4x125xi32, #tpu.memory_space<hbm>>
      %dma_wait3A_184 = arith.constant 0 : i32
      %dma_wait3A_185 = arith.constant 0 : i32
      %dma_wait3A_186 = tpu.memref_slice %arg9[%run_scoped3A_47, %dma_wait3A_184, %dma_wait3A_185] : memref<2x4x125xi32, #tpu.memory_space<vmem>> -> memref<1x4x125xi32, #tpu.memory_space<vmem>>
      %dma_wait3A_187 = tpu.memref_squeeze %dma_wait3A_186 : memref<1x4x125xi32, #tpu.memory_space<vmem>> -> memref<4x125xi32, #tpu.memory_space<vmem>>
      %dma_wait3A_188 = arith.constant 0 : i32
      %dma_wait3A_189 = arith.constant 0 : i32
      %dma_wait3A_190 = tpu.memref_slice %arg3[%run_scoped3A_46, %add3A, %dma_wait3A_188, %dma_wait3A_189] : memref<2x32x80x125xi32, #tpu.memory_space<hbm>> -> memref<1x1x4x125xi32, #tpu.memory_space<hbm>>
      %dma_wait3A_191 = tpu.memref_squeeze %dma_wait3A_190 : memref<1x1x4x125xi32, #tpu.memory_space<hbm>> -> memref<4x125xi32, #tpu.memory_space<hbm>>
      tpu.wait_dma2 semaphore(%run_scoped3A_159 : memref<!tpu.dma_semaphore, #tpu.memory_space<semaphore_mem>>) src(%dma_wait3A_191 : memref<4x125xi32, #tpu.memory_space<hbm>>) dst(%dma_wait3A_187 : memref<4x125xi32, #tpu.memory_space<vmem>>)
      tpu.yield
    }) : () -> ()
    %dma_start3A = arith.constant 0 : i32
    %dma_start3A_48 = arith.constant 1 : i32
    %dma_start3A_49 = arith.constant 0 : i32
    %dma_start3A_50 = arith.constant 0 : i32
    %dma_start3A_51 = tpu.memref_slice %arg8[%dma_start3A_48, %dma_start3A_49, %dma_start3A_50] : memref<2x4x125xi32, #tpu.memory_space<vmem>> -> memref<1x4x125xi32, #tpu.memory_space<vmem>>
    %dma_start3A_52 = tpu.memref_squeeze %dma_start3A_51 : memref<1x4x125xi32, #tpu.memory_space<vmem>> -> memref<4x125xi32, #tpu.memory_space<vmem>>
    %dma_start3A_53 = arith.constant 4 : i32
    %dma_start3A_54 = arith.constant 0 : i32
    %dma_start3A_55 = tpu.memref_slice %arg3[%dma_start3A, %add3A, %dma_start3A_53, %dma_start3A_54] : memref<2x32x80x125xi32, #tpu.memory_space<hbm>> -> memref<1x1x4x125xi32, #tpu.memory_space<hbm>>
    %dma_start3A_56 = tpu.memref_squeeze %dma_start3A_55 : memref<1x1x4x125xi32, #tpu.memory_space<hbm>> -> memref<4x125xi32, #tpu.memory_space<hbm>>
    %dma_start3A_57 = arith.constant 0 : i32
    %dma_start3A_58 = arith.constant 0 : i32
    %dma_start3A_59 = tpu.memref_slice %arg8[%dma_start3A_48, %dma_start3A_57, %dma_start3A_58] : memref<2x4x125xi32, #tpu.memory_space<vmem>> -> memref<1x4x125xi32, #tpu.memory_space<vmem>>
    %dma_start3A_60 = tpu.memref_squeeze %dma_start3A_59 : memref<1x4x125xi32, #tpu.memory_space<vmem>> -> memref<4x125xi32, #tpu.memory_space<vmem>>
    %dma_start3A_61 = arith.constant 4 : i32
    %dma_start3A_62 = arith.constant 0 : i32
    %dma_start3A_63 = tpu.memref_slice %arg3[%dma_start3A, %add3A, %dma_start3A_61, %dma_start3A_62] : memref<2x32x80x125xi32, #tpu.memory_space<hbm>> -> memref<1x1x4x125xi32, #tpu.memory_space<hbm>>
    %dma_start3A_64 = tpu.memref_squeeze %dma_start3A_63 : memref<1x1x4x125xi32, #tpu.memory_space<hbm>> -> memref<4x125xi32, #tpu.memory_space<hbm>>
    tpu.enqueue_dma source(%dma_start3A_64 : memref<4x125xi32, #tpu.memory_space<hbm>>) target(%dma_start3A_60 : memref<4x125xi32, #tpu.memory_space<vmem>>) target_semaphore(%arg19 : memref<!tpu.dma_semaphore, #tpu.memory_space<semaphore_mem>>)
    %dma_start3A_65 = arith.constant 1 : i32
    %dma_start3A_66 = arith.constant 1 : i32
    %dma_start3A_67 = arith.constant 0 : i32
    %dma_start3A_68 = arith.constant 0 : i32
    %dma_start3A_69 = tpu.memref_slice %arg9[%dma_start3A_66, %dma_start3A_67, %dma_start3A_68] : memref<2x4x125xi32, #tpu.memory_space<vmem>> -> memref<1x4x125xi32, #tpu.memory_space<vmem>>
    %dma_start3A_70 = tpu.memref_squeeze %dma_start3A_69 : memref<1x4x125xi32, #tpu.memory_space<vmem>> -> memref<4x125xi32, #tpu.memory_space<vmem>>
    %dma_start3A_71 = arith.constant 4 : i32
    %dma_start3A_72 = arith.constant 0 : i32
    %dma_start3A_73 = tpu.memref_slice %arg3[%dma_start3A_65, %add3A, %dma_start3A_71, %dma_start3A_72] : memref<2x32x80x125xi32, #tpu.memory_space<hbm>> -> memref<1x1x4x125xi32, #tpu.memory_space<hbm>>
    %dma_start3A_74 = tpu.memref_squeeze %dma_start3A_73 : memref<1x1x4x125xi32, #tpu.memory_space<hbm>> -> memref<4x125xi32, #tpu.memory_space<hbm>>
    %dma_start3A_75 = arith.constant 0 : i32
    %dma_start3A_76 = arith.constant 0 : i32
    %dma_start3A_77 = tpu.memref_slice %arg9[%dma_start3A_66, %dma_start3A_75, %dma_start3A_76] : memref<2x4x125xi32, #tpu.memory_space<vmem>> -> memref<1x4x125xi32, #tpu.memory_space<vmem>>
    %dma_start3A_78 = tpu.memref_squeeze %dma_start3A_77 : memref<1x4x125xi32, #tpu.memory_space<vmem>> -> memref<4x125xi32, #tpu.memory_space<vmem>>
    %dma_start3A_79 = arith.constant 4 : i32
    %dma_start3A_80 = arith.constant 0 : i32
    %dma_start3A_81 = tpu.memref_slice %arg3[%dma_start3A_65, %add3A, %dma_start3A_79, %dma_start3A_80] : memref<2x32x80x125xi32, #tpu.memory_space<hbm>> -> memref<1x1x4x125xi32, #tpu.memory_space<hbm>>
    %dma_start3A_82 = tpu.memref_squeeze %dma_start3A_81 : memref<1x1x4x125xi32, #tpu.memory_space<hbm>> -> memref<4x125xi32, #tpu.memory_space<hbm>>
    tpu.enqueue_dma source(%dma_start3A_82 : memref<4x125xi32, #tpu.memory_space<hbm>>) target(%dma_start3A_78 : memref<4x125xi32, #tpu.memory_space<vmem>>) target_semaphore(%arg19 : memref<!tpu.dma_semaphore, #tpu.memory_space<semaphore_mem>>)
    %dma_start3A_83 = arith.constant 0 : i32
    %dma_start3A_84 = arith.constant 0 : i32
    %dma_start3A_85 = arith.constant 0 : i32
    %dma_start3A_86 = tpu.memref_slice %arg8[%dma_start3A_83, %dma_start3A_84, %dma_start3A_85] : memref<2x4x125xi32, #tpu.memory_space<vmem>> -> memref<1x1x125xi32, #tpu.memory_space<vmem>>
    %dma_start3A_87 = tpu.memref_squeeze %dma_start3A_86 : memref<1x1x125xi32, #tpu.memory_space<vmem>> -> memref<125xi32, #tpu.memory_space<vmem>>
    %dma_start3A_88 = arith.constant 0 : i32
    %dma_start3A_89 = arith.constant 0 : i32
    %dma_start3A_90 = tpu.memref_slice %arg2[%dma_start3A_88, %dma_start3A_89] : memref<10000x128xf32, #tpu.memory_space<hbm>> -> memref<10000x128xf32, #tpu.memory_space<hbm>>
    tpu.enqueue_indirect_dma source(%dma_start3A_90 : memref<10000x128xf32, #tpu.memory_space<hbm>>) target(%arg10 : memref<125x128xf32, #tpu.memory_space<vmem>>) offsets(%dma_start3A_87 : memref<125xi32, #tpu.memory_space<vmem>>) semaphore(%arg14 : memref<!tpu.dma_semaphore, #tpu.memory_space<semaphore_mem>>)
    %dma_start3A_91 = arith.constant 0 : i32
    %dma_start3A_92 = arith.constant 1 : i32
    %dma_start3A_93 = arith.constant 0 : i32
    %dma_start3A_94 = tpu.memref_slice %arg8[%dma_start3A_91, %dma_start3A_92, %dma_start3A_93] : memref<2x4x125xi32, #tpu.memory_space<vmem>> -> memref<1x1x125xi32, #tpu.memory_space<vmem>>
    %dma_start3A_95 = tpu.memref_squeeze %dma_start3A_94 : memref<1x1x125xi32, #tpu.memory_space<vmem>> -> memref<125xi32, #tpu.memory_space<vmem>>
    %dma_start3A_96 = arith.constant 0 : i32
    %dma_start3A_97 = arith.constant 0 : i32
    %dma_start3A_98 = tpu.memref_slice %arg2[%dma_start3A_96, %dma_start3A_97] : memref<10000x128xf32, #tpu.memory_space<hbm>> -> memref<10000x128xf32, #tpu.memory_space<hbm>>
    tpu.enqueue_indirect_dma source(%dma_start3A_98 : memref<10000x128xf32, #tpu.memory_space<hbm>>) target(%arg11 : memref<125x128xf32, #tpu.memory_space<vmem>>) offsets(%dma_start3A_95 : memref<125xi32, #tpu.memory_space<vmem>>) semaphore(%arg15 : memref<!tpu.dma_semaphore, #tpu.memory_space<semaphore_mem>>)
    %scan3A_99 = arith.constant 0 : i32
    %scan3A_100 = arith.constant 0 : i32
    %scan3A_101 = arith.constant 40 : i32
    %scan3A_102 = arith.addi %scan3A_100, %scan3A_101 : i32
    %scan3A_103 = arith.constant 1 : i32
    scf.for %scan3A_159 = %scan3A_100 to %scan3A_102 step %scan3A_103  : i32 {
      %mul3A_160 = arith.constant 2 : i32
      %mul3A_161 = arith.muli %mul3A_160, %scan3A_159 : i32
      %jit3A = arith.constant 4 : i32
      %div3A = arith.divsi %mul3A_161, %jit3A : i32
      %sign3A = arith.constant 0 : i32
      %sign3A_162 = arith.cmpi sgt, %mul3A_161, %sign3A : i32
      %sign3A_163 = arith.extui %sign3A_162 : i1 to i32
      %sign3A_164 = arith.constant 0 : i32
      %sign3A_165 = arith.cmpi slt, %mul3A_161, %sign3A_164 : i32
      %sign3A_166 = arith.extui %sign3A_165 : i1 to i32
      %sign3A_167 = arith.subi %sign3A_163, %sign3A_166 : i32
      %sign3A_168 = arith.constant 0 : i32
      %sign3A_169 = arith.cmpi sgt, %jit3A, %sign3A_168 : i32
      %sign3A_170 = arith.extui %sign3A_169 : i1 to i32
      %sign3A_171 = arith.constant 0 : i32
      %sign3A_172 = arith.cmpi slt, %jit3A, %sign3A_171 : i32
      %sign3A_173 = arith.extui %sign3A_172 : i1 to i32
      %sign3A_174 = arith.subi %sign3A_170, %sign3A_173 : i32
      %ne3A = arith.cmpi ne, %sign3A_167, %sign3A_174 : i32
      %rem3A = arith.remsi %mul3A_161, %jit3A : i32
      %ne3A_175 = arith.constant 0 : i32
      %ne3A_176 = arith.cmpi ne, %rem3A, %ne3A_175 : i32
      %and3A = arith.andi %ne3A, %ne3A_176 : i1
      %sub3A = arith.constant 1 : i32
      %sub3A_177 = arith.subi %div3A, %sub3A : i32
      %select_n3A = arith.select %and3A, %sub3A_177, %div3A : i32
      %and3A_178 = arith.constant 1 : i32
      %and3A_179 = arith.andi %select_n3A, %and3A_178 : i32
      %jit3A_180 = arith.constant 4 : i32
      %eq3A = arith.constant 0 : i32
      %eq3A_181 = arith.cmpi eq, %jit3A_180, %eq3A : i32
      %jit3A_182 = arith.constant 1 : i32
      %select_n3A_183 = arith.select %eq3A_181, %jit3A_182, %jit3A_180 : i32
      %rem3A_184 = arith.remsi %mul3A_161, %select_n3A_183 : i32
      %ne3A_185 = arith.constant 0 : i32
      %ne3A_186 = arith.cmpi ne, %rem3A_184, %ne3A_185 : i32
      %lt3A = arith.constant 0 : i32
      %lt3A_187 = arith.cmpi slt, %rem3A_184, %lt3A : i32
      %lt3A_188 = arith.constant 0 : i32
      %lt3A_189 = arith.cmpi slt, %select_n3A_183, %lt3A_188 : i32
      %ne3A_190 = arith.xori %lt3A_187, %lt3A_189 : i1
      %and3A_191 = arith.andi %ne3A_190, %ne3A_186 : i1
      %add3A_192 = arith.addi %rem3A_184, %select_n3A_183 : i32
      %select_n3A_193 = arith.select %and3A_191, %add3A_192, %rem3A_184 : i32
      %dma_wait3A_194 = arith.constant 0 : i32
      %dma_wait3A_195 = tpu.memref_slice %arg8[%and3A_179, %select_n3A_193, %dma_wait3A_194] : memref<2x4x125xi32, #tpu.memory_space<vmem>> -> memref<1x1x125xi32, #tpu.memory_space<vmem>>
      %dma_wait3A_196 = tpu.memref_squeeze %dma_wait3A_195 : memref<1x1x125xi32, #tpu.memory_space<vmem>> -> memref<125xi32, #tpu.memory_space<vmem>>
      %dma_wait3A_197 = arith.constant 0 : i32
      %dma_wait3A_198 = arith.constant 0 : i32
      %dma_wait3A_199 = tpu.memref_slice %arg2[%dma_wait3A_197, %dma_wait3A_198] : memref<10000x128xf32, #tpu.memory_space<hbm>> -> memref<10000x128xf32, #tpu.memory_space<hbm>>
      tpu.wait_indirect_dma semaphore(%arg14 : memref<!tpu.dma_semaphore, #tpu.memory_space<semaphore_mem>>) src(%dma_wait3A_199 : memref<10000x128xf32, #tpu.memory_space<hbm>>) dst(%arg10 : memref<125x128xf32, #tpu.memory_space<vmem>>)
      %dma_start3A_200 = arith.constant 0 : i32
      %dma_start3A_201 = tpu.memref_slice %arg9[%and3A_179, %select_n3A_193, %dma_start3A_200] : memref<2x4x125xi32, #tpu.memory_space<vmem>> -> memref<1x1x125xi32, #tpu.memory_space<vmem>>
      %dma_start3A_202 = tpu.memref_squeeze %dma_start3A_201 : memref<1x1x125xi32, #tpu.memory_space<vmem>> -> memref<125xi32, #tpu.memory_space<vmem>>
      %dma_start3A_203 = arith.constant 0 : i32
      %dma_start3A_204 = arith.constant 0 : i32
      %dma_start3A_205 = tpu.memref_slice %arg6[%dma_start3A_203, %dma_start3A_204] : memref<10240x128xf32, #tpu.memory_space<vmem_shared>> -> memref<10240x128xf32, #tpu.memory_space<vmem_shared>>
      tpu.enqueue_indirect_dma source(%arg10 : memref<125x128xf32, #tpu.memory_space<vmem>>) target(%dma_start3A_205 : memref<10240x128xf32, #tpu.memory_space<vmem_shared>>) offsets(%dma_start3A_202 : memref<125xi32, #tpu.memory_space<vmem>>) semaphore(%arg16 : memref<!tpu.dma_semaphore, #tpu.memory_space<semaphore_mem>>) {add = true}
      %dma_start3A_206 = arith.constant 0 : i32
      %dma_start3A_207 = tpu.memref_slice %arg9[%and3A_179, %select_n3A_193, %dma_start3A_206] : memref<2x4x125xi32, #tpu.memory_space<vmem>> -> memref<1x1x125xi32, #tpu.memory_space<vmem>>
      %dma_start3A_208 = tpu.memref_squeeze %dma_start3A_207 : memref<1x1x125xi32, #tpu.memory_space<vmem>> -> memref<125xi32, #tpu.memory_space<vmem>>
      %dma_start3A_209 = arith.constant 0 : i32
      %dma_start3A_210 = arith.constant 0 : i32
      %dma_start3A_211 = tpu.memref_slice %arg7[%dma_start3A_209, %dma_start3A_210] : memref<10240x16xf32, #tpu.memory_space<vmem_shared>> -> memref<10240x16xf32, #tpu.memory_space<vmem_shared>>
      tpu.enqueue_indirect_dma source(%arg12 : memref<125x16xf32, #tpu.memory_space<vmem>>) target(%dma_start3A_211 : memref<10240x16xf32, #tpu.memory_space<vmem_shared>>) offsets(%dma_start3A_208 : memref<125xi32, #tpu.memory_space<vmem>>) semaphore(%arg18 : memref<!tpu.dma_semaphore, #tpu.memory_space<semaphore_mem>>) {add = true}
      %add3A_212 = arith.constant 1 : i32
      %add3A_213 = arith.addi %select_n3A_193, %add3A_212 : i32
      %dma_wait3A_214 = arith.constant 0 : i32
      %dma_wait3A_215 = tpu.memref_slice %arg8[%and3A_179, %add3A_213, %dma_wait3A_214] : memref<2x4x125xi32, #tpu.memory_space<vmem>> -> memref<1x1x125xi32, #tpu.memory_space<vmem>>
      %dma_wait3A_216 = tpu.memref_squeeze %dma_wait3A_215 : memref<1x1x125xi32, #tpu.memory_space<vmem>> -> memref<125xi32, #tpu.memory_space<vmem>>
      %dma_wait3A_217 = arith.constant 0 : i32
      %dma_wait3A_218 = arith.constant 0 : i32
      %dma_wait3A_219 = tpu.memref_slice %arg2[%dma_wait3A_217, %dma_wait3A_218] : memref<10000x128xf32, #tpu.memory_space<hbm>> -> memref<10000x128xf32, #tpu.memory_space<hbm>>
      tpu.wait_indirect_dma semaphore(%arg15 : memref<!tpu.dma_semaphore, #tpu.memory_space<semaphore_mem>>) src(%dma_wait3A_219 : memref<10000x128xf32, #tpu.memory_space<hbm>>) dst(%arg11 : memref<125x128xf32, #tpu.memory_space<vmem>>)
      %add3A_220 = arith.constant 1 : i32
      %add3A_221 = arith.addi %select_n3A_193, %add3A_220 : i32
      %dma_start3A_222 = arith.constant 0 : i32
      %dma_start3A_223 = tpu.memref_slice %arg9[%and3A_179, %add3A_221, %dma_start3A_222] : memref<2x4x125xi32, #tpu.memory_space<vmem>> -> memref<1x1x125xi32, #tpu.memory_space<vmem>>
      %dma_start3A_224 = tpu.memref_squeeze %dma_start3A_223 : memref<1x1x125xi32, #tpu.memory_space<vmem>> -> memref<125xi32, #tpu.memory_space<vmem>>
      %dma_start3A_225 = arith.constant 0 : i32
      %dma_start3A_226 = arith.constant 0 : i32
      %dma_start3A_227 = tpu.memref_slice %arg6[%dma_start3A_225, %dma_start3A_226] : memref<10240x128xf32, #tpu.memory_space<vmem_shared>> -> memref<10240x128xf32, #tpu.memory_space<vmem_shared>>
      tpu.enqueue_indirect_dma source(%arg11 : memref<125x128xf32, #tpu.memory_space<vmem>>) target(%dma_start3A_227 : memref<10240x128xf32, #tpu.memory_space<vmem_shared>>) offsets(%dma_start3A_224 : memref<125xi32, #tpu.memory_space<vmem>>) semaphore(%arg17 : memref<!tpu.dma_semaphore, #tpu.memory_space<semaphore_mem>>) {add = true}
      %add3A_228 = arith.constant 1 : i32
      %add3A_229 = arith.addi %select_n3A_193, %add3A_228 : i32
      %dma_start3A_230 = arith.constant 0 : i32
      %dma_start3A_231 = tpu.memref_slice %arg9[%and3A_179, %add3A_229, %dma_start3A_230] : memref<2x4x125xi32, #tpu.memory_space<vmem>> -> memref<1x1x125xi32, #tpu.memory_space<vmem>>
      %dma_start3A_232 = tpu.memref_squeeze %dma_start3A_231 : memref<1x1x125xi32, #tpu.memory_space<vmem>> -> memref<125xi32, #tpu.memory_space<vmem>>
      %dma_start3A_233 = arith.constant 0 : i32
      %dma_start3A_234 = arith.constant 0 : i32
      %dma_start3A_235 = tpu.memref_slice %arg7[%dma_start3A_233, %dma_start3A_234] : memref<10240x16xf32, #tpu.memory_space<vmem_shared>> -> memref<10240x16xf32, #tpu.memory_space<vmem_shared>>
      tpu.enqueue_indirect_dma source(%arg12 : memref<125x16xf32, #tpu.memory_space<vmem>>) target(%dma_start3A_235 : memref<10240x16xf32, #tpu.memory_space<vmem_shared>>) offsets(%dma_start3A_232 : memref<125xi32, #tpu.memory_space<vmem>>) semaphore(%arg18 : memref<!tpu.dma_semaphore, #tpu.memory_space<semaphore_mem>>) {add = true}
      %add3A_236 = arith.constant 2 : i32
      %add3A_237 = arith.addi %mul3A_161, %add3A_236 : i32
      %lt3A_238 = arith.constant 80 : i32
      %lt3A_239 = arith.cmpi slt, %add3A_237, %lt3A_238 : i32
      %convert_element_type3A = arith.extui %lt3A_239 : i1 to i32
      %cond3A = arith.constant 0 : i32
      %cond3A_240 = arith.cmpi ne, %convert_element_type3A, %cond3A : i32
      scf.if %cond3A_240 {
        %add3A_241 = arith.constant 2 : i32
        %add3A_242 = arith.addi %mul3A_161, %add3A_241 : i32
        %jit3A_243 = arith.constant 4 : i32
        %div3A_244 = arith.divsi %add3A_242, %jit3A_243 : i32
        %sign3A_245 = arith.constant 0 : i32
        %sign3A_246 = arith.cmpi sgt, %add3A_242, %sign3A_245 : i32
        %sign3A_247 = arith.extui %sign3A_246 : i1 to i32
        %sign3A_248 = arith.constant 0 : i32
        %sign3A_249 = arith.cmpi slt, %add3A_242, %sign3A_248 : i32
        %sign3A_250 = arith.extui %sign3A_249 : i1 to i32
        %sign3A_251 = arith.subi %sign3A_247, %sign3A_250 : i32
        %sign3A_252 = arith.constant 0 : i32
        %sign3A_253 = arith.cmpi sgt, %jit3A_243, %sign3A_252 : i32
        %sign3A_254 = arith.extui %sign3A_253 : i1 to i32
        %sign3A_255 = arith.constant 0 : i32
        %sign3A_256 = arith.cmpi slt, %jit3A_243, %sign3A_255 : i32
        %sign3A_257 = arith.extui %sign3A_256 : i1 to i32
        %sign3A_258 = arith.subi %sign3A_254, %sign3A_257 : i32
        %ne3A_259 = arith.cmpi ne, %sign3A_251, %sign3A_258 : i32
        %rem3A_260 = arith.remsi %add3A_242, %jit3A_243 : i32
        %ne3A_261 = arith.constant 0 : i32
        %ne3A_262 = arith.cmpi ne, %rem3A_260, %ne3A_261 : i32
        %and3A_263 = arith.andi %ne3A_259, %ne3A_262 : i1
        %sub3A_264 = arith.constant 1 : i32
        %sub3A_265 = arith.subi %div3A_244, %sub3A_264 : i32
        %select_n3A_266 = arith.select %and3A_263, %sub3A_265, %div3A_244 : i32
        %and3A_267 = arith.constant 1 : i32
        %and3A_268 = arith.andi %select_n3A_266, %and3A_267 : i32
        %add3A_269 = arith.constant 2 : i32
        %add3A_270 = arith.addi %mul3A_161, %add3A_269 : i32
        %jit3A_271 = arith.constant 4 : i32
        %eq3A_272 = arith.constant 0 : i32
        %eq3A_273 = arith.cmpi eq, %jit3A_271, %eq3A_272 : i32
        %jit3A_274 = arith.constant 1 : i32
        %select_n3A_275 = arith.select %eq3A_273, %jit3A_274, %jit3A_271 : i32
        %rem3A_276 = arith.remsi %add3A_270, %select_n3A_275 : i32
        %ne3A_277 = arith.constant 0 : i32
        %ne3A_278 = arith.cmpi ne, %rem3A_276, %ne3A_277 : i32
        %lt3A_279 = arith.constant 0 : i32
        %lt3A_280 = arith.cmpi slt, %rem3A_276, %lt3A_279 : i32
        %lt3A_281 = arith.constant 0 : i32
        %lt3A_282 = arith.cmpi slt, %select_n3A_275, %lt3A_281 : i32
        %ne3A_283 = arith.xori %lt3A_280, %lt3A_282 : i1
        %and3A_284 = arith.andi %ne3A_283, %ne3A_278 : i1
        %add3A_285 = arith.addi %rem3A_276, %select_n3A_275 : i32
        %select_n3A_286 = arith.select %and3A_284, %add3A_285, %rem3A_276 : i32
        %jit3A_287 = arith.constant 4 : i32
        %div3A_288 = arith.divsi %mul3A_161, %jit3A_287 : i32
        %sign3A_289 = arith.constant 0 : i32
        %sign3A_290 = arith.cmpi sgt, %mul3A_161, %sign3A_289 : i32
        %sign3A_291 = arith.extui %sign3A_290 : i1 to i32
        %sign3A_292 = arith.constant 0 : i32
        %sign3A_293 = arith.cmpi slt, %mul3A_161, %sign3A_292 : i32
        %sign3A_294 = arith.extui %sign3A_293 : i1 to i32
        %sign3A_295 = arith.subi %sign3A_291, %sign3A_294 : i32
        %sign3A_296 = arith.constant 0 : i32
        %sign3A_297 = arith.cmpi sgt, %jit3A_287, %sign3A_296 : i32
        %sign3A_298 = arith.extui %sign3A_297 : i1 to i32
        %sign3A_299 = arith.constant 0 : i32
        %sign3A_300 = arith.cmpi slt, %jit3A_287, %sign3A_299 : i32
        %sign3A_301 = arith.extui %sign3A_300 : i1 to i32
        %sign3A_302 = arith.subi %sign3A_298, %sign3A_301 : i32
        %ne3A_303 = arith.cmpi ne, %sign3A_295, %sign3A_302 : i32
        %rem3A_304 = arith.remsi %mul3A_161, %jit3A_287 : i32
        %ne3A_305 = arith.constant 0 : i32
        %ne3A_306 = arith.cmpi ne, %rem3A_304, %ne3A_305 : i32
        %and3A_307 = arith.andi %ne3A_303, %ne3A_306 : i1
        %sub3A_308 = arith.constant 1 : i32
        %sub3A_309 = arith.subi %div3A_288, %sub3A_308 : i32
        %select_n3A_310 = arith.select %and3A_307, %sub3A_309, %div3A_288 : i32
        %eq3A_311 = arith.constant 0 : i32
        %eq3A_312 = arith.cmpi eq, %select_n3A_193, %eq3A_311 : i32
        %ge3A = arith.constant 1 : i32
        %ge3A_313 = arith.cmpi sge, %select_n3A_310, %ge3A : i32
        %and3A_314 = arith.andi %eq3A_312, %ge3A_313 : i1
        %add3A_315 = arith.constant 1 : i32
        %add3A_316 = arith.addi %select_n3A_310, %add3A_315 : i32
        %lt3A_317 = arith.constant 20 : i32
        %lt3A_318 = arith.cmpi slt, %add3A_316, %lt3A_317 : i32
        %and3A_319 = arith.andi %and3A_314, %lt3A_318 : i1
        %convert_element_type3A_320 = arith.extui %and3A_319 : i1 to i32
        %cond3A_321 = arith.constant 0 : i32
        %cond3A_322 = arith.cmpi ne, %convert_element_type3A_320, %cond3A_321 : i32
        scf.if %cond3A_322 {
          %add3A_370 = arith.constant 1 : i32
          %add3A_371 = arith.addi %select_n3A_310, %add3A_370 : i32
          %sub3A_372 = arith.constant 1 : i32
          %sub3A_373 = arith.subi %sub3A_372, %and3A_179 : i32
          %mul3A_374 = arith.constant 4 : i32
          %mul3A_375 = arith.muli %add3A_371, %mul3A_374 : i32
          %dma_start3A_376 = arith.constant 0 : i32
          %dma_start3A_377 = arith.constant 0 : i32
          %dma_start3A_378 = arith.constant 0 : i32
          %dma_start3A_379 = tpu.memref_slice %arg8[%sub3A_373, %dma_start3A_377, %dma_start3A_378] : memref<2x4x125xi32, #tpu.memory_space<vmem>> -> memref<1x4x125xi32, #tpu.memory_space<vmem>>
          %dma_start3A_380 = tpu.memref_squeeze %dma_start3A_379 : memref<1x4x125xi32, #tpu.memory_space<vmem>> -> memref<4x125xi32, #tpu.memory_space<vmem>>
          %dma_start3A_381 = arith.constant 0 : i32
          %dma_start3A_382 = tpu.memref_slice %arg3[%dma_start3A_376, %add3A, %mul3A_375, %dma_start3A_381] : memref<2x32x80x125xi32, #tpu.memory_space<hbm>> -> memref<1x1x4x125xi32, #tpu.memory_space<hbm>>
          %dma_start3A_383 = tpu.memref_squeeze %dma_start3A_382 : memref<1x1x4x125xi32, #tpu.memory_space<hbm>> -> memref<4x125xi32, #tpu.memory_space<hbm>>
          %dma_start3A_384 = arith.constant 0 : i32
          %dma_start3A_385 = arith.constant 0 : i32
          %dma_start3A_386 = tpu.memref_slice %arg8[%sub3A_373, %dma_start3A_384, %dma_start3A_385] : memref<2x4x125xi32, #tpu.memory_space<vmem>> -> memref<1x4x125xi32, #tpu.memory_space<vmem>>
          %dma_start3A_387 = tpu.memref_squeeze %dma_start3A_386 : memref<1x4x125xi32, #tpu.memory_space<vmem>> -> memref<4x125xi32, #tpu.memory_space<vmem>>
          %dma_start3A_388 = arith.constant 0 : i32
          %dma_start3A_389 = tpu.memref_slice %arg3[%dma_start3A_376, %add3A, %mul3A_375, %dma_start3A_388] : memref<2x32x80x125xi32, #tpu.memory_space<hbm>> -> memref<1x1x4x125xi32, #tpu.memory_space<hbm>>
          %dma_start3A_390 = tpu.memref_squeeze %dma_start3A_389 : memref<1x1x4x125xi32, #tpu.memory_space<hbm>> -> memref<4x125xi32, #tpu.memory_space<hbm>>
          tpu.enqueue_dma source(%dma_start3A_390 : memref<4x125xi32, #tpu.memory_space<hbm>>) target(%dma_start3A_387 : memref<4x125xi32, #tpu.memory_space<vmem>>) target_semaphore(%arg19 : memref<!tpu.dma_semaphore, #tpu.memory_space<semaphore_mem>>)
          %mul3A_391 = arith.constant 4 : i32
          %mul3A_392 = arith.muli %add3A_371, %mul3A_391 : i32
          %dma_start3A_393 = arith.constant 1 : i32
          %dma_start3A_394 = arith.constant 0 : i32
          %dma_start3A_395 = arith.constant 0 : i32
          %dma_start3A_396 = tpu.memref_slice %arg9[%sub3A_373, %dma_start3A_394, %dma_start3A_395] : memref<2x4x125xi32, #tpu.memory_space<vmem>> -> memref<1x4x125xi32, #tpu.memory_space<vmem>>
          %dma_start3A_397 = tpu.memref_squeeze %dma_start3A_396 : memref<1x4x125xi32, #tpu.memory_space<vmem>> -> memref<4x125xi32, #tpu.memory_space<vmem>>
          %dma_start3A_398 = arith.constant 0 : i32
          %dma_start3A_399 = tpu.memref_slice %arg3[%dma_start3A_393, %add3A, %mul3A_392, %dma_start3A_398] : memref<2x32x80x125xi32, #tpu.memory_space<hbm>> -> memref<1x1x4x125xi32, #tpu.memory_space<hbm>>
          %dma_start3A_400 = tpu.memref_squeeze %dma_start3A_399 : memref<1x1x4x125xi32, #tpu.memory_space<hbm>> -> memref<4x125xi32, #tpu.memory_space<hbm>>
          %dma_start3A_401 = arith.constant 0 : i32
          %dma_start3A_402 = arith.constant 0 : i32
          %dma_start3A_403 = tpu.memref_slice %arg9[%sub3A_373, %dma_start3A_401, %dma_start3A_402] : memref<2x4x125xi32, #tpu.memory_space<vmem>> -> memref<1x4x125xi32, #tpu.memory_space<vmem>>
          %dma_start3A_404 = tpu.memref_squeeze %dma_start3A_403 : memref<1x4x125xi32, #tpu.memory_space<vmem>> -> memref<4x125xi32, #tpu.memory_space<vmem>>
          %dma_start3A_405 = arith.constant 0 : i32
          %dma_start3A_406 = tpu.memref_slice %arg3[%dma_start3A_393, %add3A, %mul3A_392, %dma_start3A_405] : memref<2x32x80x125xi32, #tpu.memory_space<hbm>> -> memref<1x1x4x125xi32, #tpu.memory_space<hbm>>
          %dma_start3A_407 = tpu.memref_squeeze %dma_start3A_406 : memref<1x1x4x125xi32, #tpu.memory_space<hbm>> -> memref<4x125xi32, #tpu.memory_space<hbm>>
          tpu.enqueue_dma source(%dma_start3A_407 : memref<4x125xi32, #tpu.memory_space<hbm>>) target(%dma_start3A_404 : memref<4x125xi32, #tpu.memory_space<vmem>>) target_semaphore(%arg19 : memref<!tpu.dma_semaphore, #tpu.memory_space<semaphore_mem>>)
        } else {
        }
        %eq3A_323 = arith.constant 2 : i32
        %eq3A_324 = arith.cmpi eq, %select_n3A_193, %eq3A_323 : i32
        %convert_element_type3A_325 = arith.extui %eq3A_324 : i1 to i32
        %cond3A_326 = arith.constant 0 : i32
        %cond3A_327 = arith.cmpi ne, %convert_element_type3A_325, %cond3A_326 : i32
        scf.if %cond3A_327 {
          %add3A_370 = arith.constant 2 : i32
          %add3A_371 = arith.addi %mul3A_161, %add3A_370 : i32
          %jit3A_372 = arith.constant 4 : i32
          %div3A_373 = arith.divsi %add3A_371, %jit3A_372 : i32
          %sign3A_374 = arith.constant 0 : i32
          %sign3A_375 = arith.cmpi sgt, %add3A_371, %sign3A_374 : i32
          %sign3A_376 = arith.extui %sign3A_375 : i1 to i32
          %sign3A_377 = arith.constant 0 : i32
          %sign3A_378 = arith.cmpi slt, %add3A_371, %sign3A_377 : i32
          %sign3A_379 = arith.extui %sign3A_378 : i1 to i32
          %sign3A_380 = arith.subi %sign3A_376, %sign3A_379 : i32
          %sign3A_381 = arith.constant 0 : i32
          %sign3A_382 = arith.cmpi sgt, %jit3A_372, %sign3A_381 : i32
          %sign3A_383 = arith.extui %sign3A_382 : i1 to i32
          %sign3A_384 = arith.constant 0 : i32
          %sign3A_385 = arith.cmpi slt, %jit3A_372, %sign3A_384 : i32
          %sign3A_386 = arith.extui %sign3A_385 : i1 to i32
          %sign3A_387 = arith.subi %sign3A_383, %sign3A_386 : i32
          %ne3A_388 = arith.cmpi ne, %sign3A_380, %sign3A_387 : i32
          %rem3A_389 = arith.remsi %add3A_371, %jit3A_372 : i32
          %ne3A_390 = arith.constant 0 : i32
          %ne3A_391 = arith.cmpi ne, %rem3A_389, %ne3A_390 : i32
          %and3A_392 = arith.andi %ne3A_388, %ne3A_391 : i1
          %sub3A_393 = arith.constant 1 : i32
          %sub3A_394 = arith.subi %div3A_373, %sub3A_393 : i32
          %select_n3A_395 = arith.select %and3A_392, %sub3A_394, %div3A_373 : i32
          %mul3A_396 = arith.constant 4 : i32
          %mul3A_397 = arith.muli %select_n3A_395, %mul3A_396 : i32
          %dma_wait3A_398 = arith.constant 0 : i32
          %dma_wait3A_399 = arith.constant 0 : i32
          %dma_wait3A_400 = arith.constant 0 : i32
          %dma_wait3A_401 = tpu.memref_slice %arg8[%and3A_268, %dma_wait3A_399, %dma_wait3A_400] : memref<2x4x125xi32, #tpu.memory_space<vmem>> -> memref<1x4x125xi32, #tpu.memory_space<vmem>>
          %dma_wait3A_402 = tpu.memref_squeeze %dma_wait3A_401 : memref<1x4x125xi32, #tpu.memory_space<vmem>> -> memref<4x125xi32, #tpu.memory_space<vmem>>
          %dma_wait3A_403 = arith.constant 0 : i32
          %dma_wait3A_404 = tpu.memref_slice %arg3[%dma_wait3A_398, %add3A, %mul3A_397, %dma_wait3A_403] : memref<2x32x80x125xi32, #tpu.memory_space<hbm>> -> memref<1x1x4x125xi32, #tpu.memory_space<hbm>>
          %dma_wait3A_405 = tpu.memref_squeeze %dma_wait3A_404 : memref<1x1x4x125xi32, #tpu.memory_space<hbm>> -> memref<4x125xi32, #tpu.memory_space<hbm>>
          %dma_wait3A_406 = arith.constant 0 : i32
          %dma_wait3A_407 = arith.constant 0 : i32
          %dma_wait3A_408 = tpu.memref_slice %arg8[%and3A_268, %dma_wait3A_406, %dma_wait3A_407] : memref<2x4x125xi32, #tpu.memory_space<vmem>> -> memref<1x4x125xi32, #tpu.memory_space<vmem>>
          %dma_wait3A_409 = tpu.memref_squeeze %dma_wait3A_408 : memref<1x4x125xi32, #tpu.memory_space<vmem>> -> memref<4x125xi32, #tpu.memory_space<vmem>>
          %dma_wait3A_410 = arith.constant 0 : i32
          %dma_wait3A_411 = tpu.memref_slice %arg3[%dma_wait3A_398, %add3A, %mul3A_397, %dma_wait3A_410] : memref<2x32x80x125xi32, #tpu.memory_space<hbm>> -> memref<1x1x4x125xi32, #tpu.memory_space<hbm>>
          %dma_wait3A_412 = tpu.memref_squeeze %dma_wait3A_411 : memref<1x1x4x125xi32, #tpu.memory_space<hbm>> -> memref<4x125xi32, #tpu.memory_space<hbm>>
          tpu.wait_dma2 semaphore(%arg19 : memref<!tpu.dma_semaphore, #tpu.memory_space<semaphore_mem>>) src(%dma_wait3A_412 : memref<4x125xi32, #tpu.memory_space<hbm>>) dst(%dma_wait3A_409 : memref<4x125xi32, #tpu.memory_space<vmem>>)
          %mul3A_413 = arith.constant 4 : i32
          %mul3A_414 = arith.muli %select_n3A_395, %mul3A_413 : i32
          %dma_wait3A_415 = arith.constant 1 : i32
          %dma_wait3A_416 = arith.constant 0 : i32
          %dma_wait3A_417 = arith.constant 0 : i32
          %dma_wait3A_418 = tpu.memref_slice %arg9[%and3A_268, %dma_wait3A_416, %dma_wait3A_417] : memref<2x4x125xi32, #tpu.memory_space<vmem>> -> memref<1x4x125xi32, #tpu.memory_space<vmem>>
          %dma_wait3A_419 = tpu.memref_squeeze %dma_wait3A_418 : memref<1x4x125xi32, #tpu.memory_space<vmem>> -> memref<4x125xi32, #tpu.memory_space<vmem>>
          %dma_wait3A_420 = arith.constant 0 : i32
          %dma_wait3A_421 = tpu.memref_slice %arg3[%dma_wait3A_415, %add3A, %mul3A_414, %dma_wait3A_420] : memref<2x32x80x125xi32, #tpu.memory_space<hbm>> -> memref<1x1x4x125xi32, #tpu.memory_space<hbm>>
          %dma_wait3A_422 = tpu.memref_squeeze %dma_wait3A_421 : memref<1x1x4x125xi32, #tpu.memory_space<hbm>> -> memref<4x125xi32, #tpu.memory_space<hbm>>
          %dma_wait3A_423 = arith.constant 0 : i32
          %dma_wait3A_424 = arith.constant 0 : i32
          %dma_wait3A_425 = tpu.memref_slice %arg9[%and3A_268, %dma_wait3A_423, %dma_wait3A_424] : memref<2x4x125xi32, #tpu.memory_space<vmem>> -> memref<1x4x125xi32, #tpu.memory_space<vmem>>
          %dma_wait3A_426 = tpu.memref_squeeze %dma_wait3A_425 : memref<1x4x125xi32, #tpu.memory_space<vmem>> -> memref<4x125xi32, #tpu.memory_space<vmem>>
          %dma_wait3A_427 = arith.constant 0 : i32
          %dma_wait3A_428 = tpu.memref_slice %arg3[%dma_wait3A_415, %add3A, %mul3A_414, %dma_wait3A_427] : memref<2x32x80x125xi32, #tpu.memory_space<hbm>> -> memref<1x1x4x125xi32, #tpu.memory_space<hbm>>
          %dma_wait3A_429 = tpu.memref_squeeze %dma_wait3A_428 : memref<1x1x4x125xi32, #tpu.memory_space<hbm>> -> memref<4x125xi32, #tpu.memory_space<hbm>>
          tpu.wait_dma2 semaphore(%arg19 : memref<!tpu.dma_semaphore, #tpu.memory_space<semaphore_mem>>) src(%dma_wait3A_429 : memref<4x125xi32, #tpu.memory_space<hbm>>) dst(%dma_wait3A_426 : memref<4x125xi32, #tpu.memory_space<vmem>>)
        } else {
        }
        %dma_wait3A_328 = arith.constant 0 : i32
        %dma_wait3A_329 = tpu.memref_slice %arg9[%and3A_179, %select_n3A_193, %dma_wait3A_328] : memref<2x4x125xi32, #tpu.memory_space<vmem>> -> memref<1x1x125xi32, #tpu.memory_space<vmem>>
        %dma_wait3A_330 = tpu.memref_squeeze %dma_wait3A_329 : memref<1x1x125xi32, #tpu.memory_space<vmem>> -> memref<125xi32, #tpu.memory_space<vmem>>
        %dma_wait3A_331 = arith.constant 0 : i32
        %dma_wait3A_332 = arith.constant 0 : i32
        %dma_wait3A_333 = tpu.memref_slice %arg6[%dma_wait3A_331, %dma_wait3A_332] : memref<10240x128xf32, #tpu.memory_space<vmem_shared>> -> memref<10240x128xf32, #tpu.memory_space<vmem_shared>>
        tpu.wait_indirect_dma semaphore(%arg16 : memref<!tpu.dma_semaphore, #tpu.memory_space<semaphore_mem>>) src(%arg10 : memref<125x128xf32, #tpu.memory_space<vmem>>) dst(%dma_wait3A_333 : memref<10240x128xf32, #tpu.memory_space<vmem_shared>>)
        %dma_start3A_334 = arith.constant 0 : i32
        %dma_start3A_335 = tpu.memref_slice %arg8[%and3A_268, %select_n3A_286, %dma_start3A_334] : memref<2x4x125xi32, #tpu.memory_space<vmem>> -> memref<1x1x125xi32, #tpu.memory_space<vmem>>
        %dma_start3A_336 = tpu.memref_squeeze %dma_start3A_335 : memref<1x1x125xi32, #tpu.memory_space<vmem>> -> memref<125xi32, #tpu.memory_space<vmem>>
        %dma_start3A_337 = arith.constant 0 : i32
        %dma_start3A_338 = arith.constant 0 : i32
        %dma_start3A_339 = tpu.memref_slice %arg2[%dma_start3A_337, %dma_start3A_338] : memref<10000x128xf32, #tpu.memory_space<hbm>> -> memref<10000x128xf32, #tpu.memory_space<hbm>>
        tpu.enqueue_indirect_dma source(%dma_start3A_339 : memref<10000x128xf32, #tpu.memory_space<hbm>>) target(%arg10 : memref<125x128xf32, #tpu.memory_space<vmem>>) offsets(%dma_start3A_336 : memref<125xi32, #tpu.memory_space<vmem>>) semaphore(%arg14 : memref<!tpu.dma_semaphore, #tpu.memory_space<semaphore_mem>>)
        %add3A_340 = arith.constant 1 : i32
        %add3A_341 = arith.addi %select_n3A_193, %add3A_340 : i32
        %dma_wait3A_342 = arith.constant 0 : i32
        %dma_wait3A_343 = tpu.memref_slice %arg9[%and3A_179, %add3A_341, %dma_wait3A_342] : memref<2x4x125xi32, #tpu.memory_space<vmem>> -> memref<1x1x125xi32, #tpu.memory_space<vmem>>
        %dma_wait3A_344 = tpu.memref_squeeze %dma_wait3A_343 : memref<1x1x125xi32, #tpu.memory_space<vmem>> -> memref<125xi32, #tpu.memory_space<vmem>>
        %dma_wait3A_345 = arith.constant 0 : i32
        %dma_wait3A_346 = arith.constant 0 : i32
        %dma_wait3A_347 = tpu.memref_slice %arg6[%dma_wait3A_345, %dma_wait3A_346] : memref<10240x128xf32, #tpu.memory_space<vmem_shared>> -> memref<10240x128xf32, #tpu.memory_space<vmem_shared>>
        tpu.wait_indirect_dma semaphore(%arg17 : memref<!tpu.dma_semaphore, #tpu.memory_space<semaphore_mem>>) src(%arg11 : memref<125x128xf32, #tpu.memory_space<vmem>>) dst(%dma_wait3A_347 : memref<10240x128xf32, #tpu.memory_space<vmem_shared>>)
        %add3A_348 = arith.constant 1 : i32
        %add3A_349 = arith.addi %select_n3A_286, %add3A_348 : i32
        %dma_start3A_350 = arith.constant 0 : i32
        %dma_start3A_351 = tpu.memref_slice %arg8[%and3A_268, %add3A_349, %dma_start3A_350] : memref<2x4x125xi32, #tpu.memory_space<vmem>> -> memref<1x1x125xi32, #tpu.memory_space<vmem>>
        %dma_start3A_352 = tpu.memref_squeeze %dma_start3A_351 : memref<1x1x125xi32, #tpu.memory_space<vmem>> -> memref<125xi32, #tpu.memory_space<vmem>>
        %dma_start3A_353 = arith.constant 0 : i32
        %dma_start3A_354 = arith.constant 0 : i32
        %dma_start3A_355 = tpu.memref_slice %arg2[%dma_start3A_353, %dma_start3A_354] : memref<10000x128xf32, #tpu.memory_space<hbm>> -> memref<10000x128xf32, #tpu.memory_space<hbm>>
        tpu.enqueue_indirect_dma source(%dma_start3A_355 : memref<10000x128xf32, #tpu.memory_space<hbm>>) target(%arg11 : memref<125x128xf32, #tpu.memory_space<vmem>>) offsets(%dma_start3A_352 : memref<125xi32, #tpu.memory_space<vmem>>) semaphore(%arg15 : memref<!tpu.dma_semaphore, #tpu.memory_space<semaphore_mem>>)
        %dma_wait3A_356 = arith.constant 0 : i32
        %dma_wait3A_357 = tpu.memref_slice %arg9[%and3A_179, %select_n3A_193, %dma_wait3A_356] : memref<2x4x125xi32, #tpu.memory_space<vmem>> -> memref<1x1x125xi32, #tpu.memory_space<vmem>>
        %dma_wait3A_358 = tpu.memref_squeeze %dma_wait3A_357 : memref<1x1x125xi32, #tpu.memory_space<vmem>> -> memref<125xi32, #tpu.memory_space<vmem>>
        %dma_wait3A_359 = arith.constant 0 : i32
        %dma_wait3A_360 = arith.constant 0 : i32
        %dma_wait3A_361 = tpu.memref_slice %arg7[%dma_wait3A_359, %dma_wait3A_360] : memref<10240x16xf32, #tpu.memory_space<vmem_shared>> -> memref<10240x16xf32, #tpu.memory_space<vmem_shared>>
        tpu.wait_indirect_dma semaphore(%arg18 : memref<!tpu.dma_semaphore, #tpu.memory_space<semaphore_mem>>) src(%arg12 : memref<125x16xf32, #tpu.memory_space<vmem>>) dst(%dma_wait3A_361 : memref<10240x16xf32, #tpu.memory_space<vmem_shared>>)
        %add3A_362 = arith.constant 1 : i32
        %add3A_363 = arith.addi %select_n3A_193, %add3A_362 : i32
        %dma_wait3A_364 = arith.constant 0 : i32
        %dma_wait3A_365 = tpu.memref_slice %arg9[%and3A_179, %add3A_363, %dma_wait3A_364] : memref<2x4x125xi32, #tpu.memory_space<vmem>> -> memref<1x1x125xi32, #tpu.memory_space<vmem>>
        %dma_wait3A_366 = tpu.memref_squeeze %dma_wait3A_365 : memref<1x1x125xi32, #tpu.memory_space<vmem>> -> memref<125xi32, #tpu.memory_space<vmem>>
        %dma_wait3A_367 = arith.constant 0 : i32
        %dma_wait3A_368 = arith.constant 0 : i32
        %dma_wait3A_369 = tpu.memref_slice %arg7[%dma_wait3A_367, %dma_wait3A_368] : memref<10240x16xf32, #tpu.memory_space<vmem_shared>> -> memref<10240x16xf32, #tpu.memory_space<vmem_shared>>
        tpu.wait_indirect_dma semaphore(%arg18 : memref<!tpu.dma_semaphore, #tpu.memory_space<semaphore_mem>>) src(%arg12 : memref<125x16xf32, #tpu.memory_space<vmem>>) dst(%dma_wait3A_369 : memref<10240x16xf32, #tpu.memory_space<vmem_shared>>)
      } else {
      }
    }
    %scan3A_104 = arith.constant 40 : i32
    %dma_wait3A = arith.constant 1 : i32
    %dma_wait3A_105 = arith.constant 2 : i32
    %dma_wait3A_106 = arith.constant 0 : i32
    %dma_wait3A_107 = tpu.memref_slice %arg9[%dma_wait3A, %dma_wait3A_105, %dma_wait3A_106] : memref<2x4x125xi32, #tpu.memory_space<vmem>> -> memref<1x1x125xi32, #tpu.memory_space<vmem>>
    %dma_wait3A_108 = tpu.memref_squeeze %dma_wait3A_107 : memref<1x1x125xi32, #tpu.memory_space<vmem>> -> memref<125xi32, #tpu.memory_space<vmem>>
    %dma_wait3A_109 = arith.constant 0 : i32
    %dma_wait3A_110 = arith.constant 0 : i32
    %dma_wait3A_111 = tpu.memref_slice %arg6[%dma_wait3A_109, %dma_wait3A_110] : memref<10240x128xf32, #tpu.memory_space<vmem_shared>> -> memref<10240x128xf32, #tpu.memory_space<vmem_shared>>
    tpu.wait_indirect_dma semaphore(%arg16 : memref<!tpu.dma_semaphore, #tpu.memory_space<semaphore_mem>>) src(%arg10 : memref<125x128xf32, #tpu.memory_space<vmem>>) dst(%dma_wait3A_111 : memref<10240x128xf32, #tpu.memory_space<vmem_shared>>)
    %dma_wait3A_112 = arith.constant 1 : i32
    %dma_wait3A_113 = arith.constant 3 : i32
    %dma_wait3A_114 = arith.constant 0 : i32
    %dma_wait3A_115 = tpu.memref_slice %arg9[%dma_wait3A_112, %dma_wait3A_113, %dma_wait3A_114] : memref<2x4x125xi32, #tpu.memory_space<vmem>> -> memref<1x1x125xi32, #tpu.memory_space<vmem>>
    %dma_wait3A_116 = tpu.memref_squeeze %dma_wait3A_115 : memref<1x1x125xi32, #tpu.memory_space<vmem>> -> memref<125xi32, #tpu.memory_space<vmem>>
    %dma_wait3A_117 = arith.constant 0 : i32
    %dma_wait3A_118 = arith.constant 0 : i32
    %dma_wait3A_119 = tpu.memref_slice %arg6[%dma_wait3A_117, %dma_wait3A_118] : memref<10240x128xf32, #tpu.memory_space<vmem_shared>> -> memref<10240x128xf32, #tpu.memory_space<vmem_shared>>
    tpu.wait_indirect_dma semaphore(%arg17 : memref<!tpu.dma_semaphore, #tpu.memory_space<semaphore_mem>>) src(%arg11 : memref<125x128xf32, #tpu.memory_space<vmem>>) dst(%dma_wait3A_119 : memref<10240x128xf32, #tpu.memory_space<vmem_shared>>)
    %dma_wait3A_120 = arith.constant 1 : i32
    %dma_wait3A_121 = arith.constant 2 : i32
    %dma_wait3A_122 = arith.constant 0 : i32
    %dma_wait3A_123 = tpu.memref_slice %arg9[%dma_wait3A_120, %dma_wait3A_121, %dma_wait3A_122] : memref<2x4x125xi32, #tpu.memory_space<vmem>> -> memref<1x1x125xi32, #tpu.memory_space<vmem>>
    %dma_wait3A_124 = tpu.memref_squeeze %dma_wait3A_123 : memref<1x1x125xi32, #tpu.memory_space<vmem>> -> memref<125xi32, #tpu.memory_space<vmem>>
    %dma_wait3A_125 = arith.constant 0 : i32
    %dma_wait3A_126 = arith.constant 0 : i32
    %dma_wait3A_127 = tpu.memref_slice %arg7[%dma_wait3A_125, %dma_wait3A_126] : memref<10240x16xf32, #tpu.memory_space<vmem_shared>> -> memref<10240x16xf32, #tpu.memory_space<vmem_shared>>
    tpu.wait_indirect_dma semaphore(%arg18 : memref<!tpu.dma_semaphore, #tpu.memory_space<semaphore_mem>>) src(%arg12 : memref<125x16xf32, #tpu.memory_space<vmem>>) dst(%dma_wait3A_127 : memref<10240x16xf32, #tpu.memory_space<vmem_shared>>)
    %dma_wait3A_128 = arith.constant 1 : i32
    %dma_wait3A_129 = arith.constant 3 : i32
    %dma_wait3A_130 = arith.constant 0 : i32
    %dma_wait3A_131 = tpu.memref_slice %arg9[%dma_wait3A_128, %dma_wait3A_129, %dma_wait3A_130] : memref<2x4x125xi32, #tpu.memory_space<vmem>> -> memref<1x1x125xi32, #tpu.memory_space<vmem>>
    %dma_wait3A_132 = tpu.memref_squeeze %dma_wait3A_131 : memref<1x1x125xi32, #tpu.memory_space<vmem>> -> memref<125xi32, #tpu.memory_space<vmem>>
    %dma_wait3A_133 = arith.constant 0 : i32
    %dma_wait3A_134 = arith.constant 0 : i32
    %dma_wait3A_135 = tpu.memref_slice %arg7[%dma_wait3A_133, %dma_wait3A_134] : memref<10240x16xf32, #tpu.memory_space<vmem_shared>> -> memref<10240x16xf32, #tpu.memory_space<vmem_shared>>
    tpu.wait_indirect_dma semaphore(%arg18 : memref<!tpu.dma_semaphore, #tpu.memory_space<semaphore_mem>>) src(%arg12 : memref<125x16xf32, #tpu.memory_space<vmem>>) dst(%dma_wait3A_135 : memref<10240x16xf32, #tpu.memory_space<vmem_shared>>)
    %barrier3A_136 = arith.constant 0 : index
    tpu.barrier barrier_id(%barrier3A_136)
    %add3A_137 = arith.constant 0 : i32
    %add3A_138 = arith.addi %mul3A_22, %add3A_137 : i32
    "tpu.region"() ({
      %run_scoped3A_159 = tpu.sem_alloc : memref<!tpu.dma_semaphore, #tpu.memory_space<semaphore_mem>>
      %dma_start3A_160 = arith.constant 0 : i32
      %dma_start3A_161 = tpu.memref_slice %arg6[%add3A_138, %dma_start3A_160] : memref<10240x128xf32, #tpu.memory_space<vmem_shared>> -> memref<125x128xf32, #tpu.memory_space<vmem_shared>>
      %dma_start3A_162 = arith.constant 0 : i32
      %dma_start3A_163 = tpu.memref_slice %arg6[%add3A_138, %dma_start3A_162] : memref<10240x128xf32, #tpu.memory_space<vmem_shared>> -> memref<125x128xf32, #tpu.memory_space<vmem_shared>>
      tpu.enqueue_dma source(%dma_start3A_163 : memref<125x128xf32, #tpu.memory_space<vmem_shared>>) target(%arg10 : memref<125x128xf32, #tpu.memory_space<vmem>>) target_semaphore(%run_scoped3A_159 : memref<!tpu.dma_semaphore, #tpu.memory_space<semaphore_mem>>)
      %dma_wait3A_164 = arith.constant 0 : i32
      %dma_wait3A_165 = tpu.memref_slice %arg6[%add3A_138, %dma_wait3A_164] : memref<10240x128xf32, #tpu.memory_space<vmem_shared>> -> memref<125x128xf32, #tpu.memory_space<vmem_shared>>
      %dma_wait3A_166 = arith.constant 0 : i32
      %dma_wait3A_167 = tpu.memref_slice %arg6[%add3A_138, %dma_wait3A_166] : memref<10240x128xf32, #tpu.memory_space<vmem_shared>> -> memref<125x128xf32, #tpu.memory_space<vmem_shared>>
      tpu.wait_dma2 semaphore(%run_scoped3A_159 : memref<!tpu.dma_semaphore, #tpu.memory_space<semaphore_mem>>) src(%dma_wait3A_167 : memref<125x128xf32, #tpu.memory_space<vmem_shared>>) dst(%arg10 : memref<125x128xf32, #tpu.memory_space<vmem>>)
      tpu.yield
    }) : () -> ()
    "tpu.region"() ({
      %run_scoped3A_159 = tpu.sem_alloc : memref<!tpu.dma_semaphore, #tpu.memory_space<semaphore_mem>>
      %dma_start3A_160 = arith.constant 0 : i32
      %dma_start3A_161 = tpu.memref_slice %arg4[%arg0, %add3A_138, %dma_start3A_160] : memref<2x10240x128xf32, #tpu.memory_space<hbm>> -> memref<1x125x128xf32, #tpu.memory_space<hbm>>
      %dma_start3A_162 = tpu.memref_squeeze %dma_start3A_161 : memref<1x125x128xf32, #tpu.memory_space<hbm>> -> memref<125x128xf32, #tpu.memory_space<hbm>>
      %dma_start3A_163 = arith.constant 0 : i32
      %dma_start3A_164 = tpu.memref_slice %arg4[%arg0, %add3A_138, %dma_start3A_163] : memref<2x10240x128xf32, #tpu.memory_space<hbm>> -> memref<1x125x128xf32, #tpu.memory_space<hbm>>
      %dma_start3A_165 = tpu.memref_squeeze %dma_start3A_164 : memref<1x125x128xf32, #tpu.memory_space<hbm>> -> memref<125x128xf32, #tpu.memory_space<hbm>>
      tpu.enqueue_dma source(%arg10 : memref<125x128xf32, #tpu.memory_space<vmem>>) target(%dma_start3A_165 : memref<125x128xf32, #tpu.memory_space<hbm>>) target_semaphore(%run_scoped3A_159 : memref<!tpu.dma_semaphore, #tpu.memory_space<semaphore_mem>>)
      %dma_wait3A_166 = arith.constant 0 : i32
      %dma_wait3A_167 = tpu.memref_slice %arg4[%arg0, %add3A_138, %dma_wait3A_166] : memref<2x10240x128xf32, #tpu.memory_space<hbm>> -> memref<1x125x128xf32, #tpu.memory_space<hbm>>
      %dma_wait3A_168 = tpu.memref_squeeze %dma_wait3A_167 : memref<1x125x128xf32, #tpu.memory_space<hbm>> -> memref<125x128xf32, #tpu.memory_space<hbm>>
      %dma_wait3A_169 = arith.constant 0 : i32
      %dma_wait3A_170 = tpu.memref_slice %arg4[%arg0, %add3A_138, %dma_wait3A_169] : memref<2x10240x128xf32, #tpu.memory_space<hbm>> -> memref<1x125x128xf32, #tpu.memory_space<hbm>>
      %dma_wait3A_171 = tpu.memref_squeeze %dma_wait3A_170 : memref<1x125x128xf32, #tpu.memory_space<hbm>> -> memref<125x128xf32, #tpu.memory_space<hbm>>
      tpu.wait_dma2 semaphore(%run_scoped3A_159 : memref<!tpu.dma_semaphore, #tpu.memory_space<semaphore_mem>>) src(%arg10 : memref<125x128xf32, #tpu.memory_space<vmem>>) dst(%dma_wait3A_171 : memref<125x128xf32, #tpu.memory_space<hbm>>)
      tpu.yield
    }) : () -> ()
    %add3A_139 = arith.constant 125 : i32
    %add3A_140 = arith.addi %mul3A_22, %add3A_139 : i32
    "tpu.region"() ({
      %run_scoped3A_159 = tpu.sem_alloc : memref<!tpu.dma_semaphore, #tpu.memory_space<semaphore_mem>>
      %dma_start3A_160 = arith.constant 0 : i32
      %dma_start3A_161 = tpu.memref_slice %arg6[%add3A_140, %dma_start3A_160] : memref<10240x128xf32, #tpu.memory_space<vmem_shared>> -> memref<125x128xf32, #tpu.memory_space<vmem_shared>>
      %dma_start3A_162 = arith.constant 0 : i32
      %dma_start3A_163 = tpu.memref_slice %arg6[%add3A_140, %dma_start3A_162] : memref<10240x128xf32, #tpu.memory_space<vmem_shared>> -> memref<125x128xf32, #tpu.memory_space<vmem_shared>>
      tpu.enqueue_dma source(%dma_start3A_163 : memref<125x128xf32, #tpu.memory_space<vmem_shared>>) target(%arg10 : memref<125x128xf32, #tpu.memory_space<vmem>>) target_semaphore(%run_scoped3A_159 : memref<!tpu.dma_semaphore, #tpu.memory_space<semaphore_mem>>)
      %dma_wait3A_164 = arith.constant 0 : i32
      %dma_wait3A_165 = tpu.memref_slice %arg6[%add3A_140, %dma_wait3A_164] : memref<10240x128xf32, #tpu.memory_space<vmem_shared>> -> memref<125x128xf32, #tpu.memory_space<vmem_shared>>
      %dma_wait3A_166 = arith.constant 0 : i32
      %dma_wait3A_167 = tpu.memref_slice %arg6[%add3A_140, %dma_wait3A_166] : memref<10240x128xf32, #tpu.memory_space<vmem_shared>> -> memref<125x128xf32, #tpu.memory_space<vmem_shared>>
      tpu.wait_dma2 semaphore(%run_scoped3A_159 : memref<!tpu.dma_semaphore, #tpu.memory_space<semaphore_mem>>) src(%dma_wait3A_167 : memref<125x128xf32, #tpu.memory_space<vmem_shared>>) dst(%arg10 : memref<125x128xf32, #tpu.memory_space<vmem>>)
      tpu.yield
    }) : () -> ()
    "tpu.region"() ({
      %run_scoped3A_159 = tpu.sem_alloc : memref<!tpu.dma_semaphore, #tpu.memory_space<semaphore_mem>>
      %dma_start3A_160 = arith.constant 0 : i32
      %dma_start3A_161 = tpu.memref_slice %arg4[%arg0, %add3A_140, %dma_start3A_160] : memref<2x10240x128xf32, #tpu.memory_space<hbm>> -> memref<1x125x128xf32, #tpu.memory_space<hbm>>
      %dma_start3A_162 = tpu.memref_squeeze %dma_start3A_161 : memref<1x125x128xf32, #tpu.memory_space<hbm>> -> memref<125x128xf32, #tpu.memory_space<hbm>>
      %dma_start3A_163 = arith.constant 0 : i32
      %dma_start3A_164 = tpu.memref_slice %arg4[%arg0, %add3A_140, %dma_start3A_163] : memref<2x10240x128xf32, #tpu.memory_space<hbm>> -> memref<1x125x128xf32, #tpu.memory_space<hbm>>
      %dma_start3A_165 = tpu.memref_squeeze %dma_start3A_164 : memref<1x125x128xf32, #tpu.memory_space<hbm>> -> memref<125x128xf32, #tpu.memory_space<hbm>>
      tpu.enqueue_dma source(%arg10 : memref<125x128xf32, #tpu.memory_space<vmem>>) target(%dma_start3A_165 : memref<125x128xf32, #tpu.memory_space<hbm>>) target_semaphore(%run_scoped3A_159 : memref<!tpu.dma_semaphore, #tpu.memory_space<semaphore_mem>>)
      %dma_wait3A_166 = arith.constant 0 : i32
      %dma_wait3A_167 = tpu.memref_slice %arg4[%arg0, %add3A_140, %dma_wait3A_166] : memref<2x10240x128xf32, #tpu.memory_space<hbm>> -> memref<1x125x128xf32, #tpu.memory_space<hbm>>
      %dma_wait3A_168 = tpu.memref_squeeze %dma_wait3A_167 : memref<1x125x128xf32, #tpu.memory_space<hbm>> -> memref<125x128xf32, #tpu.memory_space<hbm>>
      %dma_wait3A_169 = arith.constant 0 : i32
      %dma_wait3A_170 = tpu.memref_slice %arg4[%arg0, %add3A_140, %dma_wait3A_169] : memref<2x10240x128xf32, #tpu.memory_space<hbm>> -> memref<1x125x128xf32, #tpu.memory_space<hbm>>
      %dma_wait3A_171 = tpu.memref_squeeze %dma_wait3A_170 : memref<1x125x128xf32, #tpu.memory_space<hbm>> -> memref<125x128xf32, #tpu.memory_space<hbm>>
      tpu.wait_dma2 semaphore(%run_scoped3A_159 : memref<!tpu.dma_semaphore, #tpu.memory_space<semaphore_mem>>) src(%arg10 : memref<125x128xf32, #tpu.memory_space<vmem>>) dst(%dma_wait3A_171 : memref<125x128xf32, #tpu.memory_space<hbm>>)
      tpu.yield
    }) : () -> ()
    %add3A_141 = arith.constant 250 : i32
    %add3A_142 = arith.addi %mul3A_22, %add3A_141 : i32
    "tpu.region"() ({
      %run_scoped3A_159 = tpu.sem_alloc : memref<!tpu.dma_semaphore, #tpu.memory_space<semaphore_mem>>
      %dma_start3A_160 = arith.constant 0 : i32
      %dma_start3A_161 = tpu.memref_slice %arg6[%add3A_142, %dma_start3A_160] : memref<10240x128xf32, #tpu.memory_space<vmem_shared>> -> memref<125x128xf32, #tpu.memory_space<vmem_shared>>
      %dma_start3A_162 = arith.constant 0 : i32
      %dma_start3A_163 = tpu.memref_slice %arg6[%add3A_142, %dma_start3A_162] : memref<10240x128xf32, #tpu.memory_space<vmem_shared>> -> memref<125x128xf32, #tpu.memory_space<vmem_shared>>
      tpu.enqueue_dma source(%dma_start3A_163 : memref<125x128xf32, #tpu.memory_space<vmem_shared>>) target(%arg10 : memref<125x128xf32, #tpu.memory_space<vmem>>) target_semaphore(%run_scoped3A_159 : memref<!tpu.dma_semaphore, #tpu.memory_space<semaphore_mem>>)
      %dma_wait3A_164 = arith.constant 0 : i32
      %dma_wait3A_165 = tpu.memref_slice %arg6[%add3A_142, %dma_wait3A_164] : memref<10240x128xf32, #tpu.memory_space<vmem_shared>> -> memref<125x128xf32, #tpu.memory_space<vmem_shared>>
      %dma_wait3A_166 = arith.constant 0 : i32
      %dma_wait3A_167 = tpu.memref_slice %arg6[%add3A_142, %dma_wait3A_166] : memref<10240x128xf32, #tpu.memory_space<vmem_shared>> -> memref<125x128xf32, #tpu.memory_space<vmem_shared>>
      tpu.wait_dma2 semaphore(%run_scoped3A_159 : memref<!tpu.dma_semaphore, #tpu.memory_space<semaphore_mem>>) src(%dma_wait3A_167 : memref<125x128xf32, #tpu.memory_space<vmem_shared>>) dst(%arg10 : memref<125x128xf32, #tpu.memory_space<vmem>>)
      tpu.yield
    }) : () -> ()
    "tpu.region"() ({
      %run_scoped3A_159 = tpu.sem_alloc : memref<!tpu.dma_semaphore, #tpu.memory_space<semaphore_mem>>
      %dma_start3A_160 = arith.constant 0 : i32
      %dma_start3A_161 = tpu.memref_slice %arg4[%arg0, %add3A_142, %dma_start3A_160] : memref<2x10240x128xf32, #tpu.memory_space<hbm>> -> memref<1x125x128xf32, #tpu.memory_space<hbm>>
      %dma_start3A_162 = tpu.memref_squeeze %dma_start3A_161 : memref<1x125x128xf32, #tpu.memory_space<hbm>> -> memref<125x128xf32, #tpu.memory_space<hbm>>
      %dma_start3A_163 = arith.constant 0 : i32
      %dma_start3A_164 = tpu.memref_slice %arg4[%arg0, %add3A_142, %dma_start3A_163] : memref<2x10240x128xf32, #tpu.memory_space<hbm>> -> memref<1x125x128xf32, #tpu.memory_space<hbm>>
      %dma_start3A_165 = tpu.memref_squeeze %dma_start3A_164 : memref<1x125x128xf32, #tpu.memory_space<hbm>> -> memref<125x128xf32, #tpu.memory_space<hbm>>
      tpu.enqueue_dma source(%arg10 : memref<125x128xf32, #tpu.memory_space<vmem>>) target(%dma_start3A_165 : memref<125x128xf32, #tpu.memory_space<hbm>>) target_semaphore(%run_scoped3A_159 : memref<!tpu.dma_semaphore, #tpu.memory_space<semaphore_mem>>)
      %dma_wait3A_166 = arith.constant 0 : i32
      %dma_wait3A_167 = tpu.memref_slice %arg4[%arg0, %add3A_142, %dma_wait3A_166] : memref<2x10240x128xf32, #tpu.memory_space<hbm>> -> memref<1x125x128xf32, #tpu.memory_space<hbm>>
      %dma_wait3A_168 = tpu.memref_squeeze %dma_wait3A_167 : memref<1x125x128xf32, #tpu.memory_space<hbm>> -> memref<125x128xf32, #tpu.memory_space<hbm>>
      %dma_wait3A_169 = arith.constant 0 : i32
      %dma_wait3A_170 = tpu.memref_slice %arg4[%arg0, %add3A_142, %dma_wait3A_169] : memref<2x10240x128xf32, #tpu.memory_space<hbm>> -> memref<1x125x128xf32, #tpu.memory_space<hbm>>
      %dma_wait3A_171 = tpu.memref_squeeze %dma_wait3A_170 : memref<1x125x128xf32, #tpu.memory_space<hbm>> -> memref<125x128xf32, #tpu.memory_space<hbm>>
      tpu.wait_dma2 semaphore(%run_scoped3A_159 : memref<!tpu.dma_semaphore, #tpu.memory_space<semaphore_mem>>) src(%arg10 : memref<125x128xf32, #tpu.memory_space<vmem>>) dst(%dma_wait3A_171 : memref<125x128xf32, #tpu.memory_space<hbm>>)
      tpu.yield
    }) : () -> ()
    %add3A_143 = arith.constant 375 : i32
    %add3A_144 = arith.addi %mul3A_22, %add3A_143 : i32
    "tpu.region"() ({
      %run_scoped3A_159 = tpu.sem_alloc : memref<!tpu.dma_semaphore, #tpu.memory_space<semaphore_mem>>
      %dma_start3A_160 = arith.constant 0 : i32
      %dma_start3A_161 = tpu.memref_slice %arg6[%add3A_144, %dma_start3A_160] : memref<10240x128xf32, #tpu.memory_space<vmem_shared>> -> memref<125x128xf32, #tpu.memory_space<vmem_shared>>
      %dma_start3A_162 = arith.constant 0 : i32
      %dma_start3A_163 = tpu.memref_slice %arg6[%add3A_144, %dma_start3A_162] : memref<10240x128xf32, #tpu.memory_space<vmem_shared>> -> memref<125x128xf32, #tpu.memory_space<vmem_shared>>
      tpu.enqueue_dma source(%dma_start3A_163 : memref<125x128xf32, #tpu.memory_space<vmem_shared>>) target(%arg10 : memref<125x128xf32, #tpu.memory_space<vmem>>) target_semaphore(%run_scoped3A_159 : memref<!tpu.dma_semaphore, #tpu.memory_space<semaphore_mem>>)
      %dma_wait3A_164 = arith.constant 0 : i32
      %dma_wait3A_165 = tpu.memref_slice %arg6[%add3A_144, %dma_wait3A_164] : memref<10240x128xf32, #tpu.memory_space<vmem_shared>> -> memref<125x128xf32, #tpu.memory_space<vmem_shared>>
      %dma_wait3A_166 = arith.constant 0 : i32
      %dma_wait3A_167 = tpu.memref_slice %arg6[%add3A_144, %dma_wait3A_166] : memref<10240x128xf32, #tpu.memory_space<vmem_shared>> -> memref<125x128xf32, #tpu.memory_space<vmem_shared>>
      tpu.wait_dma2 semaphore(%run_scoped3A_159 : memref<!tpu.dma_semaphore, #tpu.memory_space<semaphore_mem>>) src(%dma_wait3A_167 : memref<125x128xf32, #tpu.memory_space<vmem_shared>>) dst(%arg10 : memref<125x128xf32, #tpu.memory_space<vmem>>)
      tpu.yield
    }) : () -> ()
    "tpu.region"() ({
      %run_scoped3A_159 = tpu.sem_alloc : memref<!tpu.dma_semaphore, #tpu.memory_space<semaphore_mem>>
      %dma_start3A_160 = arith.constant 0 : i32
      %dma_start3A_161 = tpu.memref_slice %arg4[%arg0, %add3A_144, %dma_start3A_160] : memref<2x10240x128xf32, #tpu.memory_space<hbm>> -> memref<1x125x128xf32, #tpu.memory_space<hbm>>
      %dma_start3A_162 = tpu.memref_squeeze %dma_start3A_161 : memref<1x125x128xf32, #tpu.memory_space<hbm>> -> memref<125x128xf32, #tpu.memory_space<hbm>>
      %dma_start3A_163 = arith.constant 0 : i32
      %dma_start3A_164 = tpu.memref_slice %arg4[%arg0, %add3A_144, %dma_start3A_163] : memref<2x10240x128xf32, #tpu.memory_space<hbm>> -> memref<1x125x128xf32, #tpu.memory_space<hbm>>
      %dma_start3A_165 = tpu.memref_squeeze %dma_start3A_164 : memref<1x125x128xf32, #tpu.memory_space<hbm>> -> memref<125x128xf32, #tpu.memory_space<hbm>>
      tpu.enqueue_dma source(%arg10 : memref<125x128xf32, #tpu.memory_space<vmem>>) target(%dma_start3A_165 : memref<125x128xf32, #tpu.memory_space<hbm>>) target_semaphore(%run_scoped3A_159 : memref<!tpu.dma_semaphore, #tpu.memory_space<semaphore_mem>>)
      %dma_wait3A_166 = arith.constant 0 : i32
      %dma_wait3A_167 = tpu.memref_slice %arg4[%arg0, %add3A_144, %dma_wait3A_166] : memref<2x10240x128xf32, #tpu.memory_space<hbm>> -> memref<1x125x128xf32, #tpu.memory_space<hbm>>
      %dma_wait3A_168 = tpu.memref_squeeze %dma_wait3A_167 : memref<1x125x128xf32, #tpu.memory_space<hbm>> -> memref<125x128xf32, #tpu.memory_space<hbm>>
      %dma_wait3A_169 = arith.constant 0 : i32
      %dma_wait3A_170 = tpu.memref_slice %arg4[%arg0, %add3A_144, %dma_wait3A_169] : memref<2x10240x128xf32, #tpu.memory_space<hbm>> -> memref<1x125x128xf32, #tpu.memory_space<hbm>>
      %dma_wait3A_171 = tpu.memref_squeeze %dma_wait3A_170 : memref<1x125x128xf32, #tpu.memory_space<hbm>> -> memref<125x128xf32, #tpu.memory_space<hbm>>
      tpu.wait_dma2 semaphore(%run_scoped3A_159 : memref<!tpu.dma_semaphore, #tpu.memory_space<semaphore_mem>>) src(%arg10 : memref<125x128xf32, #tpu.memory_space<vmem>>) dst(%dma_wait3A_171 : memref<125x128xf32, #tpu.memory_space<hbm>>)
      tpu.yield
    }) : () -> ()
    %add3A_145 = arith.constant 500 : i32
    %add3A_146 = arith.addi %mul3A_22, %add3A_145 : i32
    "tpu.region"() ({
      %run_scoped3A_159 = tpu.sem_alloc : memref<!tpu.dma_semaphore, #tpu.memory_space<semaphore_mem>>
      %dma_start3A_160 = arith.constant 0 : i32
      %dma_start3A_161 = tpu.memref_slice %arg6[%add3A_146, %dma_start3A_160] : memref<10240x128xf32, #tpu.memory_space<vmem_shared>> -> memref<125x128xf32, #tpu.memory_space<vmem_shared>>
      %dma_start3A_162 = arith.constant 0 : i32
      %dma_start3A_163 = tpu.memref_slice %arg6[%add3A_146, %dma_start3A_162] : memref<10240x128xf32, #tpu.memory_space<vmem_shared>> -> memref<125x128xf32, #tpu.memory_space<vmem_shared>>
      tpu.enqueue_dma source(%dma_start3A_163 : memref<125x128xf32, #tpu.memory_space<vmem_shared>>) target(%arg10 : memref<125x128xf32, #tpu.memory_space<vmem>>) target_semaphore(%run_scoped3A_159 : memref<!tpu.dma_semaphore, #tpu.memory_space<semaphore_mem>>)
      %dma_wait3A_164 = arith.constant 0 : i32
      %dma_wait3A_165 = tpu.memref_slice %arg6[%add3A_146, %dma_wait3A_164] : memref<10240x128xf32, #tpu.memory_space<vmem_shared>> -> memref<125x128xf32, #tpu.memory_space<vmem_shared>>
      %dma_wait3A_166 = arith.constant 0 : i32
      %dma_wait3A_167 = tpu.memref_slice %arg6[%add3A_146, %dma_wait3A_166] : memref<10240x128xf32, #tpu.memory_space<vmem_shared>> -> memref<125x128xf32, #tpu.memory_space<vmem_shared>>
      tpu.wait_dma2 semaphore(%run_scoped3A_159 : memref<!tpu.dma_semaphore, #tpu.memory_space<semaphore_mem>>) src(%dma_wait3A_167 : memref<125x128xf32, #tpu.memory_space<vmem_shared>>) dst(%arg10 : memref<125x128xf32, #tpu.memory_space<vmem>>)
      tpu.yield
    }) : () -> ()
    "tpu.region"() ({
      %run_scoped3A_159 = tpu.sem_alloc : memref<!tpu.dma_semaphore, #tpu.memory_space<semaphore_mem>>
      %dma_start3A_160 = arith.constant 0 : i32
      %dma_start3A_161 = tpu.memref_slice %arg4[%arg0, %add3A_146, %dma_start3A_160] : memref<2x10240x128xf32, #tpu.memory_space<hbm>> -> memref<1x125x128xf32, #tpu.memory_space<hbm>>
      %dma_start3A_162 = tpu.memref_squeeze %dma_start3A_161 : memref<1x125x128xf32, #tpu.memory_space<hbm>> -> memref<125x128xf32, #tpu.memory_space<hbm>>
      %dma_start3A_163 = arith.constant 0 : i32
      %dma_start3A_164 = tpu.memref_slice %arg4[%arg0, %add3A_146, %dma_start3A_163] : memref<2x10240x128xf32, #tpu.memory_space<hbm>> -> memref<1x125x128xf32, #tpu.memory_space<hbm>>
      %dma_start3A_165 = tpu.memref_squeeze %dma_start3A_164 : memref<1x125x128xf32, #tpu.memory_space<hbm>> -> memref<125x128xf32, #tpu.memory_space<hbm>>
      tpu.enqueue_dma source(%arg10 : memref<125x128xf32, #tpu.memory_space<vmem>>) target(%dma_start3A_165 : memref<125x128xf32, #tpu.memory_space<hbm>>) target_semaphore(%run_scoped3A_159 : memref<!tpu.dma_semaphore, #tpu.memory_space<semaphore_mem>>)
      %dma_wait3A_166 = arith.constant 0 : i32
      %dma_wait3A_167 = tpu.memref_slice %arg4[%arg0, %add3A_146, %dma_wait3A_166] : memref<2x10240x128xf32, #tpu.memory_space<hbm>> -> memref<1x125x128xf32, #tpu.memory_space<hbm>>
      %dma_wait3A_168 = tpu.memref_squeeze %dma_wait3A_167 : memref<1x125x128xf32, #tpu.memory_space<hbm>> -> memref<125x128xf32, #tpu.memory_space<hbm>>
      %dma_wait3A_169 = arith.constant 0 : i32
      %dma_wait3A_170 = tpu.memref_slice %arg4[%arg0, %add3A_146, %dma_wait3A_169] : memref<2x10240x128xf32, #tpu.memory_space<hbm>> -> memref<1x125x128xf32, #tpu.memory_space<hbm>>
      %dma_wait3A_171 = tpu.memref_squeeze %dma_wait3A_170 : memref<1x125x128xf32, #tpu.memory_space<hbm>> -> memref<125x128xf32, #tpu.memory_space<hbm>>
      tpu.wait_dma2 semaphore(%run_scoped3A_159 : memref<!tpu.dma_semaphore, #tpu.memory_space<semaphore_mem>>) src(%arg10 : memref<125x128xf32, #tpu.memory_space<vmem>>) dst(%dma_wait3A_171 : memref<125x128xf32, #tpu.memory_space<hbm>>)
      tpu.yield
    }) : () -> ()
    %add3A_147 = arith.constant 625 : i32
    %add3A_148 = arith.addi %mul3A_22, %add3A_147 : i32
    "tpu.region"() ({
      %run_scoped3A_159 = tpu.sem_alloc : memref<!tpu.dma_semaphore, #tpu.memory_space<semaphore_mem>>
      %dma_start3A_160 = arith.constant 0 : i32
      %dma_start3A_161 = arith.constant 0 : i32
      %dma_start3A_162 = tpu.memref_slice %arg10[%dma_start3A_160, %dma_start3A_161] : memref<125x128xf32, #tpu.memory_space<vmem>> -> memref<15x128xf32, #tpu.memory_space<vmem>>
      %dma_start3A_163 = arith.constant 0 : i32
      %dma_start3A_164 = tpu.memref_slice %arg6[%add3A_148, %dma_start3A_163] : memref<10240x128xf32, #tpu.memory_space<vmem_shared>> -> memref<15x128xf32, #tpu.memory_space<vmem_shared>>
      %dma_start3A_165 = arith.constant 0 : i32
      %dma_start3A_166 = arith.constant 0 : i32
      %dma_start3A_167 = tpu.memref_slice %arg10[%dma_start3A_165, %dma_start3A_166] : memref<125x128xf32, #tpu.memory_space<vmem>> -> memref<15x128xf32, #tpu.memory_space<vmem>>
      %dma_start3A_168 = arith.constant 0 : i32
      %dma_start3A_169 = tpu.memref_slice %arg6[%add3A_148, %dma_start3A_168] : memref<10240x128xf32, #tpu.memory_space<vmem_shared>> -> memref<15x128xf32, #tpu.memory_space<vmem_shared>>
      tpu.enqueue_dma source(%dma_start3A_169 : memref<15x128xf32, #tpu.memory_space<vmem_shared>>) target(%dma_start3A_167 : memref<15x128xf32, #tpu.memory_space<vmem>>) target_semaphore(%run_scoped3A_159 : memref<!tpu.dma_semaphore, #tpu.memory_space<semaphore_mem>>)
      %dma_wait3A_170 = arith.constant 0 : i32
      %dma_wait3A_171 = arith.constant 0 : i32
      %dma_wait3A_172 = tpu.memref_slice %arg10[%dma_wait3A_170, %dma_wait3A_171] : memref<125x128xf32, #tpu.memory_space<vmem>> -> memref<15x128xf32, #tpu.memory_space<vmem>>
      %dma_wait3A_173 = arith.constant 0 : i32
      %dma_wait3A_174 = tpu.memref_slice %arg6[%add3A_148, %dma_wait3A_173] : memref<10240x128xf32, #tpu.memory_space<vmem_shared>> -> memref<15x128xf32, #tpu.memory_space<vmem_shared>>
      %dma_wait3A_175 = arith.constant 0 : i32
      %dma_wait3A_176 = arith.constant 0 : i32
      %dma_wait3A_177 = tpu.memref_slice %arg10[%dma_wait3A_175, %dma_wait3A_176] : memref<125x128xf32, #tpu.memory_space<vmem>> -> memref<15x128xf32, #tpu.memory_space<vmem>>
      %dma_wait3A_178 = arith.constant 0 : i32
      %dma_wait3A_179 = tpu.memref_slice %arg6[%add3A_148, %dma_wait3A_178] : memref<10240x128xf32, #tpu.memory_space<vmem_shared>> -> memref<15x128xf32, #tpu.memory_space<vmem_shared>>
      tpu.wait_dma2 semaphore(%run_scoped3A_159 : memref<!tpu.dma_semaphore, #tpu.memory_space<semaphore_mem>>) src(%dma_wait3A_179 : memref<15x128xf32, #tpu.memory_space<vmem_shared>>) dst(%dma_wait3A_177 : memref<15x128xf32, #tpu.memory_space<vmem>>)
      tpu.yield
    }) : () -> ()
    "tpu.region"() ({
      %run_scoped3A_159 = tpu.sem_alloc : memref<!tpu.dma_semaphore, #tpu.memory_space<semaphore_mem>>
      %dma_start3A_160 = arith.constant 0 : i32
      %dma_start3A_161 = arith.constant 0 : i32
      %dma_start3A_162 = tpu.memref_slice %arg10[%dma_start3A_160, %dma_start3A_161] : memref<125x128xf32, #tpu.memory_space<vmem>> -> memref<15x128xf32, #tpu.memory_space<vmem>>
      %dma_start3A_163 = arith.constant 0 : i32
      %dma_start3A_164 = tpu.memref_slice %arg4[%arg0, %add3A_148, %dma_start3A_163] : memref<2x10240x128xf32, #tpu.memory_space<hbm>> -> memref<1x15x128xf32, #tpu.memory_space<hbm>>
      %dma_start3A_165 = tpu.memref_squeeze %dma_start3A_164 : memref<1x15x128xf32, #tpu.memory_space<hbm>> -> memref<15x128xf32, #tpu.memory_space<hbm>>
      %dma_start3A_166 = arith.constant 0 : i32
      %dma_start3A_167 = tpu.memref_slice %arg4[%arg0, %add3A_148, %dma_start3A_166] : memref<2x10240x128xf32, #tpu.memory_space<hbm>> -> memref<1x15x128xf32, #tpu.memory_space<hbm>>
      %dma_start3A_168 = tpu.memref_squeeze %dma_start3A_167 : memref<1x15x128xf32, #tpu.memory_space<hbm>> -> memref<15x128xf32, #tpu.memory_space<hbm>>
      %dma_start3A_169 = arith.constant 0 : i32
      %dma_start3A_170 = arith.constant 0 : i32
      %dma_start3A_171 = tpu.memref_slice %arg10[%dma_start3A_169, %dma_start3A_170] : memref<125x128xf32, #tpu.memory_space<vmem>> -> memref<15x128xf32, #tpu.memory_space<vmem>>
      tpu.enqueue_dma source(%dma_start3A_171 : memref<15x128xf32, #tpu.memory_space<vmem>>) target(%dma_start3A_168 : memref<15x128xf32, #tpu.memory_space<hbm>>) target_semaphore(%run_scoped3A_159 : memref<!tpu.dma_semaphore, #tpu.memory_space<semaphore_mem>>)
      %dma_wait3A_172 = arith.constant 0 : i32
      %dma_wait3A_173 = arith.constant 0 : i32
      %dma_wait3A_174 = tpu.memref_slice %arg10[%dma_wait3A_172, %dma_wait3A_173] : memref<125x128xf32, #tpu.memory_space<vmem>> -> memref<15x128xf32, #tpu.memory_space<vmem>>
      %dma_wait3A_175 = arith.constant 0 : i32
      %dma_wait3A_176 = tpu.memref_slice %arg4[%arg0, %add3A_148, %dma_wait3A_175] : memref<2x10240x128xf32, #tpu.memory_space<hbm>> -> memref<1x15x128xf32, #tpu.memory_space<hbm>>
      %dma_wait3A_177 = tpu.memref_squeeze %dma_wait3A_176 : memref<1x15x128xf32, #tpu.memory_space<hbm>> -> memref<15x128xf32, #tpu.memory_space<hbm>>
      %dma_wait3A_178 = arith.constant 0 : i32
      %dma_wait3A_179 = tpu.memref_slice %arg4[%arg0, %add3A_148, %dma_wait3A_178] : memref<2x10240x128xf32, #tpu.memory_space<hbm>> -> memref<1x15x128xf32, #tpu.memory_space<hbm>>
      %dma_wait3A_180 = tpu.memref_squeeze %dma_wait3A_179 : memref<1x15x128xf32, #tpu.memory_space<hbm>> -> memref<15x128xf32, #tpu.memory_space<hbm>>
      %dma_wait3A_181 = arith.constant 0 : i32
      %dma_wait3A_182 = arith.constant 0 : i32
      %dma_wait3A_183 = tpu.memref_slice %arg10[%dma_wait3A_181, %dma_wait3A_182] : memref<125x128xf32, #tpu.memory_space<vmem>> -> memref<15x128xf32, #tpu.memory_space<vmem>>
      tpu.wait_dma2 semaphore(%run_scoped3A_159 : memref<!tpu.dma_semaphore, #tpu.memory_space<semaphore_mem>>) src(%dma_wait3A_183 : memref<15x128xf32, #tpu.memory_space<vmem>>) dst(%dma_wait3A_180 : memref<15x128xf32, #tpu.memory_space<hbm>>)
      tpu.yield
    }) : () -> ()
    %add3A_149 = arith.constant 0 : i32
    %add3A_150 = arith.addi %mul3A_22, %add3A_149 : i32
    "tpu.region"() ({
      %run_scoped3A_159 = tpu.sem_alloc : memref<!tpu.dma_semaphore, #tpu.memory_space<semaphore_mem>>
      %dma_start3A_160 = arith.constant 0 : i32
      %dma_start3A_161 = tpu.memref_slice %arg7[%add3A_150, %dma_start3A_160] : memref<10240x16xf32, #tpu.memory_space<vmem_shared>> -> memref<128x16xf32, #tpu.memory_space<vmem_shared>>
      %dma_start3A_162 = arith.constant 0 : i32
      %dma_start3A_163 = tpu.memref_slice %arg7[%add3A_150, %dma_start3A_162] : memref<10240x16xf32, #tpu.memory_space<vmem_shared>> -> memref<128x16xf32, #tpu.memory_space<vmem_shared>>
      tpu.enqueue_dma source(%dma_start3A_163 : memref<128x16xf32, #tpu.memory_space<vmem_shared>>) target(%arg13 : memref<128x16xf32, #tpu.memory_space<vmem>>) target_semaphore(%run_scoped3A_159 : memref<!tpu.dma_semaphore, #tpu.memory_space<semaphore_mem>>)
      %dma_wait3A_164 = arith.constant 0 : i32
      %dma_wait3A_165 = tpu.memref_slice %arg7[%add3A_150, %dma_wait3A_164] : memref<10240x16xf32, #tpu.memory_space<vmem_shared>> -> memref<128x16xf32, #tpu.memory_space<vmem_shared>>
      %dma_wait3A_166 = arith.constant 0 : i32
      %dma_wait3A_167 = tpu.memref_slice %arg7[%add3A_150, %dma_wait3A_166] : memref<10240x16xf32, #tpu.memory_space<vmem_shared>> -> memref<128x16xf32, #tpu.memory_space<vmem_shared>>
      tpu.wait_dma2 semaphore(%run_scoped3A_159 : memref<!tpu.dma_semaphore, #tpu.memory_space<semaphore_mem>>) src(%dma_wait3A_167 : memref<128x16xf32, #tpu.memory_space<vmem_shared>>) dst(%arg13 : memref<128x16xf32, #tpu.memory_space<vmem>>)
      tpu.yield
    }) : () -> ()
    "tpu.region"() ({
      %run_scoped3A_159 = tpu.sem_alloc : memref<!tpu.dma_semaphore, #tpu.memory_space<semaphore_mem>>
      %dma_start3A_160 = arith.constant 0 : i32
      %dma_start3A_161 = tpu.memref_slice %arg5[%arg0, %add3A_150, %dma_start3A_160] : memref<2x10240x16xf32, #tpu.memory_space<hbm>> -> memref<1x128x16xf32, #tpu.memory_space<hbm>>
      %dma_start3A_162 = tpu.memref_squeeze %dma_start3A_161 : memref<1x128x16xf32, #tpu.memory_space<hbm>> -> memref<128x16xf32, #tpu.memory_space<hbm>>
      %dma_start3A_163 = arith.constant 0 : i32
      %dma_start3A_164 = tpu.memref_slice %arg5[%arg0, %add3A_150, %dma_start3A_163] : memref<2x10240x16xf32, #tpu.memory_space<hbm>> -> memref<1x128x16xf32, #tpu.memory_space<hbm>>
      %dma_start3A_165 = tpu.memref_squeeze %dma_start3A_164 : memref<1x128x16xf32, #tpu.memory_space<hbm>> -> memref<128x16xf32, #tpu.memory_space<hbm>>
      tpu.enqueue_dma source(%arg13 : memref<128x16xf32, #tpu.memory_space<vmem>>) target(%dma_start3A_165 : memref<128x16xf32, #tpu.memory_space<hbm>>) target_semaphore(%run_scoped3A_159 : memref<!tpu.dma_semaphore, #tpu.memory_space<semaphore_mem>>)
      %dma_wait3A_166 = arith.constant 0 : i32
      %dma_wait3A_167 = tpu.memref_slice %arg5[%arg0, %add3A_150, %dma_wait3A_166] : memref<2x10240x16xf32, #tpu.memory_space<hbm>> -> memref<1x128x16xf32, #tpu.memory_space<hbm>>
      %dma_wait3A_168 = tpu.memref_squeeze %dma_wait3A_167 : memref<1x128x16xf32, #tpu.memory_space<hbm>> -> memref<128x16xf32, #tpu.memory_space<hbm>>
      %dma_wait3A_169 = arith.constant 0 : i32
      %dma_wait3A_170 = tpu.memref_slice %arg5[%arg0, %add3A_150, %dma_wait3A_169] : memref<2x10240x16xf32, #tpu.memory_space<hbm>> -> memref<1x128x16xf32, #tpu.memory_space<hbm>>
      %dma_wait3A_171 = tpu.memref_squeeze %dma_wait3A_170 : memref<1x128x16xf32, #tpu.memory_space<hbm>> -> memref<128x16xf32, #tpu.memory_space<hbm>>
      tpu.wait_dma2 semaphore(%run_scoped3A_159 : memref<!tpu.dma_semaphore, #tpu.memory_space<semaphore_mem>>) src(%arg13 : memref<128x16xf32, #tpu.memory_space<vmem>>) dst(%dma_wait3A_171 : memref<128x16xf32, #tpu.memory_space<hbm>>)
      tpu.yield
    }) : () -> ()
    %add3A_151 = arith.constant 128 : i32
    %add3A_152 = arith.addi %mul3A_22, %add3A_151 : i32
    "tpu.region"() ({
      %run_scoped3A_159 = tpu.sem_alloc : memref<!tpu.dma_semaphore, #tpu.memory_space<semaphore_mem>>
      %dma_start3A_160 = arith.constant 0 : i32
      %dma_start3A_161 = tpu.memref_slice %arg7[%add3A_152, %dma_start3A_160] : memref<10240x16xf32, #tpu.memory_space<vmem_shared>> -> memref<128x16xf32, #tpu.memory_space<vmem_shared>>
      %dma_start3A_162 = arith.constant 0 : i32
      %dma_start3A_163 = tpu.memref_slice %arg7[%add3A_152, %dma_start3A_162] : memref<10240x16xf32, #tpu.memory_space<vmem_shared>> -> memref<128x16xf32, #tpu.memory_space<vmem_shared>>
      tpu.enqueue_dma source(%dma_start3A_163 : memref<128x16xf32, #tpu.memory_space<vmem_shared>>) target(%arg13 : memref<128x16xf32, #tpu.memory_space<vmem>>) target_semaphore(%run_scoped3A_159 : memref<!tpu.dma_semaphore, #tpu.memory_space<semaphore_mem>>)
      %dma_wait3A_164 = arith.constant 0 : i32
      %dma_wait3A_165 = tpu.memref_slice %arg7[%add3A_152, %dma_wait3A_164] : memref<10240x16xf32, #tpu.memory_space<vmem_shared>> -> memref<128x16xf32, #tpu.memory_space<vmem_shared>>
      %dma_wait3A_166 = arith.constant 0 : i32
      %dma_wait3A_167 = tpu.memref_slice %arg7[%add3A_152, %dma_wait3A_166] : memref<10240x16xf32, #tpu.memory_space<vmem_shared>> -> memref<128x16xf32, #tpu.memory_space<vmem_shared>>
      tpu.wait_dma2 semaphore(%run_scoped3A_159 : memref<!tpu.dma_semaphore, #tpu.memory_space<semaphore_mem>>) src(%dma_wait3A_167 : memref<128x16xf32, #tpu.memory_space<vmem_shared>>) dst(%arg13 : memref<128x16xf32, #tpu.memory_space<vmem>>)
      tpu.yield
    }) : () -> ()
    "tpu.region"() ({
      %run_scoped3A_159 = tpu.sem_alloc : memref<!tpu.dma_semaphore, #tpu.memory_space<semaphore_mem>>
      %dma_start3A_160 = arith.constant 0 : i32
      %dma_start3A_161 = tpu.memref_slice %arg5[%arg0, %add3A_152, %dma_start3A_160] : memref<2x10240x16xf32, #tpu.memory_space<hbm>> -> memref<1x128x16xf32, #tpu.memory_space<hbm>>
      %dma_start3A_162 = tpu.memref_squeeze %dma_start3A_161 : memref<1x128x16xf32, #tpu.memory_space<hbm>> -> memref<128x16xf32, #tpu.memory_space<hbm>>
      %dma_start3A_163 = arith.constant 0 : i32
      %dma_start3A_164 = tpu.memref_slice %arg5[%arg0, %add3A_152, %dma_start3A_163] : memref<2x10240x16xf32, #tpu.memory_space<hbm>> -> memref<1x128x16xf32, #tpu.memory_space<hbm>>
      %dma_start3A_165 = tpu.memref_squeeze %dma_start3A_164 : memref<1x128x16xf32, #tpu.memory_space<hbm>> -> memref<128x16xf32, #tpu.memory_space<hbm>>
      tpu.enqueue_dma source(%arg13 : memref<128x16xf32, #tpu.memory_space<vmem>>) target(%dma_start3A_165 : memref<128x16xf32, #tpu.memory_space<hbm>>) target_semaphore(%run_scoped3A_159 : memref<!tpu.dma_semaphore, #tpu.memory_space<semaphore_mem>>)
      %dma_wait3A_166 = arith.constant 0 : i32
      %dma_wait3A_167 = tpu.memref_slice %arg5[%arg0, %add3A_152, %dma_wait3A_166] : memref<2x10240x16xf32, #tpu.memory_space<hbm>> -> memref<1x128x16xf32, #tpu.memory_space<hbm>>
      %dma_wait3A_168 = tpu.memref_squeeze %dma_wait3A_167 : memref<1x128x16xf32, #tpu.memory_space<hbm>> -> memref<128x16xf32, #tpu.memory_space<hbm>>
      %dma_wait3A_169 = arith.constant 0 : i32
      %dma_wait3A_170 = tpu.memref_slice %arg5[%arg0, %add3A_152, %dma_wait3A_169] : memref<2x10240x16xf32, #tpu.memory_space<hbm>> -> memref<1x128x16xf32, #tpu.memory_space<hbm>>
      %dma_wait3A_171 = tpu.memref_squeeze %dma_wait3A_170 : memref<1x128x16xf32, #tpu.memory_space<hbm>> -> memref<128x16xf32, #tpu.memory_space<hbm>>
      tpu.wait_dma2 semaphore(%run_scoped3A_159 : memref<!tpu.dma_semaphore, #tpu.memory_space<semaphore_mem>>) src(%arg13 : memref<128x16xf32, #tpu.memory_space<vmem>>) dst(%dma_wait3A_171 : memref<128x16xf32, #tpu.memory_space<hbm>>)
      tpu.yield
    }) : () -> ()
    %add3A_153 = arith.constant 256 : i32
    %add3A_154 = arith.addi %mul3A_22, %add3A_153 : i32
    "tpu.region"() ({
      %run_scoped3A_159 = tpu.sem_alloc : memref<!tpu.dma_semaphore, #tpu.memory_space<semaphore_mem>>
      %dma_start3A_160 = arith.constant 0 : i32
      %dma_start3A_161 = tpu.memref_slice %arg7[%add3A_154, %dma_start3A_160] : memref<10240x16xf32, #tpu.memory_space<vmem_shared>> -> memref<128x16xf32, #tpu.memory_space<vmem_shared>>
      %dma_start3A_162 = arith.constant 0 : i32
      %dma_start3A_163 = tpu.memref_slice %arg7[%add3A_154, %dma_start3A_162] : memref<10240x16xf32, #tpu.memory_space<vmem_shared>> -> memref<128x16xf32, #tpu.memory_space<vmem_shared>>
      tpu.enqueue_dma source(%dma_start3A_163 : memref<128x16xf32, #tpu.memory_space<vmem_shared>>) target(%arg13 : memref<128x16xf32, #tpu.memory_space<vmem>>) target_semaphore(%run_scoped3A_159 : memref<!tpu.dma_semaphore, #tpu.memory_space<semaphore_mem>>)
      %dma_wait3A_164 = arith.constant 0 : i32
      %dma_wait3A_165 = tpu.memref_slice %arg7[%add3A_154, %dma_wait3A_164] : memref<10240x16xf32, #tpu.memory_space<vmem_shared>> -> memref<128x16xf32, #tpu.memory_space<vmem_shared>>
      %dma_wait3A_166 = arith.constant 0 : i32
      %dma_wait3A_167 = tpu.memref_slice %arg7[%add3A_154, %dma_wait3A_166] : memref<10240x16xf32, #tpu.memory_space<vmem_shared>> -> memref<128x16xf32, #tpu.memory_space<vmem_shared>>
      tpu.wait_dma2 semaphore(%run_scoped3A_159 : memref<!tpu.dma_semaphore, #tpu.memory_space<semaphore_mem>>) src(%dma_wait3A_167 : memref<128x16xf32, #tpu.memory_space<vmem_shared>>) dst(%arg13 : memref<128x16xf32, #tpu.memory_space<vmem>>)
      tpu.yield
    }) : () -> ()
    "tpu.region"() ({
      %run_scoped3A_159 = tpu.sem_alloc : memref<!tpu.dma_semaphore, #tpu.memory_space<semaphore_mem>>
      %dma_start3A_160 = arith.constant 0 : i32
      %dma_start3A_161 = tpu.memref_slice %arg5[%arg0, %add3A_154, %dma_start3A_160] : memref<2x10240x16xf32, #tpu.memory_space<hbm>> -> memref<1x128x16xf32, #tpu.memory_space<hbm>>
      %dma_start3A_162 = tpu.memref_squeeze %dma_start3A_161 : memref<1x128x16xf32, #tpu.memory_space<hbm>> -> memref<128x16xf32, #tpu.memory_space<hbm>>
      %dma_start3A_163 = arith.constant 0 : i32
      %dma_start3A_164 = tpu.memref_slice %arg5[%arg0, %add3A_154, %dma_start3A_163] : memref<2x10240x16xf32, #tpu.memory_space<hbm>> -> memref<1x128x16xf32, #tpu.memory_space<hbm>>
      %dma_start3A_165 = tpu.memref_squeeze %dma_start3A_164 : memref<1x128x16xf32, #tpu.memory_space<hbm>> -> memref<128x16xf32, #tpu.memory_space<hbm>>
      tpu.enqueue_dma source(%arg13 : memref<128x16xf32, #tpu.memory_space<vmem>>) target(%dma_start3A_165 : memref<128x16xf32, #tpu.memory_space<hbm>>) target_semaphore(%run_scoped3A_159 : memref<!tpu.dma_semaphore, #tpu.memory_space<semaphore_mem>>)
      %dma_wait3A_166 = arith.constant 0 : i32
      %dma_wait3A_167 = tpu.memref_slice %arg5[%arg0, %add3A_154, %dma_wait3A_166] : memref<2x10240x16xf32, #tpu.memory_space<hbm>> -> memref<1x128x16xf32, #tpu.memory_space<hbm>>
      %dma_wait3A_168 = tpu.memref_squeeze %dma_wait3A_167 : memref<1x128x16xf32, #tpu.memory_space<hbm>> -> memref<128x16xf32, #tpu.memory_space<hbm>>
      %dma_wait3A_169 = arith.constant 0 : i32
      %dma_wait3A_170 = tpu.memref_slice %arg5[%arg0, %add3A_154, %dma_wait3A_169] : memref<2x10240x16xf32, #tpu.memory_space<hbm>> -> memref<1x128x16xf32, #tpu.memory_space<hbm>>
      %dma_wait3A_171 = tpu.memref_squeeze %dma_wait3A_170 : memref<1x128x16xf32, #tpu.memory_space<hbm>> -> memref<128x16xf32, #tpu.memory_space<hbm>>
      tpu.wait_dma2 semaphore(%run_scoped3A_159 : memref<!tpu.dma_semaphore, #tpu.memory_space<semaphore_mem>>) src(%arg13 : memref<128x16xf32, #tpu.memory_space<vmem>>) dst(%dma_wait3A_171 : memref<128x16xf32, #tpu.memory_space<hbm>>)
      tpu.yield
    }) : () -> ()
    %add3A_155 = arith.constant 384 : i32
    %add3A_156 = arith.addi %mul3A_22, %add3A_155 : i32
    "tpu.region"() ({
      %run_scoped3A_159 = tpu.sem_alloc : memref<!tpu.dma_semaphore, #tpu.memory_space<semaphore_mem>>
      %dma_start3A_160 = arith.constant 0 : i32
      %dma_start3A_161 = tpu.memref_slice %arg7[%add3A_156, %dma_start3A_160] : memref<10240x16xf32, #tpu.memory_space<vmem_shared>> -> memref<128x16xf32, #tpu.memory_space<vmem_shared>>
      %dma_start3A_162 = arith.constant 0 : i32
      %dma_start3A_163 = tpu.memref_slice %arg7[%add3A_156, %dma_start3A_162] : memref<10240x16xf32, #tpu.memory_space<vmem_shared>> -> memref<128x16xf32, #tpu.memory_space<vmem_shared>>
      tpu.enqueue_dma source(%dma_start3A_163 : memref<128x16xf32, #tpu.memory_space<vmem_shared>>) target(%arg13 : memref<128x16xf32, #tpu.memory_space<vmem>>) target_semaphore(%run_scoped3A_159 : memref<!tpu.dma_semaphore, #tpu.memory_space<semaphore_mem>>)
      %dma_wait3A_164 = arith.constant 0 : i32
      %dma_wait3A_165 = tpu.memref_slice %arg7[%add3A_156, %dma_wait3A_164] : memref<10240x16xf32, #tpu.memory_space<vmem_shared>> -> memref<128x16xf32, #tpu.memory_space<vmem_shared>>
      %dma_wait3A_166 = arith.constant 0 : i32
      %dma_wait3A_167 = tpu.memref_slice %arg7[%add3A_156, %dma_wait3A_166] : memref<10240x16xf32, #tpu.memory_space<vmem_shared>> -> memref<128x16xf32, #tpu.memory_space<vmem_shared>>
      tpu.wait_dma2 semaphore(%run_scoped3A_159 : memref<!tpu.dma_semaphore, #tpu.memory_space<semaphore_mem>>) src(%dma_wait3A_167 : memref<128x16xf32, #tpu.memory_space<vmem_shared>>) dst(%arg13 : memref<128x16xf32, #tpu.memory_space<vmem>>)
      tpu.yield
    }) : () -> ()
    "tpu.region"() ({
      %run_scoped3A_159 = tpu.sem_alloc : memref<!tpu.dma_semaphore, #tpu.memory_space<semaphore_mem>>
      %dma_start3A_160 = arith.constant 0 : i32
      %dma_start3A_161 = tpu.memref_slice %arg5[%arg0, %add3A_156, %dma_start3A_160] : memref<2x10240x16xf32, #tpu.memory_space<hbm>> -> memref<1x128x16xf32, #tpu.memory_space<hbm>>
      %dma_start3A_162 = tpu.memref_squeeze %dma_start3A_161 : memref<1x128x16xf32, #tpu.memory_space<hbm>> -> memref<128x16xf32, #tpu.memory_space<hbm>>
      %dma_start3A_163 = arith.constant 0 : i32
      %dma_start3A_164 = tpu.memref_slice %arg5[%arg0, %add3A_156, %dma_start3A_163] : memref<2x10240x16xf32, #tpu.memory_space<hbm>> -> memref<1x128x16xf32, #tpu.memory_space<hbm>>
      %dma_start3A_165 = tpu.memref_squeeze %dma_start3A_164 : memref<1x128x16xf32, #tpu.memory_space<hbm>> -> memref<128x16xf32, #tpu.memory_space<hbm>>
      tpu.enqueue_dma source(%arg13 : memref<128x16xf32, #tpu.memory_space<vmem>>) target(%dma_start3A_165 : memref<128x16xf32, #tpu.memory_space<hbm>>) target_semaphore(%run_scoped3A_159 : memref<!tpu.dma_semaphore, #tpu.memory_space<semaphore_mem>>)
      %dma_wait3A_166 = arith.constant 0 : i32
      %dma_wait3A_167 = tpu.memref_slice %arg5[%arg0, %add3A_156, %dma_wait3A_166] : memref<2x10240x16xf32, #tpu.memory_space<hbm>> -> memref<1x128x16xf32, #tpu.memory_space<hbm>>
      %dma_wait3A_168 = tpu.memref_squeeze %dma_wait3A_167 : memref<1x128x16xf32, #tpu.memory_space<hbm>> -> memref<128x16xf32, #tpu.memory_space<hbm>>
      %dma_wait3A_169 = arith.constant 0 : i32
      %dma_wait3A_170 = tpu.memref_slice %arg5[%arg0, %add3A_156, %dma_wait3A_169] : memref<2x10240x16xf32, #tpu.memory_space<hbm>> -> memref<1x128x16xf32, #tpu.memory_space<hbm>>
      %dma_wait3A_171 = tpu.memref_squeeze %dma_wait3A_170 : memref<1x128x16xf32, #tpu.memory_space<hbm>> -> memref<128x16xf32, #tpu.memory_space<hbm>>
      tpu.wait_dma2 semaphore(%run_scoped3A_159 : memref<!tpu.dma_semaphore, #tpu.memory_space<semaphore_mem>>) src(%arg13 : memref<128x16xf32, #tpu.memory_space<vmem>>) dst(%dma_wait3A_171 : memref<128x16xf32, #tpu.memory_space<hbm>>)
      tpu.yield
    }) : () -> ()
    %add3A_157 = arith.constant 512 : i32
    %add3A_158 = arith.addi %mul3A_22, %add3A_157 : i32
    "tpu.region"() ({
      %run_scoped3A_159 = tpu.sem_alloc : memref<!tpu.dma_semaphore, #tpu.memory_space<semaphore_mem>>
      %dma_start3A_160 = arith.constant 0 : i32
      %dma_start3A_161 = tpu.memref_slice %arg7[%add3A_158, %dma_start3A_160] : memref<10240x16xf32, #tpu.memory_space<vmem_shared>> -> memref<128x16xf32, #tpu.memory_space<vmem_shared>>
      %dma_start3A_162 = arith.constant 0 : i32
      %dma_start3A_163 = tpu.memref_slice %arg7[%add3A_158, %dma_start3A_162] : memref<10240x16xf32, #tpu.memory_space<vmem_shared>> -> memref<128x16xf32, #tpu.memory_space<vmem_shared>>
      tpu.enqueue_dma source(%dma_start3A_163 : memref<128x16xf32, #tpu.memory_space<vmem_shared>>) target(%arg13 : memref<128x16xf32, #tpu.memory_space<vmem>>) target_semaphore(%run_scoped3A_159 : memref<!tpu.dma_semaphore, #tpu.memory_space<semaphore_mem>>)
      %dma_wait3A_164 = arith.constant 0 : i32
      %dma_wait3A_165 = tpu.memref_slice %arg7[%add3A_158, %dma_wait3A_164] : memref<10240x16xf32, #tpu.memory_space<vmem_shared>> -> memref<128x16xf32, #tpu.memory_space<vmem_shared>>
      %dma_wait3A_166 = arith.constant 0 : i32
      %dma_wait3A_167 = tpu.memref_slice %arg7[%add3A_158, %dma_wait3A_166] : memref<10240x16xf32, #tpu.memory_space<vmem_shared>> -> memref<128x16xf32, #tpu.memory_space<vmem_shared>>
      tpu.wait_dma2 semaphore(%run_scoped3A_159 : memref<!tpu.dma_semaphore, #tpu.memory_space<semaphore_mem>>) src(%dma_wait3A_167 : memref<128x16xf32, #tpu.memory_space<vmem_shared>>) dst(%arg13 : memref<128x16xf32, #tpu.memory_space<vmem>>)
      tpu.yield
    }) : () -> ()
    "tpu.region"() ({
      %run_scoped3A_159 = tpu.sem_alloc : memref<!tpu.dma_semaphore, #tpu.memory_space<semaphore_mem>>
      %dma_start3A_160 = arith.constant 0 : i32
      %dma_start3A_161 = tpu.memref_slice %arg5[%arg0, %add3A_158, %dma_start3A_160] : memref<2x10240x16xf32, #tpu.memory_space<hbm>> -> memref<1x128x16xf32, #tpu.memory_space<hbm>>
      %dma_start3A_162 = tpu.memref_squeeze %dma_start3A_161 : memref<1x128x16xf32, #tpu.memory_space<hbm>> -> memref<128x16xf32, #tpu.memory_space<hbm>>
      %dma_start3A_163 = arith.constant 0 : i32
      %dma_start3A_164 = tpu.memref_slice %arg5[%arg0, %add3A_158, %dma_start3A_163] : memref<2x10240x16xf32, #tpu.memory_space<hbm>> -> memref<1x128x16xf32, #tpu.memory_space<hbm>>
      %dma_start3A_165 = tpu.memref_squeeze %dma_start3A_164 : memref<1x128x16xf32, #tpu.memory_space<hbm>> -> memref<128x16xf32, #tpu.memory_space<hbm>>
      tpu.enqueue_dma source(%arg13 : memref<128x16xf32, #tpu.memory_space<vmem>>) target(%dma_start3A_165 : memref<128x16xf32, #tpu.memory_space<hbm>>) target_semaphore(%run_scoped3A_159 : memref<!tpu.dma_semaphore, #tpu.memory_space<semaphore_mem>>)
      %dma_wait3A_166 = arith.constant 0 : i32
      %dma_wait3A_167 = tpu.memref_slice %arg5[%arg0, %add3A_158, %dma_wait3A_166] : memref<2x10240x16xf32, #tpu.memory_space<hbm>> -> memref<1x128x16xf32, #tpu.memory_space<hbm>>
      %dma_wait3A_168 = tpu.memref_squeeze %dma_wait3A_167 : memref<1x128x16xf32, #tpu.memory_space<hbm>> -> memref<128x16xf32, #tpu.memory_space<hbm>>
      %dma_wait3A_169 = arith.constant 0 : i32
      %dma_wait3A_170 = tpu.memref_slice %arg5[%arg0, %add3A_158, %dma_wait3A_169] : memref<2x10240x16xf32, #tpu.memory_space<hbm>> -> memref<1x128x16xf32, #tpu.memory_space<hbm>>
      %dma_wait3A_171 = tpu.memref_squeeze %dma_wait3A_170 : memref<1x128x16xf32, #tpu.memory_space<hbm>> -> memref<128x16xf32, #tpu.memory_space<hbm>>
      tpu.wait_dma2 semaphore(%run_scoped3A_159 : memref<!tpu.dma_semaphore, #tpu.memory_space<semaphore_mem>>) src(%arg13 : memref<128x16xf32, #tpu.memory_space<vmem>>) dst(%dma_wait3A_171 : memref<128x16xf32, #tpu.memory_space<hbm>>)
      tpu.yield
    }) : () -> ()
    return
  }
}

#map = affine_map<(d0, d1) -> (0, 0)>
#map1 = affine_map<(d0, d1) -> (0, 0, 0)>
#map2 = affine_map<(d0, d1) -> (0, 0, 0, 0)>
module attributes {stable_mosaic.version = 14 : i64} {
  func.func @_sc_aggregate_l2(%arg0: i32, %arg1: i32, %arg2: memref<10240x48xf32, #tpu.memory_space<hbm>>, %arg3: memref<32x20x500xi32, #tpu.memory_space<hbm>>, %arg4: memref<32x20x4x125xi32, #tpu.memory_space<hbm>>, %arg5: memref<2x10240x48xf32, #tpu.memory_space<hbm>>, %arg6: memref<10240x48xf32, #tpu.memory_space<vmem_shared>>, %arg7: memref<2x500xi32, #tpu.memory_space<vmem>>, %arg8: memref<2x4x125xi32, #tpu.memory_space<vmem>>, %arg9: memref<500x48xf32, #tpu.memory_space<vmem>>, %arg10: memref<500x48xf32, #tpu.memory_space<vmem>>, %arg11: memref<!tpu.dma_semaphore, #tpu.memory_space<semaphore_mem>>, %arg12: memref<!tpu.dma_semaphore, #tpu.memory_space<semaphore_mem>>, %arg13: memref<!tpu.dma_semaphore, #tpu.memory_space<semaphore_mem>>, %arg14: memref<!tpu.dma_semaphore, #tpu.memory_space<semaphore_mem>>, %arg15: memref<!tpu.dma_semaphore, #tpu.memory_space<semaphore_mem>>, %arg16: memref<!tpu.dma_semaphore, #tpu.memory_space<semaphore_mem>>) attributes {dimension_semantics = [#tpu.dimension_semantics<core_parallel>, #tpu.dimension_semantics<subcore_parallel>], iteration_bounds = array<i64: 2, 16>, scalar_prefetch = 0 : i64, scratch_operands = 11 : i64, tpu.core_type = #tpu.core_type<sc_vector_subcore>, window_params = [{transform_indices = #map}, {transform_indices = #map1}, {transform_indices = #map2}, {transform_indices = #map1}]} {
    %mul3A = arith.constant 2 : i32
    %mul3A_0 = arith.muli %arg1, %mul3A : i32
    %add3A = arith.addi %mul3A_0, %arg0 : i32
    %broadcast_in_dim3A = arith.constant 0.000000e+00 : f32
    %broadcast_in_dim3A_1 = vector.broadcast %broadcast_in_dim3A : f32 to vector<16xf32>
    %scan3A = arith.constant 0 : i32
    %scan3A_2 = arith.constant 0 : i32
    %scan3A_3 = arith.constant 500 : i32
    %scan3A_4 = arith.addi %scan3A_2, %scan3A_3 : i32
    %scan3A_5 = arith.constant 1 : i32
    scf.for %scan3A_42 = %scan3A_2 to %scan3A_4 step %scan3A_5  : i32 {
      %swap3A = arith.index_cast %scan3A_42 : i32 to index
      %swap3A_43 = arith.constant 0 : index
      %swap3A_44 = tpu.vector_load %arg9[%swap3A, %swap3A_43] {strides = array<i32>} : memref<500x48xf32, #tpu.memory_space<vmem>>, vector<1x16xf32>,
      %swap3A_45 = vector.shape_cast %swap3A_44 : vector<1x16xf32> to vector<16xf32>
      %swap3A_46 = vector.shape_cast %broadcast_in_dim3A_1 : vector<16xf32> to vector<1x16xf32>
      tpu.vector_store %arg9[%swap3A, %swap3A_43], %swap3A_46 {strides = array<i32>} : memref<500x48xf32, #tpu.memory_space<vmem>>, vector<1x16xf32>,
      %swap3A_47 = arith.index_cast %scan3A_42 : i32 to index
      %swap3A_48 = arith.constant 16 : index
      %swap3A_49 = tpu.vector_load %arg9[%swap3A_47, %swap3A_48] {strides = array<i32>} : memref<500x48xf32, #tpu.memory_space<vmem>>, vector<1x16xf32>,
      %swap3A_50 = vector.shape_cast %swap3A_49 : vector<1x16xf32> to vector<16xf32>
      %swap3A_51 = vector.shape_cast %broadcast_in_dim3A_1 : vector<16xf32> to vector<1x16xf32>
      tpu.vector_store %arg9[%swap3A_47, %swap3A_48], %swap3A_51 {strides = array<i32>} : memref<500x48xf32, #tpu.memory_space<vmem>>, vector<1x16xf32>,
      %swap3A_52 = arith.index_cast %scan3A_42 : i32 to index
      %swap3A_53 = arith.constant 32 : index
      %swap3A_54 = tpu.vector_load %arg9[%swap3A_52, %swap3A_53] {strides = array<i32>} : memref<500x48xf32, #tpu.memory_space<vmem>>, vector<1x16xf32>,
      %swap3A_55 = vector.shape_cast %swap3A_54 : vector<1x16xf32> to vector<16xf32>
      %swap3A_56 = vector.shape_cast %broadcast_in_dim3A_1 : vector<16xf32> to vector<1x16xf32>
      tpu.vector_store %arg9[%swap3A_52, %swap3A_53], %swap3A_56 {strides = array<i32>} : memref<500x48xf32, #tpu.memory_space<vmem>>, vector<1x16xf32>,
    }
    %scan3A_6 = arith.constant 500 : i32
    %mul3A_7 = arith.constant 640 : i32
    %mul3A_8 = arith.muli %arg1, %mul3A_7 : i32
    "tpu.region"() ({
      %run_scoped3A_42 = tpu.sem_alloc : memref<!tpu.dma_semaphore, #tpu.memory_space<semaphore_mem>>
      %dma_start3A_43 = arith.constant 0 : i32
      %dma_start3A_44 = tpu.memref_slice %arg6[%mul3A_8, %dma_start3A_43] : memref<10240x48xf32, #tpu.memory_space<vmem_shared>> -> memref<500x48xf32, #tpu.memory_space<vmem_shared>>
      %dma_start3A_45 = arith.constant 0 : i32
      %dma_start3A_46 = tpu.memref_slice %arg6[%mul3A_8, %dma_start3A_45] : memref<10240x48xf32, #tpu.memory_space<vmem_shared>> -> memref<500x48xf32, #tpu.memory_space<vmem_shared>>
      tpu.enqueue_dma source(%arg9 : memref<500x48xf32, #tpu.memory_space<vmem>>) target(%dma_start3A_46 : memref<500x48xf32, #tpu.memory_space<vmem_shared>>) target_semaphore(%run_scoped3A_42 : memref<!tpu.dma_semaphore, #tpu.memory_space<semaphore_mem>>)
      %dma_wait3A = arith.constant 0 : i32
      %dma_wait3A_47 = tpu.memref_slice %arg6[%mul3A_8, %dma_wait3A] : memref<10240x48xf32, #tpu.memory_space<vmem_shared>> -> memref<500x48xf32, #tpu.memory_space<vmem_shared>>
      %dma_wait3A_48 = arith.constant 0 : i32
      %dma_wait3A_49 = tpu.memref_slice %arg6[%mul3A_8, %dma_wait3A_48] : memref<10240x48xf32, #tpu.memory_space<vmem_shared>> -> memref<500x48xf32, #tpu.memory_space<vmem_shared>>
      tpu.wait_dma2 semaphore(%run_scoped3A_42 : memref<!tpu.dma_semaphore, #tpu.memory_space<semaphore_mem>>) src(%arg9 : memref<500x48xf32, #tpu.memory_space<vmem>>) dst(%dma_wait3A_49 : memref<500x48xf32, #tpu.memory_space<vmem_shared>>)
      tpu.yield
    }) : () -> ()
    %add3A_9 = arith.constant 500 : i32
    %add3A_10 = arith.addi %mul3A_8, %add3A_9 : i32
    "tpu.region"() ({
      %run_scoped3A_42 = tpu.sem_alloc : memref<!tpu.dma_semaphore, #tpu.memory_space<semaphore_mem>>
      %dma_start3A_43 = arith.constant 0 : i32
      %dma_start3A_44 = arith.constant 0 : i32
      %dma_start3A_45 = tpu.memref_slice %arg9[%dma_start3A_43, %dma_start3A_44] : memref<500x48xf32, #tpu.memory_space<vmem>> -> memref<140x48xf32, #tpu.memory_space<vmem>>
      %dma_start3A_46 = arith.constant 0 : i32
      %dma_start3A_47 = tpu.memref_slice %arg6[%add3A_10, %dma_start3A_46] : memref<10240x48xf32, #tpu.memory_space<vmem_shared>> -> memref<140x48xf32, #tpu.memory_space<vmem_shared>>
      %dma_start3A_48 = arith.constant 0 : i32
      %dma_start3A_49 = tpu.memref_slice %arg6[%add3A_10, %dma_start3A_48] : memref<10240x48xf32, #tpu.memory_space<vmem_shared>> -> memref<140x48xf32, #tpu.memory_space<vmem_shared>>
      %dma_start3A_50 = arith.constant 0 : i32
      %dma_start3A_51 = arith.constant 0 : i32
      %dma_start3A_52 = tpu.memref_slice %arg9[%dma_start3A_50, %dma_start3A_51] : memref<500x48xf32, #tpu.memory_space<vmem>> -> memref<140x48xf32, #tpu.memory_space<vmem>>
      tpu.enqueue_dma source(%dma_start3A_52 : memref<140x48xf32, #tpu.memory_space<vmem>>) target(%dma_start3A_49 : memref<140x48xf32, #tpu.memory_space<vmem_shared>>) target_semaphore(%run_scoped3A_42 : memref<!tpu.dma_semaphore, #tpu.memory_space<semaphore_mem>>)
      %dma_wait3A = arith.constant 0 : i32
      %dma_wait3A_53 = arith.constant 0 : i32
      %dma_wait3A_54 = tpu.memref_slice %arg9[%dma_wait3A, %dma_wait3A_53] : memref<500x48xf32, #tpu.memory_space<vmem>> -> memref<140x48xf32, #tpu.memory_space<vmem>>
      %dma_wait3A_55 = arith.constant 0 : i32
      %dma_wait3A_56 = tpu.memref_slice %arg6[%add3A_10, %dma_wait3A_55] : memref<10240x48xf32, #tpu.memory_space<vmem_shared>> -> memref<140x48xf32, #tpu.memory_space<vmem_shared>>
      %dma_wait3A_57 = arith.constant 0 : i32
      %dma_wait3A_58 = tpu.memref_slice %arg6[%add3A_10, %dma_wait3A_57] : memref<10240x48xf32, #tpu.memory_space<vmem_shared>> -> memref<140x48xf32, #tpu.memory_space<vmem_shared>>
      %dma_wait3A_59 = arith.constant 0 : i32
      %dma_wait3A_60 = arith.constant 0 : i32
      %dma_wait3A_61 = tpu.memref_slice %arg9[%dma_wait3A_59, %dma_wait3A_60] : memref<500x48xf32, #tpu.memory_space<vmem>> -> memref<140x48xf32, #tpu.memory_space<vmem>>
      tpu.wait_dma2 semaphore(%run_scoped3A_42 : memref<!tpu.dma_semaphore, #tpu.memory_space<semaphore_mem>>) src(%dma_wait3A_61 : memref<140x48xf32, #tpu.memory_space<vmem>>) dst(%dma_wait3A_58 : memref<140x48xf32, #tpu.memory_space<vmem_shared>>)
      tpu.yield
    }) : () -> ()
    %barrier3A = arith.constant 0 : index
    tpu.barrier barrier_id(%barrier3A)
    %run_scoped3A = arith.constant 0 : i32
    %run_scoped3A_11 = arith.constant 0 : i32
    "tpu.region"() ({
      %run_scoped3A_42 = tpu.sem_alloc : memref<!tpu.dma_semaphore, #tpu.memory_space<semaphore_mem>>
      %dma_start3A_43 = arith.constant 0 : i32
      %dma_start3A_44 = tpu.memref_slice %arg7[%run_scoped3A_11, %dma_start3A_43] : memref<2x500xi32, #tpu.memory_space<vmem>> -> memref<1x500xi32, #tpu.memory_space<vmem>>
      %dma_start3A_45 = tpu.memref_squeeze %dma_start3A_44 : memref<1x500xi32, #tpu.memory_space<vmem>> -> memref<500xi32, #tpu.memory_space<vmem>>
      %dma_start3A_46 = arith.constant 0 : i32
      %dma_start3A_47 = tpu.memref_slice %arg3[%add3A, %run_scoped3A, %dma_start3A_46] : memref<32x20x500xi32, #tpu.memory_space<hbm>> -> memref<1x1x500xi32, #tpu.memory_space<hbm>>
      %dma_start3A_48 = tpu.memref_squeeze %dma_start3A_47 : memref<1x1x500xi32, #tpu.memory_space<hbm>> -> memref<500xi32, #tpu.memory_space<hbm>>
      %dma_start3A_49 = arith.constant 0 : i32
      %dma_start3A_50 = tpu.memref_slice %arg7[%run_scoped3A_11, %dma_start3A_49] : memref<2x500xi32, #tpu.memory_space<vmem>> -> memref<1x500xi32, #tpu.memory_space<vmem>>
      %dma_start3A_51 = tpu.memref_squeeze %dma_start3A_50 : memref<1x500xi32, #tpu.memory_space<vmem>> -> memref<500xi32, #tpu.memory_space<vmem>>
      %dma_start3A_52 = arith.constant 0 : i32
      %dma_start3A_53 = tpu.memref_slice %arg3[%add3A, %run_scoped3A, %dma_start3A_52] : memref<32x20x500xi32, #tpu.memory_space<hbm>> -> memref<1x1x500xi32, #tpu.memory_space<hbm>>
      %dma_start3A_54 = tpu.memref_squeeze %dma_start3A_53 : memref<1x1x500xi32, #tpu.memory_space<hbm>> -> memref<500xi32, #tpu.memory_space<hbm>>
      tpu.enqueue_dma source(%dma_start3A_54 : memref<500xi32, #tpu.memory_space<hbm>>) target(%dma_start3A_51 : memref<500xi32, #tpu.memory_space<vmem>>) target_semaphore(%run_scoped3A_42 : memref<!tpu.dma_semaphore, #tpu.memory_space<semaphore_mem>>)
      %dma_wait3A = arith.constant 0 : i32
      %dma_wait3A_55 = tpu.memref_slice %arg7[%run_scoped3A_11, %dma_wait3A] : memref<2x500xi32, #tpu.memory_space<vmem>> -> memref<1x500xi32, #tpu.memory_space<vmem>>
      %dma_wait3A_56 = tpu.memref_squeeze %dma_wait3A_55 : memref<1x500xi32, #tpu.memory_space<vmem>> -> memref<500xi32, #tpu.memory_space<vmem>>
      %dma_wait3A_57 = arith.constant 0 : i32
      %dma_wait3A_58 = tpu.memref_slice %arg3[%add3A, %run_scoped3A, %dma_wait3A_57] : memref<32x20x500xi32, #tpu.memory_space<hbm>> -> memref<1x1x500xi32, #tpu.memory_space<hbm>>
      %dma_wait3A_59 = tpu.memref_squeeze %dma_wait3A_58 : memref<1x1x500xi32, #tpu.memory_space<hbm>> -> memref<500xi32, #tpu.memory_space<hbm>>
      %dma_wait3A_60 = arith.constant 0 : i32
      %dma_wait3A_61 = tpu.memref_slice %arg7[%run_scoped3A_11, %dma_wait3A_60] : memref<2x500xi32, #tpu.memory_space<vmem>> -> memref<1x500xi32, #tpu.memory_space<vmem>>
      %dma_wait3A_62 = tpu.memref_squeeze %dma_wait3A_61 : memref<1x500xi32, #tpu.memory_space<vmem>> -> memref<500xi32, #tpu.memory_space<vmem>>
      %dma_wait3A_63 = arith.constant 0 : i32
      %dma_wait3A_64 = tpu.memref_slice %arg3[%add3A, %run_scoped3A, %dma_wait3A_63] : memref<32x20x500xi32, #tpu.memory_space<hbm>> -> memref<1x1x500xi32, #tpu.memory_space<hbm>>
      %dma_wait3A_65 = tpu.memref_squeeze %dma_wait3A_64 : memref<1x1x500xi32, #tpu.memory_space<hbm>> -> memref<500xi32, #tpu.memory_space<hbm>>
      tpu.wait_dma2 semaphore(%run_scoped3A_42 : memref<!tpu.dma_semaphore, #tpu.memory_space<semaphore_mem>>) src(%dma_wait3A_65 : memref<500xi32, #tpu.memory_space<hbm>>) dst(%dma_wait3A_62 : memref<500xi32, #tpu.memory_space<vmem>>)
      tpu.yield
    }) : () -> ()
    %run_scoped3A_12 = arith.constant 0 : i32
    %run_scoped3A_13 = arith.constant 0 : i32
    "tpu.region"() ({
      %run_scoped3A_42 = tpu.sem_alloc : memref<!tpu.dma_semaphore, #tpu.memory_space<semaphore_mem>>
      %dma_start3A_43 = arith.constant 0 : i32
      %dma_start3A_44 = arith.constant 0 : i32
      %dma_start3A_45 = tpu.memref_slice %arg8[%run_scoped3A_13, %dma_start3A_43, %dma_start3A_44] : memref<2x4x125xi32, #tpu.memory_space<vmem>> -> memref<1x4x125xi32, #tpu.memory_space<vmem>>
      %dma_start3A_46 = tpu.memref_squeeze %dma_start3A_45 : memref<1x4x125xi32, #tpu.memory_space<vmem>> -> memref<4x125xi32, #tpu.memory_space<vmem>>
      %dma_start3A_47 = arith.constant 0 : i32
      %dma_start3A_48 = arith.constant 0 : i32
      %dma_start3A_49 = tpu.memref_slice %arg4[%add3A, %run_scoped3A_12, %dma_start3A_47, %dma_start3A_48] : memref<32x20x4x125xi32, #tpu.memory_space<hbm>> -> memref<1x1x4x125xi32, #tpu.memory_space<hbm>>
      %dma_start3A_50 = tpu.memref_squeeze %dma_start3A_49 : memref<1x1x4x125xi32, #tpu.memory_space<hbm>> -> memref<4x125xi32, #tpu.memory_space<hbm>>
      %dma_start3A_51 = arith.constant 0 : i32
      %dma_start3A_52 = arith.constant 0 : i32
      %dma_start3A_53 = tpu.memref_slice %arg8[%run_scoped3A_13, %dma_start3A_51, %dma_start3A_52] : memref<2x4x125xi32, #tpu.memory_space<vmem>> -> memref<1x4x125xi32, #tpu.memory_space<vmem>>
      %dma_start3A_54 = tpu.memref_squeeze %dma_start3A_53 : memref<1x4x125xi32, #tpu.memory_space<vmem>> -> memref<4x125xi32, #tpu.memory_space<vmem>>
      %dma_start3A_55 = arith.constant 0 : i32
      %dma_start3A_56 = arith.constant 0 : i32
      %dma_start3A_57 = tpu.memref_slice %arg4[%add3A, %run_scoped3A_12, %dma_start3A_55, %dma_start3A_56] : memref<32x20x4x125xi32, #tpu.memory_space<hbm>> -> memref<1x1x4x125xi32, #tpu.memory_space<hbm>>
      %dma_start3A_58 = tpu.memref_squeeze %dma_start3A_57 : memref<1x1x4x125xi32, #tpu.memory_space<hbm>> -> memref<4x125xi32, #tpu.memory_space<hbm>>
      tpu.enqueue_dma source(%dma_start3A_58 : memref<4x125xi32, #tpu.memory_space<hbm>>) target(%dma_start3A_54 : memref<4x125xi32, #tpu.memory_space<vmem>>) target_semaphore(%run_scoped3A_42 : memref<!tpu.dma_semaphore, #tpu.memory_space<semaphore_mem>>)
      %dma_wait3A = arith.constant 0 : i32
      %dma_wait3A_59 = arith.constant 0 : i32
      %dma_wait3A_60 = tpu.memref_slice %arg8[%run_scoped3A_13, %dma_wait3A, %dma_wait3A_59] : memref<2x4x125xi32, #tpu.memory_space<vmem>> -> memref<1x4x125xi32, #tpu.memory_space<vmem>>
      %dma_wait3A_61 = tpu.memref_squeeze %dma_wait3A_60 : memref<1x4x125xi32, #tpu.memory_space<vmem>> -> memref<4x125xi32, #tpu.memory_space<vmem>>
      %dma_wait3A_62 = arith.constant 0 : i32
      %dma_wait3A_63 = arith.constant 0 : i32
      %dma_wait3A_64 = tpu.memref_slice %arg4[%add3A, %run_scoped3A_12, %dma_wait3A_62, %dma_wait3A_63] : memref<32x20x4x125xi32, #tpu.memory_space<hbm>> -> memref<1x1x4x125xi32, #tpu.memory_space<hbm>>
      %dma_wait3A_65 = tpu.memref_squeeze %dma_wait3A_64 : memref<1x1x4x125xi32, #tpu.memory_space<hbm>> -> memref<4x125xi32, #tpu.memory_space<hbm>>
      %dma_wait3A_66 = arith.constant 0 : i32
      %dma_wait3A_67 = arith.constant 0 : i32
      %dma_wait3A_68 = tpu.memref_slice %arg8[%run_scoped3A_13, %dma_wait3A_66, %dma_wait3A_67] : memref<2x4x125xi32, #tpu.memory_space<vmem>> -> memref<1x4x125xi32, #tpu.memory_space<vmem>>
      %dma_wait3A_69 = tpu.memref_squeeze %dma_wait3A_68 : memref<1x4x125xi32, #tpu.memory_space<vmem>> -> memref<4x125xi32, #tpu.memory_space<vmem>>
      %dma_wait3A_70 = arith.constant 0 : i32
      %dma_wait3A_71 = arith.constant 0 : i32
      %dma_wait3A_72 = tpu.memref_slice %arg4[%add3A, %run_scoped3A_12, %dma_wait3A_70, %dma_wait3A_71] : memref<32x20x4x125xi32, #tpu.memory_space<hbm>> -> memref<1x1x4x125xi32, #tpu.memory_space<hbm>>
      %dma_wait3A_73 = tpu.memref_squeeze %dma_wait3A_72 : memref<1x1x4x125xi32, #tpu.memory_space<hbm>> -> memref<4x125xi32, #tpu.memory_space<hbm>>
      tpu.wait_dma2 semaphore(%run_scoped3A_42 : memref<!tpu.dma_semaphore, #tpu.memory_space<semaphore_mem>>) src(%dma_wait3A_73 : memref<4x125xi32, #tpu.memory_space<hbm>>) dst(%dma_wait3A_69 : memref<4x125xi32, #tpu.memory_space<vmem>>)
      tpu.yield
    }) : () -> ()
    %run_scoped3A_14 = arith.constant 1 : i32
    %run_scoped3A_15 = arith.constant 1 : i32
    "tpu.region"() ({
      %run_scoped3A_42 = tpu.sem_alloc : memref<!tpu.dma_semaphore, #tpu.memory_space<semaphore_mem>>
      %dma_start3A_43 = arith.constant 0 : i32
      %dma_start3A_44 = tpu.memref_slice %arg7[%run_scoped3A_15, %dma_start3A_43] : memref<2x500xi32, #tpu.memory_space<vmem>> -> memref<1x500xi32, #tpu.memory_space<vmem>>
      %dma_start3A_45 = tpu.memref_squeeze %dma_start3A_44 : memref<1x500xi32, #tpu.memory_space<vmem>> -> memref<500xi32, #tpu.memory_space<vmem>>
      %dma_start3A_46 = arith.constant 0 : i32
      %dma_start3A_47 = tpu.memref_slice %arg3[%add3A, %run_scoped3A_14, %dma_start3A_46] : memref<32x20x500xi32, #tpu.memory_space<hbm>> -> memref<1x1x500xi32, #tpu.memory_space<hbm>>
      %dma_start3A_48 = tpu.memref_squeeze %dma_start3A_47 : memref<1x1x500xi32, #tpu.memory_space<hbm>> -> memref<500xi32, #tpu.memory_space<hbm>>
      %dma_start3A_49 = arith.constant 0 : i32
      %dma_start3A_50 = tpu.memref_slice %arg7[%run_scoped3A_15, %dma_start3A_49] : memref<2x500xi32, #tpu.memory_space<vmem>> -> memref<1x500xi32, #tpu.memory_space<vmem>>
      %dma_start3A_51 = tpu.memref_squeeze %dma_start3A_50 : memref<1x500xi32, #tpu.memory_space<vmem>> -> memref<500xi32, #tpu.memory_space<vmem>>
      %dma_start3A_52 = arith.constant 0 : i32
      %dma_start3A_53 = tpu.memref_slice %arg3[%add3A, %run_scoped3A_14, %dma_start3A_52] : memref<32x20x500xi32, #tpu.memory_space<hbm>> -> memref<1x1x500xi32, #tpu.memory_space<hbm>>
      %dma_start3A_54 = tpu.memref_squeeze %dma_start3A_53 : memref<1x1x500xi32, #tpu.memory_space<hbm>> -> memref<500xi32, #tpu.memory_space<hbm>>
      tpu.enqueue_dma source(%dma_start3A_54 : memref<500xi32, #tpu.memory_space<hbm>>) target(%dma_start3A_51 : memref<500xi32, #tpu.memory_space<vmem>>) target_semaphore(%run_scoped3A_42 : memref<!tpu.dma_semaphore, #tpu.memory_space<semaphore_mem>>)
      %dma_wait3A = arith.constant 0 : i32
      %dma_wait3A_55 = tpu.memref_slice %arg7[%run_scoped3A_15, %dma_wait3A] : memref<2x500xi32, #tpu.memory_space<vmem>> -> memref<1x500xi32, #tpu.memory_space<vmem>>
      %dma_wait3A_56 = tpu.memref_squeeze %dma_wait3A_55 : memref<1x500xi32, #tpu.memory_space<vmem>> -> memref<500xi32, #tpu.memory_space<vmem>>
      %dma_wait3A_57 = arith.constant 0 : i32
      %dma_wait3A_58 = tpu.memref_slice %arg3[%add3A, %run_scoped3A_14, %dma_wait3A_57] : memref<32x20x500xi32, #tpu.memory_space<hbm>> -> memref<1x1x500xi32, #tpu.memory_space<hbm>>
      %dma_wait3A_59 = tpu.memref_squeeze %dma_wait3A_58 : memref<1x1x500xi32, #tpu.memory_space<hbm>> -> memref<500xi32, #tpu.memory_space<hbm>>
      %dma_wait3A_60 = arith.constant 0 : i32
      %dma_wait3A_61 = tpu.memref_slice %arg7[%run_scoped3A_15, %dma_wait3A_60] : memref<2x500xi32, #tpu.memory_space<vmem>> -> memref<1x500xi32, #tpu.memory_space<vmem>>
      %dma_wait3A_62 = tpu.memref_squeeze %dma_wait3A_61 : memref<1x500xi32, #tpu.memory_space<vmem>> -> memref<500xi32, #tpu.memory_space<vmem>>
      %dma_wait3A_63 = arith.constant 0 : i32
      %dma_wait3A_64 = tpu.memref_slice %arg3[%add3A, %run_scoped3A_14, %dma_wait3A_63] : memref<32x20x500xi32, #tpu.memory_space<hbm>> -> memref<1x1x500xi32, #tpu.memory_space<hbm>>
      %dma_wait3A_65 = tpu.memref_squeeze %dma_wait3A_64 : memref<1x1x500xi32, #tpu.memory_space<hbm>> -> memref<500xi32, #tpu.memory_space<hbm>>
      tpu.wait_dma2 semaphore(%run_scoped3A_42 : memref<!tpu.dma_semaphore, #tpu.memory_space<semaphore_mem>>) src(%dma_wait3A_65 : memref<500xi32, #tpu.memory_space<hbm>>) dst(%dma_wait3A_62 : memref<500xi32, #tpu.memory_space<vmem>>)
      tpu.yield
    }) : () -> ()
    %run_scoped3A_16 = arith.constant 1 : i32
    %run_scoped3A_17 = arith.constant 1 : i32
    "tpu.region"() ({
      %run_scoped3A_42 = tpu.sem_alloc : memref<!tpu.dma_semaphore, #tpu.memory_space<semaphore_mem>>
      %dma_start3A_43 = arith.constant 0 : i32
      %dma_start3A_44 = arith.constant 0 : i32
      %dma_start3A_45 = tpu.memref_slice %arg8[%run_scoped3A_17, %dma_start3A_43, %dma_start3A_44] : memref<2x4x125xi32, #tpu.memory_space<vmem>> -> memref<1x4x125xi32, #tpu.memory_space<vmem>>
      %dma_start3A_46 = tpu.memref_squeeze %dma_start3A_45 : memref<1x4x125xi32, #tpu.memory_space<vmem>> -> memref<4x125xi32, #tpu.memory_space<vmem>>
      %dma_start3A_47 = arith.constant 0 : i32
      %dma_start3A_48 = arith.constant 0 : i32
      %dma_start3A_49 = tpu.memref_slice %arg4[%add3A, %run_scoped3A_16, %dma_start3A_47, %dma_start3A_48] : memref<32x20x4x125xi32, #tpu.memory_space<hbm>> -> memref<1x1x4x125xi32, #tpu.memory_space<hbm>>
      %dma_start3A_50 = tpu.memref_squeeze %dma_start3A_49 : memref<1x1x4x125xi32, #tpu.memory_space<hbm>> -> memref<4x125xi32, #tpu.memory_space<hbm>>
      %dma_start3A_51 = arith.constant 0 : i32
      %dma_start3A_52 = arith.constant 0 : i32
      %dma_start3A_53 = tpu.memref_slice %arg8[%run_scoped3A_17, %dma_start3A_51, %dma_start3A_52] : memref<2x4x125xi32, #tpu.memory_space<vmem>> -> memref<1x4x125xi32, #tpu.memory_space<vmem>>
      %dma_start3A_54 = tpu.memref_squeeze %dma_start3A_53 : memref<1x4x125xi32, #tpu.memory_space<vmem>> -> memref<4x125xi32, #tpu.memory_space<vmem>>
      %dma_start3A_55 = arith.constant 0 : i32
      %dma_start3A_56 = arith.constant 0 : i32
      %dma_start3A_57 = tpu.memref_slice %arg4[%add3A, %run_scoped3A_16, %dma_start3A_55, %dma_start3A_56] : memref<32x20x4x125xi32, #tpu.memory_space<hbm>> -> memref<1x1x4x125xi32, #tpu.memory_space<hbm>>
      %dma_start3A_58 = tpu.memref_squeeze %dma_start3A_57 : memref<1x1x4x125xi32, #tpu.memory_space<hbm>> -> memref<4x125xi32, #tpu.memory_space<hbm>>
      tpu.enqueue_dma source(%dma_start3A_58 : memref<4x125xi32, #tpu.memory_space<hbm>>) target(%dma_start3A_54 : memref<4x125xi32, #tpu.memory_space<vmem>>) target_semaphore(%run_scoped3A_42 : memref<!tpu.dma_semaphore, #tpu.memory_space<semaphore_mem>>)
      %dma_wait3A = arith.constant 0 : i32
      %dma_wait3A_59 = arith.constant 0 : i32
      %dma_wait3A_60 = tpu.memref_slice %arg8[%run_scoped3A_17, %dma_wait3A, %dma_wait3A_59] : memref<2x4x125xi32, #tpu.memory_space<vmem>> -> memref<1x4x125xi32, #tpu.memory_space<vmem>>
      %dma_wait3A_61 = tpu.memref_squeeze %dma_wait3A_60 : memref<1x4x125xi32, #tpu.memory_space<vmem>> -> memref<4x125xi32, #tpu.memory_space<vmem>>
      %dma_wait3A_62 = arith.constant 0 : i32
      %dma_wait3A_63 = arith.constant 0 : i32
      %dma_wait3A_64 = tpu.memref_slice %arg4[%add3A, %run_scoped3A_16, %dma_wait3A_62, %dma_wait3A_63] : memref<32x20x4x125xi32, #tpu.memory_space<hbm>> -> memref<1x1x4x125xi32, #tpu.memory_space<hbm>>
      %dma_wait3A_65 = tpu.memref_squeeze %dma_wait3A_64 : memref<1x1x4x125xi32, #tpu.memory_space<hbm>> -> memref<4x125xi32, #tpu.memory_space<hbm>>
      %dma_wait3A_66 = arith.constant 0 : i32
      %dma_wait3A_67 = arith.constant 0 : i32
      %dma_wait3A_68 = tpu.memref_slice %arg8[%run_scoped3A_17, %dma_wait3A_66, %dma_wait3A_67] : memref<2x4x125xi32, #tpu.memory_space<vmem>> -> memref<1x4x125xi32, #tpu.memory_space<vmem>>
      %dma_wait3A_69 = tpu.memref_squeeze %dma_wait3A_68 : memref<1x4x125xi32, #tpu.memory_space<vmem>> -> memref<4x125xi32, #tpu.memory_space<vmem>>
      %dma_wait3A_70 = arith.constant 0 : i32
      %dma_wait3A_71 = arith.constant 0 : i32
      %dma_wait3A_72 = tpu.memref_slice %arg4[%add3A, %run_scoped3A_16, %dma_wait3A_70, %dma_wait3A_71] : memref<32x20x4x125xi32, #tpu.memory_space<hbm>> -> memref<1x1x4x125xi32, #tpu.memory_space<hbm>>
      %dma_wait3A_73 = tpu.memref_squeeze %dma_wait3A_72 : memref<1x1x4x125xi32, #tpu.memory_space<hbm>> -> memref<4x125xi32, #tpu.memory_space<hbm>>
      tpu.wait_dma2 semaphore(%run_scoped3A_42 : memref<!tpu.dma_semaphore, #tpu.memory_space<semaphore_mem>>) src(%dma_wait3A_73 : memref<4x125xi32, #tpu.memory_space<hbm>>) dst(%dma_wait3A_69 : memref<4x125xi32, #tpu.memory_space<vmem>>)
      tpu.yield
    }) : () -> ()
    %dma_start3A = arith.constant 0 : i32
    %dma_start3A_18 = arith.constant 0 : i32
    %dma_start3A_19 = tpu.memref_slice %arg7[%dma_start3A, %dma_start3A_18] : memref<2x500xi32, #tpu.memory_space<vmem>> -> memref<1x500xi32, #tpu.memory_space<vmem>>
    %dma_start3A_20 = tpu.memref_squeeze %dma_start3A_19 : memref<1x500xi32, #tpu.memory_space<vmem>> -> memref<500xi32, #tpu.memory_space<vmem>>
    %dma_start3A_21 = arith.constant 0 : i32
    %dma_start3A_22 = arith.constant 0 : i32
    %dma_start3A_23 = tpu.memref_slice %arg2[%dma_start3A_21, %dma_start3A_22] : memref<10240x48xf32, #tpu.memory_space<hbm>> -> memref<10240x48xf32, #tpu.memory_space<hbm>>
    tpu.enqueue_indirect_dma source(%dma_start3A_23 : memref<10240x48xf32, #tpu.memory_space<hbm>>) target(%arg9 : memref<500x48xf32, #tpu.memory_space<vmem>>) offsets(%dma_start3A_20 : memref<500xi32, #tpu.memory_space<vmem>>) semaphore(%arg11 : memref<!tpu.dma_semaphore, #tpu.memory_space<semaphore_mem>>)
    %dma_start3A_24 = arith.constant 1 : i32
    %dma_start3A_25 = arith.constant 0 : i32
    %dma_start3A_26 = tpu.memref_slice %arg7[%dma_start3A_24, %dma_start3A_25] : memref<2x500xi32, #tpu.memory_space<vmem>> -> memref<1x500xi32, #tpu.memory_space<vmem>>
    %dma_start3A_27 = tpu.memref_squeeze %dma_start3A_26 : memref<1x500xi32, #tpu.memory_space<vmem>> -> memref<500xi32, #tpu.memory_space<vmem>>
    %dma_start3A_28 = arith.constant 0 : i32
    %dma_start3A_29 = arith.constant 0 : i32
    %dma_start3A_30 = tpu.memref_slice %arg2[%dma_start3A_28, %dma_start3A_29] : memref<10240x48xf32, #tpu.memory_space<hbm>> -> memref<10240x48xf32, #tpu.memory_space<hbm>>
    tpu.enqueue_indirect_dma source(%dma_start3A_30 : memref<10240x48xf32, #tpu.memory_space<hbm>>) target(%arg10 : memref<500x48xf32, #tpu.memory_space<vmem>>) offsets(%dma_start3A_27 : memref<500xi32, #tpu.memory_space<vmem>>) semaphore(%arg12 : memref<!tpu.dma_semaphore, #tpu.memory_space<semaphore_mem>>)
    %scan3A_31 = arith.constant 0 : i32
    %scan3A_32 = arith.constant 0 : i32
    %scan3A_33 = arith.constant 10 : i32
    %scan3A_34 = arith.addi %scan3A_32, %scan3A_33 : i32
    %scan3A_35 = arith.constant 1 : i32
    scf.for %scan3A_42 = %scan3A_32 to %scan3A_34 step %scan3A_35  : i32 {
      %mul3A_43 = arith.constant 2 : i32
      %mul3A_44 = arith.muli %mul3A_43, %scan3A_42 : i32
      %dma_wait3A = arith.constant 0 : i32
      %dma_wait3A_45 = arith.constant 0 : i32
      %dma_wait3A_46 = tpu.memref_slice %arg7[%dma_wait3A, %dma_wait3A_45] : memref<2x500xi32, #tpu.memory_space<vmem>> -> memref<1x500xi32, #tpu.memory_space<vmem>>
      %dma_wait3A_47 = tpu.memref_squeeze %dma_wait3A_46 : memref<1x500xi32, #tpu.memory_space<vmem>> -> memref<500xi32, #tpu.memory_space<vmem>>
      %dma_wait3A_48 = arith.constant 0 : i32
      %dma_wait3A_49 = arith.constant 0 : i32
      %dma_wait3A_50 = tpu.memref_slice %arg2[%dma_wait3A_48, %dma_wait3A_49] : memref<10240x48xf32, #tpu.memory_space<hbm>> -> memref<10240x48xf32, #tpu.memory_space<hbm>>
      tpu.wait_indirect_dma semaphore(%arg11 : memref<!tpu.dma_semaphore, #tpu.memory_space<semaphore_mem>>) src(%dma_wait3A_50 : memref<10240x48xf32, #tpu.memory_space<hbm>>) dst(%arg9 : memref<500x48xf32, #tpu.memory_space<vmem>>)
      %add3A_51 = arith.constant 2 : i32
      %add3A_52 = arith.addi %mul3A_44, %add3A_51 : i32
      %lt3A = arith.constant 20 : i32
      %lt3A_53 = arith.cmpi slt, %add3A_52, %lt3A : i32
      %convert_element_type3A = arith.extui %lt3A_53 : i1 to i32
      %cond3A = arith.constant 0 : i32
      %cond3A_54 = arith.cmpi ne, %convert_element_type3A, %cond3A : i32
      scf.if %cond3A_54 {
        %add3A_261 = arith.constant 2 : i32
        %add3A_262 = arith.addi %mul3A_44, %add3A_261 : i32
        %dma_start3A_263 = arith.constant 0 : i32
        %dma_start3A_264 = arith.constant 0 : i32
        %dma_start3A_265 = tpu.memref_slice %arg7[%dma_start3A_263, %dma_start3A_264] : memref<2x500xi32, #tpu.memory_space<vmem>> -> memref<1x500xi32, #tpu.memory_space<vmem>>
        %dma_start3A_266 = tpu.memref_squeeze %dma_start3A_265 : memref<1x500xi32, #tpu.memory_space<vmem>> -> memref<500xi32, #tpu.memory_space<vmem>>
        %dma_start3A_267 = arith.constant 0 : i32
        %dma_start3A_268 = tpu.memref_slice %arg3[%add3A, %add3A_262, %dma_start3A_267] : memref<32x20x500xi32, #tpu.memory_space<hbm>> -> memref<1x1x500xi32, #tpu.memory_space<hbm>>
        %dma_start3A_269 = tpu.memref_squeeze %dma_start3A_268 : memref<1x1x500xi32, #tpu.memory_space<hbm>> -> memref<500xi32, #tpu.memory_space<hbm>>
        %dma_start3A_270 = arith.constant 0 : i32
        %dma_start3A_271 = tpu.memref_slice %arg7[%dma_start3A_263, %dma_start3A_270] : memref<2x500xi32, #tpu.memory_space<vmem>> -> memref<1x500xi32, #tpu.memory_space<vmem>>
        %dma_start3A_272 = tpu.memref_squeeze %dma_start3A_271 : memref<1x500xi32, #tpu.memory_space<vmem>> -> memref<500xi32, #tpu.memory_space<vmem>>
        %dma_start3A_273 = arith.constant 0 : i32
        %dma_start3A_274 = tpu.memref_slice %arg3[%add3A, %add3A_262, %dma_start3A_273] : memref<32x20x500xi32, #tpu.memory_space<hbm>> -> memref<1x1x500xi32, #tpu.memory_space<hbm>>
        %dma_start3A_275 = tpu.memref_squeeze %dma_start3A_274 : memref<1x1x500xi32, #tpu.memory_space<hbm>> -> memref<500xi32, #tpu.memory_space<hbm>>
        tpu.enqueue_dma source(%dma_start3A_275 : memref<500xi32, #tpu.memory_space<hbm>>) target(%dma_start3A_272 : memref<500xi32, #tpu.memory_space<vmem>>) target_semaphore(%arg15 : memref<!tpu.dma_semaphore, #tpu.memory_space<semaphore_mem>>)
      } else {
      }
      %dma_start3A_55 = arith.constant 0 : i32
      %dma_start3A_56 = arith.constant 0 : i32
      %dma_start3A_57 = arith.constant 0 : i32
      %dma_start3A_58 = arith.constant 0 : i32
      %dma_start3A_59 = tpu.memref_slice %arg9[%dma_start3A_57, %dma_start3A_58] : memref<500x48xf32, #tpu.memory_space<vmem>> -> memref<125x48xf32, #tpu.memory_space<vmem>>
      %dma_start3A_60 = arith.constant 0 : i32
      %dma_start3A_61 = tpu.memref_slice %arg8[%dma_start3A_55, %dma_start3A_56, %dma_start3A_60] : memref<2x4x125xi32, #tpu.memory_space<vmem>> -> memref<1x1x125xi32, #tpu.memory_space<vmem>>
      %dma_start3A_62 = tpu.memref_squeeze %dma_start3A_61 : memref<1x1x125xi32, #tpu.memory_space<vmem>> -> memref<125xi32, #tpu.memory_space<vmem>>
      %dma_start3A_63 = arith.constant 0 : i32
      %dma_start3A_64 = arith.constant 0 : i32
      %dma_start3A_65 = tpu.memref_slice %arg6[%dma_start3A_63, %dma_start3A_64] : memref<10240x48xf32, #tpu.memory_space<vmem_shared>> -> memref<10240x48xf32, #tpu.memory_space<vmem_shared>>
      tpu.enqueue_indirect_dma source(%dma_start3A_59 : memref<125x48xf32, #tpu.memory_space<vmem>>) target(%dma_start3A_65 : memref<10240x48xf32, #tpu.memory_space<vmem_shared>>) offsets(%dma_start3A_62 : memref<125xi32, #tpu.memory_space<vmem>>) semaphore(%arg13 : memref<!tpu.dma_semaphore, #tpu.memory_space<semaphore_mem>>) {add = true}
      %dma_start3A_66 = arith.constant 0 : i32
      %dma_start3A_67 = arith.constant 1 : i32
      %dma_start3A_68 = arith.constant 125 : i32
      %dma_start3A_69 = arith.constant 0 : i32
      %dma_start3A_70 = tpu.memref_slice %arg9[%dma_start3A_68, %dma_start3A_69] : memref<500x48xf32, #tpu.memory_space<vmem>> -> memref<125x48xf32, #tpu.memory_space<vmem>>
      %dma_start3A_71 = arith.constant 0 : i32
      %dma_start3A_72 = tpu.memref_slice %arg8[%dma_start3A_66, %dma_start3A_67, %dma_start3A_71] : memref<2x4x125xi32, #tpu.memory_space<vmem>> -> memref<1x1x125xi32, #tpu.memory_space<vmem>>
      %dma_start3A_73 = tpu.memref_squeeze %dma_start3A_72 : memref<1x1x125xi32, #tpu.memory_space<vmem>> -> memref<125xi32, #tpu.memory_space<vmem>>
      %dma_start3A_74 = arith.constant 0 : i32
      %dma_start3A_75 = arith.constant 0 : i32
      %dma_start3A_76 = tpu.memref_slice %arg6[%dma_start3A_74, %dma_start3A_75] : memref<10240x48xf32, #tpu.memory_space<vmem_shared>> -> memref<10240x48xf32, #tpu.memory_space<vmem_shared>>
      tpu.enqueue_indirect_dma source(%dma_start3A_70 : memref<125x48xf32, #tpu.memory_space<vmem>>) target(%dma_start3A_76 : memref<10240x48xf32, #tpu.memory_space<vmem_shared>>) offsets(%dma_start3A_73 : memref<125xi32, #tpu.memory_space<vmem>>) semaphore(%arg13 : memref<!tpu.dma_semaphore, #tpu.memory_space<semaphore_mem>>) {add = true}
      %dma_start3A_77 = arith.constant 0 : i32
      %dma_start3A_78 = arith.constant 2 : i32
      %dma_start3A_79 = arith.constant 250 : i32
      %dma_start3A_80 = arith.constant 0 : i32
      %dma_start3A_81 = tpu.memref_slice %arg9[%dma_start3A_79, %dma_start3A_80] : memref<500x48xf32, #tpu.memory_space<vmem>> -> memref<125x48xf32, #tpu.memory_space<vmem>>
      %dma_start3A_82 = arith.constant 0 : i32
      %dma_start3A_83 = tpu.memref_slice %arg8[%dma_start3A_77, %dma_start3A_78, %dma_start3A_82] : memref<2x4x125xi32, #tpu.memory_space<vmem>> -> memref<1x1x125xi32, #tpu.memory_space<vmem>>
      %dma_start3A_84 = tpu.memref_squeeze %dma_start3A_83 : memref<1x1x125xi32, #tpu.memory_space<vmem>> -> memref<125xi32, #tpu.memory_space<vmem>>
      %dma_start3A_85 = arith.constant 0 : i32
      %dma_start3A_86 = arith.constant 0 : i32
      %dma_start3A_87 = tpu.memref_slice %arg6[%dma_start3A_85, %dma_start3A_86] : memref<10240x48xf32, #tpu.memory_space<vmem_shared>> -> memref<10240x48xf32, #tpu.memory_space<vmem_shared>>
      tpu.enqueue_indirect_dma source(%dma_start3A_81 : memref<125x48xf32, #tpu.memory_space<vmem>>) target(%dma_start3A_87 : memref<10240x48xf32, #tpu.memory_space<vmem_shared>>) offsets(%dma_start3A_84 : memref<125xi32, #tpu.memory_space<vmem>>) semaphore(%arg13 : memref<!tpu.dma_semaphore, #tpu.memory_space<semaphore_mem>>) {add = true}
      %dma_start3A_88 = arith.constant 0 : i32
      %dma_start3A_89 = arith.constant 3 : i32
      %dma_start3A_90 = arith.constant 375 : i32
      %dma_start3A_91 = arith.constant 0 : i32
      %dma_start3A_92 = tpu.memref_slice %arg9[%dma_start3A_90, %dma_start3A_91] : memref<500x48xf32, #tpu.memory_space<vmem>> -> memref<125x48xf32, #tpu.memory_space<vmem>>
      %dma_start3A_93 = arith.constant 0 : i32
      %dma_start3A_94 = tpu.memref_slice %arg8[%dma_start3A_88, %dma_start3A_89, %dma_start3A_93] : memref<2x4x125xi32, #tpu.memory_space<vmem>> -> memref<1x1x125xi32, #tpu.memory_space<vmem>>
      %dma_start3A_95 = tpu.memref_squeeze %dma_start3A_94 : memref<1x1x125xi32, #tpu.memory_space<vmem>> -> memref<125xi32, #tpu.memory_space<vmem>>
      %dma_start3A_96 = arith.constant 0 : i32
      %dma_start3A_97 = arith.constant 0 : i32
      %dma_start3A_98 = tpu.memref_slice %arg6[%dma_start3A_96, %dma_start3A_97] : memref<10240x48xf32, #tpu.memory_space<vmem_shared>> -> memref<10240x48xf32, #tpu.memory_space<vmem_shared>>
      tpu.enqueue_indirect_dma source(%dma_start3A_92 : memref<125x48xf32, #tpu.memory_space<vmem>>) target(%dma_start3A_98 : memref<10240x48xf32, #tpu.memory_space<vmem_shared>>) offsets(%dma_start3A_95 : memref<125xi32, #tpu.memory_space<vmem>>) semaphore(%arg13 : memref<!tpu.dma_semaphore, #tpu.memory_space<semaphore_mem>>) {add = true}
      %dma_wait3A_99 = arith.constant 0 : i32
      %dma_wait3A_100 = arith.constant 0 : i32
      %dma_wait3A_101 = arith.constant 0 : i32
      %dma_wait3A_102 = arith.constant 0 : i32
      %dma_wait3A_103 = tpu.memref_slice %arg9[%dma_wait3A_101, %dma_wait3A_102] : memref<500x48xf32, #tpu.memory_space<vmem>> -> memref<125x48xf32, #tpu.memory_space<vmem>>
      %dma_wait3A_104 = arith.constant 0 : i32
      %dma_wait3A_105 = tpu.memref_slice %arg8[%dma_wait3A_99, %dma_wait3A_100, %dma_wait3A_104] : memref<2x4x125xi32, #tpu.memory_space<vmem>> -> memref<1x1x125xi32, #tpu.memory_space<vmem>>
      %dma_wait3A_106 = tpu.memref_squeeze %dma_wait3A_105 : memref<1x1x125xi32, #tpu.memory_space<vmem>> -> memref<125xi32, #tpu.memory_space<vmem>>
      %dma_wait3A_107 = arith.constant 0 : i32
      %dma_wait3A_108 = arith.constant 0 : i32
      %dma_wait3A_109 = tpu.memref_slice %arg6[%dma_wait3A_107, %dma_wait3A_108] : memref<10240x48xf32, #tpu.memory_space<vmem_shared>> -> memref<10240x48xf32, #tpu.memory_space<vmem_shared>>
      tpu.wait_indirect_dma semaphore(%arg13 : memref<!tpu.dma_semaphore, #tpu.memory_space<semaphore_mem>>) src(%dma_wait3A_103 : memref<125x48xf32, #tpu.memory_space<vmem>>) dst(%dma_wait3A_109 : memref<10240x48xf32, #tpu.memory_space<vmem_shared>>)
      %dma_wait3A_110 = arith.constant 0 : i32
      %dma_wait3A_111 = arith.constant 1 : i32
      %dma_wait3A_112 = arith.constant 125 : i32
      %dma_wait3A_113 = arith.constant 0 : i32
      %dma_wait3A_114 = tpu.memref_slice %arg9[%dma_wait3A_112, %dma_wait3A_113] : memref<500x48xf32, #tpu.memory_space<vmem>> -> memref<125x48xf32, #tpu.memory_space<vmem>>
      %dma_wait3A_115 = arith.constant 0 : i32
      %dma_wait3A_116 = tpu.memref_slice %arg8[%dma_wait3A_110, %dma_wait3A_111, %dma_wait3A_115] : memref<2x4x125xi32, #tpu.memory_space<vmem>> -> memref<1x1x125xi32, #tpu.memory_space<vmem>>
      %dma_wait3A_117 = tpu.memref_squeeze %dma_wait3A_116 : memref<1x1x125xi32, #tpu.memory_space<vmem>> -> memref<125xi32, #tpu.memory_space<vmem>>
      %dma_wait3A_118 = arith.constant 0 : i32
      %dma_wait3A_119 = arith.constant 0 : i32
      %dma_wait3A_120 = tpu.memref_slice %arg6[%dma_wait3A_118, %dma_wait3A_119] : memref<10240x48xf32, #tpu.memory_space<vmem_shared>> -> memref<10240x48xf32, #tpu.memory_space<vmem_shared>>
      tpu.wait_indirect_dma semaphore(%arg13 : memref<!tpu.dma_semaphore, #tpu.memory_space<semaphore_mem>>) src(%dma_wait3A_114 : memref<125x48xf32, #tpu.memory_space<vmem>>) dst(%dma_wait3A_120 : memref<10240x48xf32, #tpu.memory_space<vmem_shared>>)
      %dma_wait3A_121 = arith.constant 0 : i32
      %dma_wait3A_122 = arith.constant 2 : i32
      %dma_wait3A_123 = arith.constant 250 : i32
      %dma_wait3A_124 = arith.constant 0 : i32
      %dma_wait3A_125 = tpu.memref_slice %arg9[%dma_wait3A_123, %dma_wait3A_124] : memref<500x48xf32, #tpu.memory_space<vmem>> -> memref<125x48xf32, #tpu.memory_space<vmem>>
      %dma_wait3A_126 = arith.constant 0 : i32
      %dma_wait3A_127 = tpu.memref_slice %arg8[%dma_wait3A_121, %dma_wait3A_122, %dma_wait3A_126] : memref<2x4x125xi32, #tpu.memory_space<vmem>> -> memref<1x1x125xi32, #tpu.memory_space<vmem>>
      %dma_wait3A_128 = tpu.memref_squeeze %dma_wait3A_127 : memref<1x1x125xi32, #tpu.memory_space<vmem>> -> memref<125xi32, #tpu.memory_space<vmem>>
      %dma_wait3A_129 = arith.constant 0 : i32
      %dma_wait3A_130 = arith.constant 0 : i32
      %dma_wait3A_131 = tpu.memref_slice %arg6[%dma_wait3A_129, %dma_wait3A_130] : memref<10240x48xf32, #tpu.memory_space<vmem_shared>> -> memref<10240x48xf32, #tpu.memory_space<vmem_shared>>
      tpu.wait_indirect_dma semaphore(%arg13 : memref<!tpu.dma_semaphore, #tpu.memory_space<semaphore_mem>>) src(%dma_wait3A_125 : memref<125x48xf32, #tpu.memory_space<vmem>>) dst(%dma_wait3A_131 : memref<10240x48xf32, #tpu.memory_space<vmem_shared>>)
      %dma_wait3A_132 = arith.constant 0 : i32
      %dma_wait3A_133 = arith.constant 3 : i32
      %dma_wait3A_134 = arith.constant 375 : i32
      %dma_wait3A_135 = arith.constant 0 : i32
      %dma_wait3A_136 = tpu.memref_slice %arg9[%dma_wait3A_134, %dma_wait3A_135] : memref<500x48xf32, #tpu.memory_space<vmem>> -> memref<125x48xf32, #tpu.memory_space<vmem>>
      %dma_wait3A_137 = arith.constant 0 : i32
      %dma_wait3A_138 = tpu.memref_slice %arg8[%dma_wait3A_132, %dma_wait3A_133, %dma_wait3A_137] : memref<2x4x125xi32, #tpu.memory_space<vmem>> -> memref<1x1x125xi32, #tpu.memory_space<vmem>>
      %dma_wait3A_139 = tpu.memref_squeeze %dma_wait3A_138 : memref<1x1x125xi32, #tpu.memory_space<vmem>> -> memref<125xi32, #tpu.memory_space<vmem>>
      %dma_wait3A_140 = arith.constant 0 : i32
      %dma_wait3A_141 = arith.constant 0 : i32
      %dma_wait3A_142 = tpu.memref_slice %arg6[%dma_wait3A_140, %dma_wait3A_141] : memref<10240x48xf32, #tpu.memory_space<vmem_shared>> -> memref<10240x48xf32, #tpu.memory_space<vmem_shared>>
      tpu.wait_indirect_dma semaphore(%arg13 : memref<!tpu.dma_semaphore, #tpu.memory_space<semaphore_mem>>) src(%dma_wait3A_136 : memref<125x48xf32, #tpu.memory_space<vmem>>) dst(%dma_wait3A_142 : memref<10240x48xf32, #tpu.memory_space<vmem_shared>>)
      %add3A_143 = arith.constant 2 : i32
      %add3A_144 = arith.addi %mul3A_44, %add3A_143 : i32
      %lt3A_145 = arith.constant 20 : i32
      %lt3A_146 = arith.cmpi slt, %add3A_144, %lt3A_145 : i32
      %convert_element_type3A_147 = arith.extui %lt3A_146 : i1 to i32
      %cond3A_148 = arith.constant 0 : i32
      %cond3A_149 = arith.cmpi ne, %convert_element_type3A_147, %cond3A_148 : i32
      scf.if %cond3A_149 {
        %add3A_261 = arith.constant 2 : i32
        %add3A_262 = arith.addi %mul3A_44, %add3A_261 : i32
        %dma_start3A_263 = arith.constant 0 : i32
        %dma_start3A_264 = arith.constant 0 : i32
        %dma_start3A_265 = arith.constant 0 : i32
        %dma_start3A_266 = tpu.memref_slice %arg8[%dma_start3A_263, %dma_start3A_264, %dma_start3A_265] : memref<2x4x125xi32, #tpu.memory_space<vmem>> -> memref<1x4x125xi32, #tpu.memory_space<vmem>>
        %dma_start3A_267 = tpu.memref_squeeze %dma_start3A_266 : memref<1x4x125xi32, #tpu.memory_space<vmem>> -> memref<4x125xi32, #tpu.memory_space<vmem>>
        %dma_start3A_268 = arith.constant 0 : i32
        %dma_start3A_269 = arith.constant 0 : i32
        %dma_start3A_270 = tpu.memref_slice %arg4[%add3A, %add3A_262, %dma_start3A_268, %dma_start3A_269] : memref<32x20x4x125xi32, #tpu.memory_space<hbm>> -> memref<1x1x4x125xi32, #tpu.memory_space<hbm>>
        %dma_start3A_271 = tpu.memref_squeeze %dma_start3A_270 : memref<1x1x4x125xi32, #tpu.memory_space<hbm>> -> memref<4x125xi32, #tpu.memory_space<hbm>>
        %dma_start3A_272 = arith.constant 0 : i32
        %dma_start3A_273 = arith.constant 0 : i32
        %dma_start3A_274 = tpu.memref_slice %arg8[%dma_start3A_263, %dma_start3A_272, %dma_start3A_273] : memref<2x4x125xi32, #tpu.memory_space<vmem>> -> memref<1x4x125xi32, #tpu.memory_space<vmem>>
        %dma_start3A_275 = tpu.memref_squeeze %dma_start3A_274 : memref<1x4x125xi32, #tpu.memory_space<vmem>> -> memref<4x125xi32, #tpu.memory_space<vmem>>
        %dma_start3A_276 = arith.constant 0 : i32
        %dma_start3A_277 = arith.constant 0 : i32
        %dma_start3A_278 = tpu.memref_slice %arg4[%add3A, %add3A_262, %dma_start3A_276, %dma_start3A_277] : memref<32x20x4x125xi32, #tpu.memory_space<hbm>> -> memref<1x1x4x125xi32, #tpu.memory_space<hbm>>
        %dma_start3A_279 = tpu.memref_squeeze %dma_start3A_278 : memref<1x1x4x125xi32, #tpu.memory_space<hbm>> -> memref<4x125xi32, #tpu.memory_space<hbm>>
        tpu.enqueue_dma source(%dma_start3A_279 : memref<4x125xi32, #tpu.memory_space<hbm>>) target(%dma_start3A_275 : memref<4x125xi32, #tpu.memory_space<vmem>>) target_semaphore(%arg16 : memref<!tpu.dma_semaphore, #tpu.memory_space<semaphore_mem>>)
        %add3A_280 = arith.constant 2 : i32
        %add3A_281 = arith.addi %mul3A_44, %add3A_280 : i32
        %dma_wait3A_282 = arith.constant 0 : i32
        %dma_wait3A_283 = arith.constant 0 : i32
        %dma_wait3A_284 = tpu.memref_slice %arg7[%dma_wait3A_282, %dma_wait3A_283] : memref<2x500xi32, #tpu.memory_space<vmem>> -> memref<1x500xi32, #tpu.memory_space<vmem>>
        %dma_wait3A_285 = tpu.memref_squeeze %dma_wait3A_284 : memref<1x500xi32, #tpu.memory_space<vmem>> -> memref<500xi32, #tpu.memory_space<vmem>>
        %dma_wait3A_286 = arith.constant 0 : i32
        %dma_wait3A_287 = tpu.memref_slice %arg3[%add3A, %add3A_281, %dma_wait3A_286] : memref<32x20x500xi32, #tpu.memory_space<hbm>> -> memref<1x1x500xi32, #tpu.memory_space<hbm>>
        %dma_wait3A_288 = tpu.memref_squeeze %dma_wait3A_287 : memref<1x1x500xi32, #tpu.memory_space<hbm>> -> memref<500xi32, #tpu.memory_space<hbm>>
        %dma_wait3A_289 = arith.constant 0 : i32
        %dma_wait3A_290 = tpu.memref_slice %arg7[%dma_wait3A_282, %dma_wait3A_289] : memref<2x500xi32, #tpu.memory_space<vmem>> -> memref<1x500xi32, #tpu.memory_space<vmem>>
        %dma_wait3A_291 = tpu.memref_squeeze %dma_wait3A_290 : memref<1x500xi32, #tpu.memory_space<vmem>> -> memref<500xi32, #tpu.memory_space<vmem>>
        %dma_wait3A_292 = arith.constant 0 : i32
        %dma_wait3A_293 = tpu.memref_slice %arg3[%add3A, %add3A_281, %dma_wait3A_292] : memref<32x20x500xi32, #tpu.memory_space<hbm>> -> memref<1x1x500xi32, #tpu.memory_space<hbm>>
        %dma_wait3A_294 = tpu.memref_squeeze %dma_wait3A_293 : memref<1x1x500xi32, #tpu.memory_space<hbm>> -> memref<500xi32, #tpu.memory_space<hbm>>
        tpu.wait_dma2 semaphore(%arg15 : memref<!tpu.dma_semaphore, #tpu.memory_space<semaphore_mem>>) src(%dma_wait3A_294 : memref<500xi32, #tpu.memory_space<hbm>>) dst(%dma_wait3A_291 : memref<500xi32, #tpu.memory_space<vmem>>)
        %dma_start3A_295 = arith.constant 0 : i32
        %dma_start3A_296 = arith.constant 0 : i32
        %dma_start3A_297 = tpu.memref_slice %arg7[%dma_start3A_295, %dma_start3A_296] : memref<2x500xi32, #tpu.memory_space<vmem>> -> memref<1x500xi32, #tpu.memory_space<vmem>>
        %dma_start3A_298 = tpu.memref_squeeze %dma_start3A_297 : memref<1x500xi32, #tpu.memory_space<vmem>> -> memref<500xi32, #tpu.memory_space<vmem>>
        %dma_start3A_299 = arith.constant 0 : i32
        %dma_start3A_300 = arith.constant 0 : i32
        %dma_start3A_301 = tpu.memref_slice %arg2[%dma_start3A_299, %dma_start3A_300] : memref<10240x48xf32, #tpu.memory_space<hbm>> -> memref<10240x48xf32, #tpu.memory_space<hbm>>
        tpu.enqueue_indirect_dma source(%dma_start3A_301 : memref<10240x48xf32, #tpu.memory_space<hbm>>) target(%arg9 : memref<500x48xf32, #tpu.memory_space<vmem>>) offsets(%dma_start3A_298 : memref<500xi32, #tpu.memory_space<vmem>>) semaphore(%arg11 : memref<!tpu.dma_semaphore, #tpu.memory_space<semaphore_mem>>)
        %add3A_302 = arith.constant 2 : i32
        %add3A_303 = arith.addi %mul3A_44, %add3A_302 : i32
        %dma_wait3A_304 = arith.constant 0 : i32
        %dma_wait3A_305 = arith.constant 0 : i32
        %dma_wait3A_306 = arith.constant 0 : i32
        %dma_wait3A_307 = tpu.memref_slice %arg8[%dma_wait3A_304, %dma_wait3A_305, %dma_wait3A_306] : memref<2x4x125xi32, #tpu.memory_space<vmem>> -> memref<1x4x125xi32, #tpu.memory_space<vmem>>
        %dma_wait3A_308 = tpu.memref_squeeze %dma_wait3A_307 : memref<1x4x125xi32, #tpu.memory_space<vmem>> -> memref<4x125xi32, #tpu.memory_space<vmem>>
        %dma_wait3A_309 = arith.constant 0 : i32
        %dma_wait3A_310 = arith.constant 0 : i32
        %dma_wait3A_311 = tpu.memref_slice %arg4[%add3A, %add3A_303, %dma_wait3A_309, %dma_wait3A_310] : memref<32x20x4x125xi32, #tpu.memory_space<hbm>> -> memref<1x1x4x125xi32, #tpu.memory_space<hbm>>
        %dma_wait3A_312 = tpu.memref_squeeze %dma_wait3A_311 : memref<1x1x4x125xi32, #tpu.memory_space<hbm>> -> memref<4x125xi32, #tpu.memory_space<hbm>>
        %dma_wait3A_313 = arith.constant 0 : i32
        %dma_wait3A_314 = arith.constant 0 : i32
        %dma_wait3A_315 = tpu.memref_slice %arg8[%dma_wait3A_304, %dma_wait3A_313, %dma_wait3A_314] : memref<2x4x125xi32, #tpu.memory_space<vmem>> -> memref<1x4x125xi32, #tpu.memory_space<vmem>>
        %dma_wait3A_316 = tpu.memref_squeeze %dma_wait3A_315 : memref<1x4x125xi32, #tpu.memory_space<vmem>> -> memref<4x125xi32, #tpu.memory_space<vmem>>
        %dma_wait3A_317 = arith.constant 0 : i32
        %dma_wait3A_318 = arith.constant 0 : i32
        %dma_wait3A_319 = tpu.memref_slice %arg4[%add3A, %add3A_303, %dma_wait3A_317, %dma_wait3A_318] : memref<32x20x4x125xi32, #tpu.memory_space<hbm>> -> memref<1x1x4x125xi32, #tpu.memory_space<hbm>>
        %dma_wait3A_320 = tpu.memref_squeeze %dma_wait3A_319 : memref<1x1x4x125xi32, #tpu.memory_space<hbm>> -> memref<4x125xi32, #tpu.memory_space<hbm>>
        tpu.wait_dma2 semaphore(%arg16 : memref<!tpu.dma_semaphore, #tpu.memory_space<semaphore_mem>>) src(%dma_wait3A_320 : memref<4x125xi32, #tpu.memory_space<hbm>>) dst(%dma_wait3A_316 : memref<4x125xi32, #tpu.memory_space<vmem>>)
      } else {
      }
      %add3A_150 = arith.constant 1 : i32
      %add3A_151 = arith.addi %mul3A_44, %add3A_150 : i32
      %dma_wait3A_152 = arith.constant 1 : i32
      %dma_wait3A_153 = arith.constant 0 : i32
      %dma_wait3A_154 = tpu.memref_slice %arg7[%dma_wait3A_152, %dma_wait3A_153] : memref<2x500xi32, #tpu.memory_space<vmem>> -> memref<1x500xi32, #tpu.memory_space<vmem>>
      %dma_wait3A_155 = tpu.memref_squeeze %dma_wait3A_154 : memref<1x500xi32, #tpu.memory_space<vmem>> -> memref<500xi32, #tpu.memory_space<vmem>>
      %dma_wait3A_156 = arith.constant 0 : i32
      %dma_wait3A_157 = arith.constant 0 : i32
      %dma_wait3A_158 = tpu.memref_slice %arg2[%dma_wait3A_156, %dma_wait3A_157] : memref<10240x48xf32, #tpu.memory_space<hbm>> -> memref<10240x48xf32, #tpu.memory_space<hbm>>
      tpu.wait_indirect_dma semaphore(%arg12 : memref<!tpu.dma_semaphore, #tpu.memory_space<semaphore_mem>>) src(%dma_wait3A_158 : memref<10240x48xf32, #tpu.memory_space<hbm>>) dst(%arg10 : memref<500x48xf32, #tpu.memory_space<vmem>>)
      %add3A_159 = arith.constant 2 : i32
      %add3A_160 = arith.addi %add3A_151, %add3A_159 : i32
      %lt3A_161 = arith.constant 20 : i32
      %lt3A_162 = arith.cmpi slt, %add3A_160, %lt3A_161 : i32
      %convert_element_type3A_163 = arith.extui %lt3A_162 : i1 to i32
      %cond3A_164 = arith.constant 0 : i32
      %cond3A_165 = arith.cmpi ne, %convert_element_type3A_163, %cond3A_164 : i32
      scf.if %cond3A_165 {
        %add3A_261 = arith.constant 2 : i32
        %add3A_262 = arith.addi %add3A_151, %add3A_261 : i32
        %dma_start3A_263 = arith.constant 1 : i32
        %dma_start3A_264 = arith.constant 0 : i32
        %dma_start3A_265 = tpu.memref_slice %arg7[%dma_start3A_263, %dma_start3A_264] : memref<2x500xi32, #tpu.memory_space<vmem>> -> memref<1x500xi32, #tpu.memory_space<vmem>>
        %dma_start3A_266 = tpu.memref_squeeze %dma_start3A_265 : memref<1x500xi32, #tpu.memory_space<vmem>> -> memref<500xi32, #tpu.memory_space<vmem>>
        %dma_start3A_267 = arith.constant 0 : i32
        %dma_start3A_268 = tpu.memref_slice %arg3[%add3A, %add3A_262, %dma_start3A_267] : memref<32x20x500xi32, #tpu.memory_space<hbm>> -> memref<1x1x500xi32, #tpu.memory_space<hbm>>
        %dma_start3A_269 = tpu.memref_squeeze %dma_start3A_268 : memref<1x1x500xi32, #tpu.memory_space<hbm>> -> memref<500xi32, #tpu.memory_space<hbm>>
        %dma_start3A_270 = arith.constant 0 : i32
        %dma_start3A_271 = tpu.memref_slice %arg7[%dma_start3A_263, %dma_start3A_270] : memref<2x500xi32, #tpu.memory_space<vmem>> -> memref<1x500xi32, #tpu.memory_space<vmem>>
        %dma_start3A_272 = tpu.memref_squeeze %dma_start3A_271 : memref<1x500xi32, #tpu.memory_space<vmem>> -> memref<500xi32, #tpu.memory_space<vmem>>
        %dma_start3A_273 = arith.constant 0 : i32
        %dma_start3A_274 = tpu.memref_slice %arg3[%add3A, %add3A_262, %dma_start3A_273] : memref<32x20x500xi32, #tpu.memory_space<hbm>> -> memref<1x1x500xi32, #tpu.memory_space<hbm>>
        %dma_start3A_275 = tpu.memref_squeeze %dma_start3A_274 : memref<1x1x500xi32, #tpu.memory_space<hbm>> -> memref<500xi32, #tpu.memory_space<hbm>>
        tpu.enqueue_dma source(%dma_start3A_275 : memref<500xi32, #tpu.memory_space<hbm>>) target(%dma_start3A_272 : memref<500xi32, #tpu.memory_space<vmem>>) target_semaphore(%arg15 : memref<!tpu.dma_semaphore, #tpu.memory_space<semaphore_mem>>)
      } else {
      }
      %dma_start3A_166 = arith.constant 1 : i32
      %dma_start3A_167 = arith.constant 0 : i32
      %dma_start3A_168 = arith.constant 0 : i32
      %dma_start3A_169 = arith.constant 0 : i32
      %dma_start3A_170 = tpu.memref_slice %arg10[%dma_start3A_168, %dma_start3A_169] : memref<500x48xf32, #tpu.memory_space<vmem>> -> memref<125x48xf32, #tpu.memory_space<vmem>>
      %dma_start3A_171 = arith.constant 0 : i32
      %dma_start3A_172 = tpu.memref_slice %arg8[%dma_start3A_166, %dma_start3A_167, %dma_start3A_171] : memref<2x4x125xi32, #tpu.memory_space<vmem>> -> memref<1x1x125xi32, #tpu.memory_space<vmem>>
      %dma_start3A_173 = tpu.memref_squeeze %dma_start3A_172 : memref<1x1x125xi32, #tpu.memory_space<vmem>> -> memref<125xi32, #tpu.memory_space<vmem>>
      %dma_start3A_174 = arith.constant 0 : i32
      %dma_start3A_175 = arith.constant 0 : i32
      %dma_start3A_176 = tpu.memref_slice %arg6[%dma_start3A_174, %dma_start3A_175] : memref<10240x48xf32, #tpu.memory_space<vmem_shared>> -> memref<10240x48xf32, #tpu.memory_space<vmem_shared>>
      tpu.enqueue_indirect_dma source(%dma_start3A_170 : memref<125x48xf32, #tpu.memory_space<vmem>>) target(%dma_start3A_176 : memref<10240x48xf32, #tpu.memory_space<vmem_shared>>) offsets(%dma_start3A_173 : memref<125xi32, #tpu.memory_space<vmem>>) semaphore(%arg14 : memref<!tpu.dma_semaphore, #tpu.memory_space<semaphore_mem>>) {add = true}
      %dma_start3A_177 = arith.constant 1 : i32
      %dma_start3A_178 = arith.constant 1 : i32
      %dma_start3A_179 = arith.constant 125 : i32
      %dma_start3A_180 = arith.constant 0 : i32
      %dma_start3A_181 = tpu.memref_slice %arg10[%dma_start3A_179, %dma_start3A_180] : memref<500x48xf32, #tpu.memory_space<vmem>> -> memref<125x48xf32, #tpu.memory_space<vmem>>
      %dma_start3A_182 = arith.constant 0 : i32
      %dma_start3A_183 = tpu.memref_slice %arg8[%dma_start3A_177, %dma_start3A_178, %dma_start3A_182] : memref<2x4x125xi32, #tpu.memory_space<vmem>> -> memref<1x1x125xi32, #tpu.memory_space<vmem>>
      %dma_start3A_184 = tpu.memref_squeeze %dma_start3A_183 : memref<1x1x125xi32, #tpu.memory_space<vmem>> -> memref<125xi32, #tpu.memory_space<vmem>>
      %dma_start3A_185 = arith.constant 0 : i32
      %dma_start3A_186 = arith.constant 0 : i32
      %dma_start3A_187 = tpu.memref_slice %arg6[%dma_start3A_185, %dma_start3A_186] : memref<10240x48xf32, #tpu.memory_space<vmem_shared>> -> memref<10240x48xf32, #tpu.memory_space<vmem_shared>>
      tpu.enqueue_indirect_dma source(%dma_start3A_181 : memref<125x48xf32, #tpu.memory_space<vmem>>) target(%dma_start3A_187 : memref<10240x48xf32, #tpu.memory_space<vmem_shared>>) offsets(%dma_start3A_184 : memref<125xi32, #tpu.memory_space<vmem>>) semaphore(%arg14 : memref<!tpu.dma_semaphore, #tpu.memory_space<semaphore_mem>>) {add = true}
      %dma_start3A_188 = arith.constant 1 : i32
      %dma_start3A_189 = arith.constant 2 : i32
      %dma_start3A_190 = arith.constant 250 : i32
      %dma_start3A_191 = arith.constant 0 : i32
      %dma_start3A_192 = tpu.memref_slice %arg10[%dma_start3A_190, %dma_start3A_191] : memref<500x48xf32, #tpu.memory_space<vmem>> -> memref<125x48xf32, #tpu.memory_space<vmem>>
      %dma_start3A_193 = arith.constant 0 : i32
      %dma_start3A_194 = tpu.memref_slice %arg8[%dma_start3A_188, %dma_start3A_189, %dma_start3A_193] : memref<2x4x125xi32, #tpu.memory_space<vmem>> -> memref<1x1x125xi32, #tpu.memory_space<vmem>>
      %dma_start3A_195 = tpu.memref_squeeze %dma_start3A_194 : memref<1x1x125xi32, #tpu.memory_space<vmem>> -> memref<125xi32, #tpu.memory_space<vmem>>
      %dma_start3A_196 = arith.constant 0 : i32
      %dma_start3A_197 = arith.constant 0 : i32
      %dma_start3A_198 = tpu.memref_slice %arg6[%dma_start3A_196, %dma_start3A_197] : memref<10240x48xf32, #tpu.memory_space<vmem_shared>> -> memref<10240x48xf32, #tpu.memory_space<vmem_shared>>
      tpu.enqueue_indirect_dma source(%dma_start3A_192 : memref<125x48xf32, #tpu.memory_space<vmem>>) target(%dma_start3A_198 : memref<10240x48xf32, #tpu.memory_space<vmem_shared>>) offsets(%dma_start3A_195 : memref<125xi32, #tpu.memory_space<vmem>>) semaphore(%arg14 : memref<!tpu.dma_semaphore, #tpu.memory_space<semaphore_mem>>) {add = true}
      %dma_start3A_199 = arith.constant 1 : i32
      %dma_start3A_200 = arith.constant 3 : i32
      %dma_start3A_201 = arith.constant 375 : i32
      %dma_start3A_202 = arith.constant 0 : i32
      %dma_start3A_203 = tpu.memref_slice %arg10[%dma_start3A_201, %dma_start3A_202] : memref<500x48xf32, #tpu.memory_space<vmem>> -> memref<125x48xf32, #tpu.memory_space<vmem>>
      %dma_start3A_204 = arith.constant 0 : i32
      %dma_start3A_205 = tpu.memref_slice %arg8[%dma_start3A_199, %dma_start3A_200, %dma_start3A_204] : memref<2x4x125xi32, #tpu.memory_space<vmem>> -> memref<1x1x125xi32, #tpu.memory_space<vmem>>
      %dma_start3A_206 = tpu.memref_squeeze %dma_start3A_205 : memref<1x1x125xi32, #tpu.memory_space<vmem>> -> memref<125xi32, #tpu.memory_space<vmem>>
      %dma_start3A_207 = arith.constant 0 : i32
      %dma_start3A_208 = arith.constant 0 : i32
      %dma_start3A_209 = tpu.memref_slice %arg6[%dma_start3A_207, %dma_start3A_208] : memref<10240x48xf32, #tpu.memory_space<vmem_shared>> -> memref<10240x48xf32, #tpu.memory_space<vmem_shared>>
      tpu.enqueue_indirect_dma source(%dma_start3A_203 : memref<125x48xf32, #tpu.memory_space<vmem>>) target(%dma_start3A_209 : memref<10240x48xf32, #tpu.memory_space<vmem_shared>>) offsets(%dma_start3A_206 : memref<125xi32, #tpu.memory_space<vmem>>) semaphore(%arg14 : memref<!tpu.dma_semaphore, #tpu.memory_space<semaphore_mem>>) {add = true}
      %dma_wait3A_210 = arith.constant 1 : i32
      %dma_wait3A_211 = arith.constant 0 : i32
      %dma_wait3A_212 = arith.constant 0 : i32
      %dma_wait3A_213 = arith.constant 0 : i32
      %dma_wait3A_214 = tpu.memref_slice %arg10[%dma_wait3A_212, %dma_wait3A_213] : memref<500x48xf32, #tpu.memory_space<vmem>> -> memref<125x48xf32, #tpu.memory_space<vmem>>
      %dma_wait3A_215 = arith.constant 0 : i32
      %dma_wait3A_216 = tpu.memref_slice %arg8[%dma_wait3A_210, %dma_wait3A_211, %dma_wait3A_215] : memref<2x4x125xi32, #tpu.memory_space<vmem>> -> memref<1x1x125xi32, #tpu.memory_space<vmem>>
      %dma_wait3A_217 = tpu.memref_squeeze %dma_wait3A_216 : memref<1x1x125xi32, #tpu.memory_space<vmem>> -> memref<125xi32, #tpu.memory_space<vmem>>
      %dma_wait3A_218 = arith.constant 0 : i32
      %dma_wait3A_219 = arith.constant 0 : i32
      %dma_wait3A_220 = tpu.memref_slice %arg6[%dma_wait3A_218, %dma_wait3A_219] : memref<10240x48xf32, #tpu.memory_space<vmem_shared>> -> memref<10240x48xf32, #tpu.memory_space<vmem_shared>>
      tpu.wait_indirect_dma semaphore(%arg14 : memref<!tpu.dma_semaphore, #tpu.memory_space<semaphore_mem>>) src(%dma_wait3A_214 : memref<125x48xf32, #tpu.memory_space<vmem>>) dst(%dma_wait3A_220 : memref<10240x48xf32, #tpu.memory_space<vmem_shared>>)
      %dma_wait3A_221 = arith.constant 1 : i32
      %dma_wait3A_222 = arith.constant 1 : i32
      %dma_wait3A_223 = arith.constant 125 : i32
      %dma_wait3A_224 = arith.constant 0 : i32
      %dma_wait3A_225 = tpu.memref_slice %arg10[%dma_wait3A_223, %dma_wait3A_224] : memref<500x48xf32, #tpu.memory_space<vmem>> -> memref<125x48xf32, #tpu.memory_space<vmem>>
      %dma_wait3A_226 = arith.constant 0 : i32
      %dma_wait3A_227 = tpu.memref_slice %arg8[%dma_wait3A_221, %dma_wait3A_222, %dma_wait3A_226] : memref<2x4x125xi32, #tpu.memory_space<vmem>> -> memref<1x1x125xi32, #tpu.memory_space<vmem>>
      %dma_wait3A_228 = tpu.memref_squeeze %dma_wait3A_227 : memref<1x1x125xi32, #tpu.memory_space<vmem>> -> memref<125xi32, #tpu.memory_space<vmem>>
      %dma_wait3A_229 = arith.constant 0 : i32
      %dma_wait3A_230 = arith.constant 0 : i32
      %dma_wait3A_231 = tpu.memref_slice %arg6[%dma_wait3A_229, %dma_wait3A_230] : memref<10240x48xf32, #tpu.memory_space<vmem_shared>> -> memref<10240x48xf32, #tpu.memory_space<vmem_shared>>
      tpu.wait_indirect_dma semaphore(%arg14 : memref<!tpu.dma_semaphore, #tpu.memory_space<semaphore_mem>>) src(%dma_wait3A_225 : memref<125x48xf32, #tpu.memory_space<vmem>>) dst(%dma_wait3A_231 : memref<10240x48xf32, #tpu.memory_space<vmem_shared>>)
      %dma_wait3A_232 = arith.constant 1 : i32
      %dma_wait3A_233 = arith.constant 2 : i32
      %dma_wait3A_234 = arith.constant 250 : i32
      %dma_wait3A_235 = arith.constant 0 : i32
      %dma_wait3A_236 = tpu.memref_slice %arg10[%dma_wait3A_234, %dma_wait3A_235] : memref<500x48xf32, #tpu.memory_space<vmem>> -> memref<125x48xf32, #tpu.memory_space<vmem>>
      %dma_wait3A_237 = arith.constant 0 : i32
      %dma_wait3A_238 = tpu.memref_slice %arg8[%dma_wait3A_232, %dma_wait3A_233, %dma_wait3A_237] : memref<2x4x125xi32, #tpu.memory_space<vmem>> -> memref<1x1x125xi32, #tpu.memory_space<vmem>>
      %dma_wait3A_239 = tpu.memref_squeeze %dma_wait3A_238 : memref<1x1x125xi32, #tpu.memory_space<vmem>> -> memref<125xi32, #tpu.memory_space<vmem>>
      %dma_wait3A_240 = arith.constant 0 : i32
      %dma_wait3A_241 = arith.constant 0 : i32
      %dma_wait3A_242 = tpu.memref_slice %arg6[%dma_wait3A_240, %dma_wait3A_241] : memref<10240x48xf32, #tpu.memory_space<vmem_shared>> -> memref<10240x48xf32, #tpu.memory_space<vmem_shared>>
      tpu.wait_indirect_dma semaphore(%arg14 : memref<!tpu.dma_semaphore, #tpu.memory_space<semaphore_mem>>) src(%dma_wait3A_236 : memref<125x48xf32, #tpu.memory_space<vmem>>) dst(%dma_wait3A_242 : memref<10240x48xf32, #tpu.memory_space<vmem_shared>>)
      %dma_wait3A_243 = arith.constant 1 : i32
      %dma_wait3A_244 = arith.constant 3 : i32
      %dma_wait3A_245 = arith.constant 375 : i32
      %dma_wait3A_246 = arith.constant 0 : i32
      %dma_wait3A_247 = tpu.memref_slice %arg10[%dma_wait3A_245, %dma_wait3A_246] : memref<500x48xf32, #tpu.memory_space<vmem>> -> memref<125x48xf32, #tpu.memory_space<vmem>>
      %dma_wait3A_248 = arith.constant 0 : i32
      %dma_wait3A_249 = tpu.memref_slice %arg8[%dma_wait3A_243, %dma_wait3A_244, %dma_wait3A_248] : memref<2x4x125xi32, #tpu.memory_space<vmem>> -> memref<1x1x125xi32, #tpu.memory_space<vmem>>
      %dma_wait3A_250 = tpu.memref_squeeze %dma_wait3A_249 : memref<1x1x125xi32, #tpu.memory_space<vmem>> -> memref<125xi32, #tpu.memory_space<vmem>>
      %dma_wait3A_251 = arith.constant 0 : i32
      %dma_wait3A_252 = arith.constant 0 : i32
      %dma_wait3A_253 = tpu.memref_slice %arg6[%dma_wait3A_251, %dma_wait3A_252] : memref<10240x48xf32, #tpu.memory_space<vmem_shared>> -> memref<10240x48xf32, #tpu.memory_space<vmem_shared>>
      tpu.wait_indirect_dma semaphore(%arg14 : memref<!tpu.dma_semaphore, #tpu.memory_space<semaphore_mem>>) src(%dma_wait3A_247 : memref<125x48xf32, #tpu.memory_space<vmem>>) dst(%dma_wait3A_253 : memref<10240x48xf32, #tpu.memory_space<vmem_shared>>)
      %add3A_254 = arith.constant 2 : i32
      %add3A_255 = arith.addi %add3A_151, %add3A_254 : i32
      %lt3A_256 = arith.constant 20 : i32
      %lt3A_257 = arith.cmpi slt, %add3A_255, %lt3A_256 : i32
      %convert_element_type3A_258 = arith.extui %lt3A_257 : i1 to i32
      %cond3A_259 = arith.constant 0 : i32
      %cond3A_260 = arith.cmpi ne, %convert_element_type3A_258, %cond3A_259 : i32
      scf.if %cond3A_260 {
        %add3A_261 = arith.constant 2 : i32
        %add3A_262 = arith.addi %add3A_151, %add3A_261 : i32
        %dma_start3A_263 = arith.constant 1 : i32
        %dma_start3A_264 = arith.constant 0 : i32
        %dma_start3A_265 = arith.constant 0 : i32
        %dma_start3A_266 = tpu.memref_slice %arg8[%dma_start3A_263, %dma_start3A_264, %dma_start3A_265] : memref<2x4x125xi32, #tpu.memory_space<vmem>> -> memref<1x4x125xi32, #tpu.memory_space<vmem>>
        %dma_start3A_267 = tpu.memref_squeeze %dma_start3A_266 : memref<1x4x125xi32, #tpu.memory_space<vmem>> -> memref<4x125xi32, #tpu.memory_space<vmem>>
        %dma_start3A_268 = arith.constant 0 : i32
        %dma_start3A_269 = arith.constant 0 : i32
        %dma_start3A_270 = tpu.memref_slice %arg4[%add3A, %add3A_262, %dma_start3A_268, %dma_start3A_269] : memref<32x20x4x125xi32, #tpu.memory_space<hbm>> -> memref<1x1x4x125xi32, #tpu.memory_space<hbm>>
        %dma_start3A_271 = tpu.memref_squeeze %dma_start3A_270 : memref<1x1x4x125xi32, #tpu.memory_space<hbm>> -> memref<4x125xi32, #tpu.memory_space<hbm>>
        %dma_start3A_272 = arith.constant 0 : i32
        %dma_start3A_273 = arith.constant 0 : i32
        %dma_start3A_274 = tpu.memref_slice %arg8[%dma_start3A_263, %dma_start3A_272, %dma_start3A_273] : memref<2x4x125xi32, #tpu.memory_space<vmem>> -> memref<1x4x125xi32, #tpu.memory_space<vmem>>
        %dma_start3A_275 = tpu.memref_squeeze %dma_start3A_274 : memref<1x4x125xi32, #tpu.memory_space<vmem>> -> memref<4x125xi32, #tpu.memory_space<vmem>>
        %dma_start3A_276 = arith.constant 0 : i32
        %dma_start3A_277 = arith.constant 0 : i32
        %dma_start3A_278 = tpu.memref_slice %arg4[%add3A, %add3A_262, %dma_start3A_276, %dma_start3A_277] : memref<32x20x4x125xi32, #tpu.memory_space<hbm>> -> memref<1x1x4x125xi32, #tpu.memory_space<hbm>>
        %dma_start3A_279 = tpu.memref_squeeze %dma_start3A_278 : memref<1x1x4x125xi32, #tpu.memory_space<hbm>> -> memref<4x125xi32, #tpu.memory_space<hbm>>
        tpu.enqueue_dma source(%dma_start3A_279 : memref<4x125xi32, #tpu.memory_space<hbm>>) target(%dma_start3A_275 : memref<4x125xi32, #tpu.memory_space<vmem>>) target_semaphore(%arg16 : memref<!tpu.dma_semaphore, #tpu.memory_space<semaphore_mem>>)
        %add3A_280 = arith.constant 2 : i32
        %add3A_281 = arith.addi %add3A_151, %add3A_280 : i32
        %dma_wait3A_282 = arith.constant 1 : i32
        %dma_wait3A_283 = arith.constant 0 : i32
        %dma_wait3A_284 = tpu.memref_slice %arg7[%dma_wait3A_282, %dma_wait3A_283] : memref<2x500xi32, #tpu.memory_space<vmem>> -> memref<1x500xi32, #tpu.memory_space<vmem>>
        %dma_wait3A_285 = tpu.memref_squeeze %dma_wait3A_284 : memref<1x500xi32, #tpu.memory_space<vmem>> -> memref<500xi32, #tpu.memory_space<vmem>>
        %dma_wait3A_286 = arith.constant 0 : i32
        %dma_wait3A_287 = tpu.memref_slice %arg3[%add3A, %add3A_281, %dma_wait3A_286] : memref<32x20x500xi32, #tpu.memory_space<hbm>> -> memref<1x1x500xi32, #tpu.memory_space<hbm>>
        %dma_wait3A_288 = tpu.memref_squeeze %dma_wait3A_287 : memref<1x1x500xi32, #tpu.memory_space<hbm>> -> memref<500xi32, #tpu.memory_space<hbm>>
        %dma_wait3A_289 = arith.constant 0 : i32
        %dma_wait3A_290 = tpu.memref_slice %arg7[%dma_wait3A_282, %dma_wait3A_289] : memref<2x500xi32, #tpu.memory_space<vmem>> -> memref<1x500xi32, #tpu.memory_space<vmem>>
        %dma_wait3A_291 = tpu.memref_squeeze %dma_wait3A_290 : memref<1x500xi32, #tpu.memory_space<vmem>> -> memref<500xi32, #tpu.memory_space<vmem>>
        %dma_wait3A_292 = arith.constant 0 : i32
        %dma_wait3A_293 = tpu.memref_slice %arg3[%add3A, %add3A_281, %dma_wait3A_292] : memref<32x20x500xi32, #tpu.memory_space<hbm>> -> memref<1x1x500xi32, #tpu.memory_space<hbm>>
        %dma_wait3A_294 = tpu.memref_squeeze %dma_wait3A_293 : memref<1x1x500xi32, #tpu.memory_space<hbm>> -> memref<500xi32, #tpu.memory_space<hbm>>
        tpu.wait_dma2 semaphore(%arg15 : memref<!tpu.dma_semaphore, #tpu.memory_space<semaphore_mem>>) src(%dma_wait3A_294 : memref<500xi32, #tpu.memory_space<hbm>>) dst(%dma_wait3A_291 : memref<500xi32, #tpu.memory_space<vmem>>)
        %dma_start3A_295 = arith.constant 1 : i32
        %dma_start3A_296 = arith.constant 0 : i32
        %dma_start3A_297 = tpu.memref_slice %arg7[%dma_start3A_295, %dma_start3A_296] : memref<2x500xi32, #tpu.memory_space<vmem>> -> memref<1x500xi32, #tpu.memory_space<vmem>>
        %dma_start3A_298 = tpu.memref_squeeze %dma_start3A_297 : memref<1x500xi32, #tpu.memory_space<vmem>> -> memref<500xi32, #tpu.memory_space<vmem>>
        %dma_start3A_299 = arith.constant 0 : i32
        %dma_start3A_300 = arith.constant 0 : i32
        %dma_start3A_301 = tpu.memref_slice %arg2[%dma_start3A_299, %dma_start3A_300] : memref<10240x48xf32, #tpu.memory_space<hbm>> -> memref<10240x48xf32, #tpu.memory_space<hbm>>
        tpu.enqueue_indirect_dma source(%dma_start3A_301 : memref<10240x48xf32, #tpu.memory_space<hbm>>) target(%arg10 : memref<500x48xf32, #tpu.memory_space<vmem>>) offsets(%dma_start3A_298 : memref<500xi32, #tpu.memory_space<vmem>>) semaphore(%arg12 : memref<!tpu.dma_semaphore, #tpu.memory_space<semaphore_mem>>)
        %add3A_302 = arith.constant 2 : i32
        %add3A_303 = arith.addi %add3A_151, %add3A_302 : i32
        %dma_wait3A_304 = arith.constant 1 : i32
        %dma_wait3A_305 = arith.constant 0 : i32
        %dma_wait3A_306 = arith.constant 0 : i32
        %dma_wait3A_307 = tpu.memref_slice %arg8[%dma_wait3A_304, %dma_wait3A_305, %dma_wait3A_306] : memref<2x4x125xi32, #tpu.memory_space<vmem>> -> memref<1x4x125xi32, #tpu.memory_space<vmem>>
        %dma_wait3A_308 = tpu.memref_squeeze %dma_wait3A_307 : memref<1x4x125xi32, #tpu.memory_space<vmem>> -> memref<4x125xi32, #tpu.memory_space<vmem>>
        %dma_wait3A_309 = arith.constant 0 : i32
        %dma_wait3A_310 = arith.constant 0 : i32
        %dma_wait3A_311 = tpu.memref_slice %arg4[%add3A, %add3A_303, %dma_wait3A_309, %dma_wait3A_310] : memref<32x20x4x125xi32, #tpu.memory_space<hbm>> -> memref<1x1x4x125xi32, #tpu.memory_space<hbm>>
        %dma_wait3A_312 = tpu.memref_squeeze %dma_wait3A_311 : memref<1x1x4x125xi32, #tpu.memory_space<hbm>> -> memref<4x125xi32, #tpu.memory_space<hbm>>
        %dma_wait3A_313 = arith.constant 0 : i32
        %dma_wait3A_314 = arith.constant 0 : i32
        %dma_wait3A_315 = tpu.memref_slice %arg8[%dma_wait3A_304, %dma_wait3A_313, %dma_wait3A_314] : memref<2x4x125xi32, #tpu.memory_space<vmem>> -> memref<1x4x125xi32, #tpu.memory_space<vmem>>
        %dma_wait3A_316 = tpu.memref_squeeze %dma_wait3A_315 : memref<1x4x125xi32, #tpu.memory_space<vmem>> -> memref<4x125xi32, #tpu.memory_space<vmem>>
        %dma_wait3A_317 = arith.constant 0 : i32
        %dma_wait3A_318 = arith.constant 0 : i32
        %dma_wait3A_319 = tpu.memref_slice %arg4[%add3A, %add3A_303, %dma_wait3A_317, %dma_wait3A_318] : memref<32x20x4x125xi32, #tpu.memory_space<hbm>> -> memref<1x1x4x125xi32, #tpu.memory_space<hbm>>
        %dma_wait3A_320 = tpu.memref_squeeze %dma_wait3A_319 : memref<1x1x4x125xi32, #tpu.memory_space<hbm>> -> memref<4x125xi32, #tpu.memory_space<hbm>>
        tpu.wait_dma2 semaphore(%arg16 : memref<!tpu.dma_semaphore, #tpu.memory_space<semaphore_mem>>) src(%dma_wait3A_320 : memref<4x125xi32, #tpu.memory_space<hbm>>) dst(%dma_wait3A_316 : memref<4x125xi32, #tpu.memory_space<vmem>>)
      } else {
      }
    }
    %scan3A_36 = arith.constant 10 : i32
    %barrier3A_37 = arith.constant 0 : index
    tpu.barrier barrier_id(%barrier3A_37)
    %add3A_38 = arith.constant 0 : i32
    %add3A_39 = arith.addi %mul3A_8, %add3A_38 : i32
    "tpu.region"() ({
      %run_scoped3A_42 = tpu.sem_alloc : memref<!tpu.dma_semaphore, #tpu.memory_space<semaphore_mem>>
      %dma_start3A_43 = arith.constant 0 : i32
      %dma_start3A_44 = arith.constant 0 : i32
      %dma_start3A_45 = tpu.memref_slice %arg9[%dma_start3A_43, %dma_start3A_44] : memref<500x48xf32, #tpu.memory_space<vmem>> -> memref<500x48xf32, #tpu.memory_space<vmem>>
      %dma_start3A_46 = arith.constant 0 : i32
      %dma_start3A_47 = tpu.memref_slice %arg6[%add3A_39, %dma_start3A_46] : memref<10240x48xf32, #tpu.memory_space<vmem_shared>> -> memref<500x48xf32, #tpu.memory_space<vmem_shared>>
      %dma_start3A_48 = arith.constant 0 : i32
      %dma_start3A_49 = arith.constant 0 : i32
      %dma_start3A_50 = tpu.memref_slice %arg9[%dma_start3A_48, %dma_start3A_49] : memref<500x48xf32, #tpu.memory_space<vmem>> -> memref<500x48xf32, #tpu.memory_space<vmem>>
      %dma_start3A_51 = arith.constant 0 : i32
      %dma_start3A_52 = tpu.memref_slice %arg6[%add3A_39, %dma_start3A_51] : memref<10240x48xf32, #tpu.memory_space<vmem_shared>> -> memref<500x48xf32, #tpu.memory_space<vmem_shared>>
      tpu.enqueue_dma source(%dma_start3A_52 : memref<500x48xf32, #tpu.memory_space<vmem_shared>>) target(%dma_start3A_50 : memref<500x48xf32, #tpu.memory_space<vmem>>) target_semaphore(%run_scoped3A_42 : memref<!tpu.dma_semaphore, #tpu.memory_space<semaphore_mem>>)
      %dma_wait3A = arith.constant 0 : i32
      %dma_wait3A_53 = arith.constant 0 : i32
      %dma_wait3A_54 = tpu.memref_slice %arg9[%dma_wait3A, %dma_wait3A_53] : memref<500x48xf32, #tpu.memory_space<vmem>> -> memref<500x48xf32, #tpu.memory_space<vmem>>
      %dma_wait3A_55 = arith.constant 0 : i32
      %dma_wait3A_56 = tpu.memref_slice %arg6[%add3A_39, %dma_wait3A_55] : memref<10240x48xf32, #tpu.memory_space<vmem_shared>> -> memref<500x48xf32, #tpu.memory_space<vmem_shared>>
      %dma_wait3A_57 = arith.constant 0 : i32
      %dma_wait3A_58 = arith.constant 0 : i32
      %dma_wait3A_59 = tpu.memref_slice %arg9[%dma_wait3A_57, %dma_wait3A_58] : memref<500x48xf32, #tpu.memory_space<vmem>> -> memref<500x48xf32, #tpu.memory_space<vmem>>
      %dma_wait3A_60 = arith.constant 0 : i32
      %dma_wait3A_61 = tpu.memref_slice %arg6[%add3A_39, %dma_wait3A_60] : memref<10240x48xf32, #tpu.memory_space<vmem_shared>> -> memref<500x48xf32, #tpu.memory_space<vmem_shared>>
      tpu.wait_dma2 semaphore(%run_scoped3A_42 : memref<!tpu.dma_semaphore, #tpu.memory_space<semaphore_mem>>) src(%dma_wait3A_61 : memref<500x48xf32, #tpu.memory_space<vmem_shared>>) dst(%dma_wait3A_59 : memref<500x48xf32, #tpu.memory_space<vmem>>)
      tpu.yield
    }) : () -> ()
    "tpu.region"() ({
      %run_scoped3A_42 = tpu.sem_alloc : memref<!tpu.dma_semaphore, #tpu.memory_space<semaphore_mem>>
      %dma_start3A_43 = arith.constant 0 : i32
      %dma_start3A_44 = arith.constant 0 : i32
      %dma_start3A_45 = tpu.memref_slice %arg9[%dma_start3A_43, %dma_start3A_44] : memref<500x48xf32, #tpu.memory_space<vmem>> -> memref<500x48xf32, #tpu.memory_space<vmem>>
      %dma_start3A_46 = arith.constant 0 : i32
      %dma_start3A_47 = tpu.memref_slice %arg5[%arg0, %add3A_39, %dma_start3A_46] : memref<2x10240x48xf32, #tpu.memory_space<hbm>> -> memref<1x500x48xf32, #tpu.memory_space<hbm>>
      %dma_start3A_48 = tpu.memref_squeeze %dma_start3A_47 : memref<1x500x48xf32, #tpu.memory_space<hbm>> -> memref<500x48xf32, #tpu.memory_space<hbm>>
      %dma_start3A_49 = arith.constant 0 : i32
      %dma_start3A_50 = tpu.memref_slice %arg5[%arg0, %add3A_39, %dma_start3A_49] : memref<2x10240x48xf32, #tpu.memory_space<hbm>> -> memref<1x500x48xf32, #tpu.memory_space<hbm>>
      %dma_start3A_51 = tpu.memref_squeeze %dma_start3A_50 : memref<1x500x48xf32, #tpu.memory_space<hbm>> -> memref<500x48xf32, #tpu.memory_space<hbm>>
      %dma_start3A_52 = arith.constant 0 : i32
      %dma_start3A_53 = arith.constant 0 : i32
      %dma_start3A_54 = tpu.memref_slice %arg9[%dma_start3A_52, %dma_start3A_53] : memref<500x48xf32, #tpu.memory_space<vmem>> -> memref<500x48xf32, #tpu.memory_space<vmem>>
      tpu.enqueue_dma source(%dma_start3A_54 : memref<500x48xf32, #tpu.memory_space<vmem>>) target(%dma_start3A_51 : memref<500x48xf32, #tpu.memory_space<hbm>>) target_semaphore(%run_scoped3A_42 : memref<!tpu.dma_semaphore, #tpu.memory_space<semaphore_mem>>)
      %dma_wait3A = arith.constant 0 : i32
      %dma_wait3A_55 = arith.constant 0 : i32
      %dma_wait3A_56 = tpu.memref_slice %arg9[%dma_wait3A, %dma_wait3A_55] : memref<500x48xf32, #tpu.memory_space<vmem>> -> memref<500x48xf32, #tpu.memory_space<vmem>>
      %dma_wait3A_57 = arith.constant 0 : i32
      %dma_wait3A_58 = tpu.memref_slice %arg5[%arg0, %add3A_39, %dma_wait3A_57] : memref<2x10240x48xf32, #tpu.memory_space<hbm>> -> memref<1x500x48xf32, #tpu.memory_space<hbm>>
      %dma_wait3A_59 = tpu.memref_squeeze %dma_wait3A_58 : memref<1x500x48xf32, #tpu.memory_space<hbm>> -> memref<500x48xf32, #tpu.memory_space<hbm>>
      %dma_wait3A_60 = arith.constant 0 : i32
      %dma_wait3A_61 = tpu.memref_slice %arg5[%arg0, %add3A_39, %dma_wait3A_60] : memref<2x10240x48xf32, #tpu.memory_space<hbm>> -> memref<1x500x48xf32, #tpu.memory_space<hbm>>
      %dma_wait3A_62 = tpu.memref_squeeze %dma_wait3A_61 : memref<1x500x48xf32, #tpu.memory_space<hbm>> -> memref<500x48xf32, #tpu.memory_space<hbm>>
      %dma_wait3A_63 = arith.constant 0 : i32
      %dma_wait3A_64 = arith.constant 0 : i32
      %dma_wait3A_65 = tpu.memref_slice %arg9[%dma_wait3A_63, %dma_wait3A_64] : memref<500x48xf32, #tpu.memory_space<vmem>> -> memref<500x48xf32, #tpu.memory_space<vmem>>
      tpu.wait_dma2 semaphore(%run_scoped3A_42 : memref<!tpu.dma_semaphore, #tpu.memory_space<semaphore_mem>>) src(%dma_wait3A_65 : memref<500x48xf32, #tpu.memory_space<vmem>>) dst(%dma_wait3A_62 : memref<500x48xf32, #tpu.memory_space<hbm>>)
      tpu.yield
    }) : () -> ()
    %add3A_40 = arith.constant 500 : i32
    %add3A_41 = arith.addi %mul3A_8, %add3A_40 : i32
    "tpu.region"() ({
      %run_scoped3A_42 = tpu.sem_alloc : memref<!tpu.dma_semaphore, #tpu.memory_space<semaphore_mem>>
      %dma_start3A_43 = arith.constant 0 : i32
      %dma_start3A_44 = arith.constant 0 : i32
      %dma_start3A_45 = tpu.memref_slice %arg9[%dma_start3A_43, %dma_start3A_44] : memref<500x48xf32, #tpu.memory_space<vmem>> -> memref<140x48xf32, #tpu.memory_space<vmem>>
      %dma_start3A_46 = arith.constant 0 : i32
      %dma_start3A_47 = tpu.memref_slice %arg6[%add3A_41, %dma_start3A_46] : memref<10240x48xf32, #tpu.memory_space<vmem_shared>> -> memref<140x48xf32, #tpu.memory_space<vmem_shared>>
      %dma_start3A_48 = arith.constant 0 : i32
      %dma_start3A_49 = arith.constant 0 : i32
      %dma_start3A_50 = tpu.memref_slice %arg9[%dma_start3A_48, %dma_start3A_49] : memref<500x48xf32, #tpu.memory_space<vmem>> -> memref<140x48xf32, #tpu.memory_space<vmem>>
      %dma_start3A_51 = arith.constant 0 : i32
      %dma_start3A_52 = tpu.memref_slice %arg6[%add3A_41, %dma_start3A_51] : memref<10240x48xf32, #tpu.memory_space<vmem_shared>> -> memref<140x48xf32, #tpu.memory_space<vmem_shared>>
      tpu.enqueue_dma source(%dma_start3A_52 : memref<140x48xf32, #tpu.memory_space<vmem_shared>>) target(%dma_start3A_50 : memref<140x48xf32, #tpu.memory_space<vmem>>) target_semaphore(%run_scoped3A_42 : memref<!tpu.dma_semaphore, #tpu.memory_space<semaphore_mem>>)
      %dma_wait3A = arith.constant 0 : i32
      %dma_wait3A_53 = arith.constant 0 : i32
      %dma_wait3A_54 = tpu.memref_slice %arg9[%dma_wait3A, %dma_wait3A_53] : memref<500x48xf32, #tpu.memory_space<vmem>> -> memref<140x48xf32, #tpu.memory_space<vmem>>
      %dma_wait3A_55 = arith.constant 0 : i32
      %dma_wait3A_56 = tpu.memref_slice %arg6[%add3A_41, %dma_wait3A_55] : memref<10240x48xf32, #tpu.memory_space<vmem_shared>> -> memref<140x48xf32, #tpu.memory_space<vmem_shared>>
      %dma_wait3A_57 = arith.constant 0 : i32
      %dma_wait3A_58 = arith.constant 0 : i32
      %dma_wait3A_59 = tpu.memref_slice %arg9[%dma_wait3A_57, %dma_wait3A_58] : memref<500x48xf32, #tpu.memory_space<vmem>> -> memref<140x48xf32, #tpu.memory_space<vmem>>
      %dma_wait3A_60 = arith.constant 0 : i32
      %dma_wait3A_61 = tpu.memref_slice %arg6[%add3A_41, %dma_wait3A_60] : memref<10240x48xf32, #tpu.memory_space<vmem_shared>> -> memref<140x48xf32, #tpu.memory_space<vmem_shared>>
      tpu.wait_dma2 semaphore(%run_scoped3A_42 : memref<!tpu.dma_semaphore, #tpu.memory_space<semaphore_mem>>) src(%dma_wait3A_61 : memref<140x48xf32, #tpu.memory_space<vmem_shared>>) dst(%dma_wait3A_59 : memref<140x48xf32, #tpu.memory_space<vmem>>)
      tpu.yield
    }) : () -> ()
    "tpu.region"() ({
      %run_scoped3A_42 = tpu.sem_alloc : memref<!tpu.dma_semaphore, #tpu.memory_space<semaphore_mem>>
      %dma_start3A_43 = arith.constant 0 : i32
      %dma_start3A_44 = arith.constant 0 : i32
      %dma_start3A_45 = tpu.memref_slice %arg9[%dma_start3A_43, %dma_start3A_44] : memref<500x48xf32, #tpu.memory_space<vmem>> -> memref<140x48xf32, #tpu.memory_space<vmem>>
      %dma_start3A_46 = arith.constant 0 : i32
      %dma_start3A_47 = tpu.memref_slice %arg5[%arg0, %add3A_41, %dma_start3A_46] : memref<2x10240x48xf32, #tpu.memory_space<hbm>> -> memref<1x140x48xf32, #tpu.memory_space<hbm>>
      %dma_start3A_48 = tpu.memref_squeeze %dma_start3A_47 : memref<1x140x48xf32, #tpu.memory_space<hbm>> -> memref<140x48xf32, #tpu.memory_space<hbm>>
      %dma_start3A_49 = arith.constant 0 : i32
      %dma_start3A_50 = tpu.memref_slice %arg5[%arg0, %add3A_41, %dma_start3A_49] : memref<2x10240x48xf32, #tpu.memory_space<hbm>> -> memref<1x140x48xf32, #tpu.memory_space<hbm>>
      %dma_start3A_51 = tpu.memref_squeeze %dma_start3A_50 : memref<1x140x48xf32, #tpu.memory_space<hbm>> -> memref<140x48xf32, #tpu.memory_space<hbm>>
      %dma_start3A_52 = arith.constant 0 : i32
      %dma_start3A_53 = arith.constant 0 : i32
      %dma_start3A_54 = tpu.memref_slice %arg9[%dma_start3A_52, %dma_start3A_53] : memref<500x48xf32, #tpu.memory_space<vmem>> -> memref<140x48xf32, #tpu.memory_space<vmem>>
      tpu.enqueue_dma source(%dma_start3A_54 : memref<140x48xf32, #tpu.memory_space<vmem>>) target(%dma_start3A_51 : memref<140x48xf32, #tpu.memory_space<hbm>>) target_semaphore(%run_scoped3A_42 : memref<!tpu.dma_semaphore, #tpu.memory_space<semaphore_mem>>)
      %dma_wait3A = arith.constant 0 : i32
      %dma_wait3A_55 = arith.constant 0 : i32
      %dma_wait3A_56 = tpu.memref_slice %arg9[%dma_wait3A, %dma_wait3A_55] : memref<500x48xf32, #tpu.memory_space<vmem>> -> memref<140x48xf32, #tpu.memory_space<vmem>>
      %dma_wait3A_57 = arith.constant 0 : i32
      %dma_wait3A_58 = tpu.memref_slice %arg5[%arg0, %add3A_41, %dma_wait3A_57] : memref<2x10240x48xf32, #tpu.memory_space<hbm>> -> memref<1x140x48xf32, #tpu.memory_space<hbm>>
      %dma_wait3A_59 = tpu.memref_squeeze %dma_wait3A_58 : memref<1x140x48xf32, #tpu.memory_space<hbm>> -> memref<140x48xf32, #tpu.memory_space<hbm>>
      %dma_wait3A_60 = arith.constant 0 : i32
      %dma_wait3A_61 = tpu.memref_slice %arg5[%arg0, %add3A_41, %dma_wait3A_60] : memref<2x10240x48xf32, #tpu.memory_space<hbm>> -> memref<1x140x48xf32, #tpu.memory_space<hbm>>
      %dma_wait3A_62 = tpu.memref_squeeze %dma_wait3A_61 : memref<1x140x48xf32, #tpu.memory_space<hbm>> -> memref<140x48xf32, #tpu.memory_space<hbm>>
      %dma_wait3A_63 = arith.constant 0 : i32
      %dma_wait3A_64 = arith.constant 0 : i32
      %dma_wait3A_65 = tpu.memref_slice %arg9[%dma_wait3A_63, %dma_wait3A_64] : memref<500x48xf32, #tpu.memory_space<vmem>> -> memref<140x48xf32, #tpu.memory_space<vmem>>
      tpu.wait_dma2 semaphore(%run_scoped3A_42 : memref<!tpu.dma_semaphore, #tpu.memory_space<semaphore_mem>>) src(%dma_wait3A_65 : memref<140x48xf32, #tpu.memory_space<vmem>>) dst(%dma_wait3A_62 : memref<140x48xf32, #tpu.memory_space<hbm>>)
      tpu.yield
    }) : () -> ()
    return
  }
}

module attributes {stable_mosaic.version = 14 : i64} {
  func.func @_tc1_body(%arg0: i32, %arg1: memref<1024x128xf32, #tpu.memory_space<vmem>>, %arg2: memref<2x1024x128xf32, #tpu.memory_space<vmem>>, %arg3: memref<2x1024x16xf32, #tpu.memory_space<vmem>>, %arg4: memref<128x256xf32, #tpu.memory_space<vmem>>, %arg5: memref<128x256xf32, #tpu.memory_space<vmem>>, %arg6: memref<1x256xf32, #tpu.memory_space<vmem>>, %arg7: memref<256x48xf32, #tpu.memory_space<vmem>>, %arg8: memref<256x48xf32, #tpu.memory_space<vmem>>, %arg9: memref<1x48xf32, #tpu.memory_space<vmem>>, %arg10: memref<1024x48xf32, #tpu.memory_space<vmem>>, %arg11: memref<1024x48xf32, #tpu.memory_space<vmem>>, %arg12: memref<1024x1xf32, #tpu.memory_space<vmem>>) attributes {dimension_semantics = [#tpu.dimension_semantics<arbitrary>], iteration_bounds = array<i64: 10>, scalar_prefetch = 0 : i64, scratch_operands = 0 : i64, tpu.core_type = #tpu.core_type<tc>, window_params = [{transform_indices = @transform_0, window_bounds = array<i64: 1024, 128>}, {transform_indices = @transform_1, window_bounds = array<i64: 2, 1024, 128>}, {transform_indices = @transform_2, window_bounds = array<i64: 2, 1024, 16>}, {pipeline_mode = #tpu.pipeline_mode<synchronous>, transform_indices = @transform_3, window_bounds = array<i64: 128, 256>}, {pipeline_mode = #tpu.pipeline_mode<synchronous>, transform_indices = @transform_4, window_bounds = array<i64: 128, 256>}, {pipeline_mode = #tpu.pipeline_mode<synchronous>, transform_indices = @transform_5, window_bounds = array<i64: 1, 256>}, {pipeline_mode = #tpu.pipeline_mode<synchronous>, transform_indices = @transform_6, window_bounds = array<i64: 256, 48>}, {pipeline_mode = #tpu.pipeline_mode<synchronous>, transform_indices = @transform_7, window_bounds = array<i64: 256, 48>}, {pipeline_mode = #tpu.pipeline_mode<synchronous>, transform_indices = @transform_8, window_bounds = array<i64: 1, 48>}, {transform_indices = @transform_9, window_bounds = array<i64: 1024, 48>}, {transform_indices = @transform_10, window_bounds = array<i64: 1024, 48>}, {transform_indices = @transform_11, window_bounds = array<i64: 1024, 1>}]} {
    %get3A = arith.constant 0 : index
    %get3A_0 = arith.constant 0 : index
    %get3A_1 = arith.constant 0 : index
    %get3A_2 = vector.load %arg2[%get3A, %get3A_0, %get3A_1] : memref<2x1024x128xf32, #tpu.memory_space<vmem>>, vector<2x1024x128xf32>
    %reduce_sum3A = arith.constant dense<0.000000e+00> : vector<1024x128xf32>
    %reduce_sum3A_3 = vector.multi_reduction <add>, %get3A_2, %reduce_sum3A [0] : vector<2x1024x128xf32> to vector<1024x128xf32>
    %get3A_4 = arith.constant 0 : index
    %get3A_5 = arith.constant 0 : index
    %get3A_6 = arith.constant 0 : index
    %get3A_7 = vector.load %arg3[%get3A_4, %get3A_5, %get3A_6] : memref<2x1024x16xf32, #tpu.memory_space<vmem>>, vector<2x1024x16xf32>
    %reduce_sum3A_8 = arith.constant dense<0.000000e+00> : vector<1024x16xf32>
    %reduce_sum3A_9 = vector.multi_reduction <add>, %get3A_7, %reduce_sum3A_8 [0] : vector<2x1024x16xf32> to vector<1024x16xf32>
    %slice3A = vector.extract_strided_slice %reduce_sum3A_9 {offsets = [0, 0], sizes = [1024, 1], strides = [1, 1]} : vector<1024x16xf32> to vector<1024x1xf32>
    %max3A = arith.constant 1.000000e+00 : f32
    %max3A_10 = vector.broadcast %max3A : f32 to vector<1024x1xf32>
    %max3A_11 = arith.maximumf %slice3A, %max3A_10 : vector<1024x1xf32>
    %div3A = arith.constant 1.000000e+00 : f32
    %div3A_12 = vector.broadcast %div3A : f32 to vector<1024x1xf32>
    %div3A_13 = arith.divf %div3A_12, %max3A_11 : vector<1024x1xf32>
    %mul3A = vector.broadcast %div3A_13 : vector<1024x1xf32> to vector<1024x128xf32>
    %mul3A_14 = arith.mulf %reduce_sum3A_3, %mul3A : vector<1024x128xf32>
    %get3A_15 = arith.constant 0 : index
    %get3A_16 = arith.constant 0 : index
    %get3A_17 = vector.load %arg1[%get3A_15, %get3A_16] : memref<1024x128xf32, #tpu.memory_space<vmem>>, vector<1024x128xf32>
    %get3A_18 = arith.constant 0 : index
    %get3A_19 = arith.constant 0 : index
    %get3A_20 = vector.load %arg4[%get3A_18, %get3A_19] : memref<128x256xf32, #tpu.memory_space<vmem>>, vector<128x256xf32>
    %dot_general3A = arith.constant dense<0.000000e+00> : vector<1024x256xf32>
    %dot_general3A_21 = tpu.matmul %get3A_17, %get3A_20, %dot_general3A {dimension_numbers = #tpu.dot_dimension_numbers<[1], [0], [0], [1], [0, 0, 1, 1], [], []>, transpose_lhs_hint = false} : vector<1024x128xf32>, vector<128x256xf32>, vector<1024x256xf32> -> vector<1024x256xf32>
    %get3A_22 = arith.constant 0 : index
    %get3A_23 = arith.constant 0 : index
    %get3A_24 = vector.load %arg5[%get3A_22, %get3A_23] : memref<128x256xf32, #tpu.memory_space<vmem>>, vector<128x256xf32>
    %dot_general3A_25 = arith.constant dense<0.000000e+00> : vector<1024x256xf32>
    %dot_general3A_26 = tpu.matmul %mul3A_14, %get3A_24, %dot_general3A_25 {dimension_numbers = #tpu.dot_dimension_numbers<[1], [0], [0], [1], [0, 0, 1, 1], [], []>, transpose_lhs_hint = false} : vector<1024x128xf32>, vector<128x256xf32>, vector<1024x256xf32> -> vector<1024x256xf32>
    %add3A = arith.addf %dot_general3A_21, %dot_general3A_26 : vector<1024x256xf32>
    %get3A_27 = arith.constant 0 : index
    %get3A_28 = arith.constant 0 : index
    %get3A_29 = vector.load %arg6[%get3A_27, %get3A_28] : memref<1x256xf32, #tpu.memory_space<vmem>>, vector<1x256xf32>
    %add3A_30 = vector.broadcast %get3A_29 : vector<1x256xf32> to vector<1024x256xf32>
    %add3A_31 = arith.addf %add3A, %add3A_30 : vector<1024x256xf32>
    %max3A_32 = arith.constant 0.000000e+00 : f32
    %max3A_33 = vector.broadcast %max3A_32 : f32 to vector<1024x256xf32>
    %max3A_34 = arith.maximumf %add3A_31, %max3A_33 : vector<1024x256xf32>
    %get3A_35 = arith.constant 0 : index
    %get3A_36 = arith.constant 0 : index
    %get3A_37 = vector.load %arg8[%get3A_35, %get3A_36] : memref<256x48xf32, #tpu.memory_space<vmem>>, vector<256x48xf32>
    %dot_general3A_38 = arith.constant dense<0.000000e+00> : vector<1024x48xf32>
    %dot_general3A_39 = tpu.matmul %max3A_34, %get3A_37, %dot_general3A_38 {dimension_numbers = #tpu.dot_dimension_numbers<[1], [0], [0], [1], [0, 0, 1, 1], [], []>, transpose_lhs_hint = false} : vector<1024x256xf32>, vector<256x48xf32>, vector<1024x48xf32> -> vector<1024x48xf32>
    %swap3A = arith.constant 0 : index
    %swap3A_40 = arith.constant 0 : index
    %swap3A_41 = vector.load %arg10[%swap3A, %swap3A_40] : memref<1024x48xf32, #tpu.memory_space<vmem>>, vector<1024x48xf32>
    tpu.vector_store %arg10[%swap3A, %swap3A_40], %dot_general3A_39 {strides = array<i32>} : memref<1024x48xf32, #tpu.memory_space<vmem>>, vector<1024x48xf32>,
    %get3A_42 = arith.constant 0 : index
    %get3A_43 = arith.constant 0 : index
    %get3A_44 = vector.load %arg7[%get3A_42, %get3A_43] : memref<256x48xf32, #tpu.memory_space<vmem>>, vector<256x48xf32>
    %dot_general3A_45 = arith.constant dense<0.000000e+00> : vector<1024x48xf32>
    %dot_general3A_46 = tpu.matmul %max3A_34, %get3A_44, %dot_general3A_45 {dimension_numbers = #tpu.dot_dimension_numbers<[1], [0], [0], [1], [0, 0, 1, 1], [], []>, transpose_lhs_hint = false} : vector<1024x256xf32>, vector<256x48xf32>, vector<1024x48xf32> -> vector<1024x48xf32>
    %get3A_47 = arith.constant 0 : index
    %get3A_48 = arith.constant 0 : index
    %get3A_49 = vector.load %arg9[%get3A_47, %get3A_48] : memref<1x48xf32, #tpu.memory_space<vmem>>, vector<1x48xf32>
    %add3A_50 = vector.broadcast %get3A_49 : vector<1x48xf32> to vector<1024x48xf32>
    %add3A_51 = arith.addf %dot_general3A_46, %add3A_50 : vector<1024x48xf32>
    %swap3A_52 = arith.constant 0 : index
    %swap3A_53 = arith.constant 0 : index
    %swap3A_54 = vector.load %arg11[%swap3A_52, %swap3A_53] : memref<1024x48xf32, #tpu.memory_space<vmem>>, vector<1024x48xf32>
    tpu.vector_store %arg11[%swap3A_52, %swap3A_53], %add3A_51 {strides = array<i32>} : memref<1024x48xf32, #tpu.memory_space<vmem>>, vector<1024x48xf32>,
    %swap3A_55 = arith.constant 0 : index
    %swap3A_56 = arith.constant 0 : index
    %swap3A_57 = vector.load %arg12[%swap3A_55, %swap3A_56] : memref<1024x1xf32, #tpu.memory_space<vmem>>, vector<1024x1xf32>
    tpu.vector_store %arg12[%swap3A_55, %swap3A_56], %div3A_13 {strides = array<i32>} : memref<1024x1xf32, #tpu.memory_space<vmem>>, vector<1024x1xf32>,
    return
  }
  func.func @transform_0(%arg0: i32) -> (i32, i32) {
    %c0_i32 = arith.constant 0 : i32
    %c0_i32_0 = arith.constant 0 : i32
    return %arg0, %c0_i32 : i32, i32
  }
  func.func @transform_1(%arg0: i32) -> (i32, i32, i32) {
    %c0_i32 = arith.constant 0 : i32
    %c0_i32_0 = arith.constant 0 : i32
    %c0_i32_1 = arith.constant 0 : i32
    return %c0_i32, %arg0, %c0_i32_0 : i32, i32, i32
  }
  func.func @transform_2(%arg0: i32) -> (i32, i32, i32) {
    %c0_i32 = arith.constant 0 : i32
    %c0_i32_0 = arith.constant 0 : i32
    %c0_i32_1 = arith.constant 0 : i32
    return %c0_i32, %arg0, %c0_i32_0 : i32, i32, i32
  }
  func.func @transform_3(%arg0: i32) -> (i32, i32) {
    %c0_i32 = arith.constant 0 : i32
    %c0_i32_0 = arith.constant 0 : i32
    %c0_i32_1 = arith.constant 0 : i32
    return %c0_i32, %c0_i32_0 : i32, i32
  }
  func.func @transform_4(%arg0: i32) -> (i32, i32) {
    %c0_i32 = arith.constant 0 : i32
    %c0_i32_0 = arith.constant 0 : i32
    %c0_i32_1 = arith.constant 0 : i32
    return %c0_i32, %c0_i32_0 : i32, i32
  }
  func.func @transform_5(%arg0: i32) -> (i32, i32) {
    %c0_i32 = arith.constant 0 : i32
    %c0_i32_0 = arith.constant 0 : i32
    %c0_i32_1 = arith.constant 0 : i32
    return %c0_i32, %c0_i32_0 : i32, i32
  }
  func.func @transform_6(%arg0: i32) -> (i32, i32) {
    %c0_i32 = arith.constant 0 : i32
    %c0_i32_0 = arith.constant 0 : i32
    %c0_i32_1 = arith.constant 0 : i32
    return %c0_i32, %c0_i32_0 : i32, i32
  }
  func.func @transform_7(%arg0: i32) -> (i32, i32) {
    %c0_i32 = arith.constant 0 : i32
    %c0_i32_0 = arith.constant 0 : i32
    %c0_i32_1 = arith.constant 0 : i32
    return %c0_i32, %c0_i32_0 : i32, i32
  }
  func.func @transform_8(%arg0: i32) -> (i32, i32) {
    %c0_i32 = arith.constant 0 : i32
    %c0_i32_0 = arith.constant 0 : i32
    %c0_i32_1 = arith.constant 0 : i32
    return %c0_i32, %c0_i32_0 : i32, i32
  }
  func.func @transform_9(%arg0: i32) -> (i32, i32) {
    %c0_i32 = arith.constant 0 : i32
    %c0_i32_0 = arith.constant 0 : i32
    return %arg0, %c0_i32 : i32, i32
  }
  func.func @transform_10(%arg0: i32) -> (i32, i32) {
    %c0_i32 = arith.constant 0 : i32
    %c0_i32_0 = arith.constant 0 : i32
    return %arg0, %c0_i32 : i32, i32
  }
  func.func @transform_11(%arg0: i32) -> (i32, i32) {
    %c0_i32 = arith.constant 0 : i32
    %c0_i32_0 = arith.constant 0 : i32
    return %arg0, %c0_i32 : i32, i32
  }
}

module attributes {stable_mosaic.version = 14 : i64} {
  func.func @_tc2_body(%arg0: i32, %arg1: memref<1024x48xf32, #tpu.memory_space<vmem>>, %arg2: memref<2x1024x48xf32, #tpu.memory_space<vmem>>, %arg3: memref<1024x1xf32, #tpu.memory_space<vmem>>, %arg4: memref<1024x47xf32, #tpu.memory_space<vmem>>) attributes {dimension_semantics = [#tpu.dimension_semantics<arbitrary>], iteration_bounds = array<i64: 10>, scalar_prefetch = 0 : i64, scratch_operands = 0 : i64, tpu.core_type = #tpu.core_type<tc>, window_params = [{transform_indices = @transform_0, window_bounds = array<i64: 1024, 48>}, {transform_indices = @transform_1, window_bounds = array<i64: 2, 1024, 48>}, {transform_indices = @transform_2, window_bounds = array<i64: 1024, 1>}, {transform_indices = @transform_3, window_bounds = array<i64: 1024, 47>}]} {
    %get3A = arith.constant 0 : index
    %get3A_0 = arith.constant 0 : index
    %get3A_1 = vector.load %arg1[%get3A, %get3A_0] : memref<1024x48xf32, #tpu.memory_space<vmem>>, vector<1024x48xf32>
    %get3A_2 = arith.constant 0 : index
    %get3A_3 = arith.constant 0 : index
    %get3A_4 = arith.constant 0 : index
    %get3A_5 = vector.load %arg2[%get3A_2, %get3A_3, %get3A_4] : memref<2x1024x48xf32, #tpu.memory_space<vmem>>, vector<2x1024x48xf32>
    %reduce_sum3A = arith.constant dense<0.000000e+00> : vector<1024x48xf32>
    %reduce_sum3A_6 = vector.multi_reduction <add>, %get3A_5, %reduce_sum3A [0] : vector<2x1024x48xf32> to vector<1024x48xf32>
    %get3A_7 = arith.constant 0 : index
    %get3A_8 = arith.constant 0 : index
    %get3A_9 = vector.load %arg3[%get3A_7, %get3A_8] : memref<1024x1xf32, #tpu.memory_space<vmem>>, vector<1024x1xf32>
    %mul3A = vector.broadcast %get3A_9 : vector<1024x1xf32> to vector<1024x48xf32>
    %mul3A_10 = arith.mulf %reduce_sum3A_6, %mul3A : vector<1024x48xf32>
    %add3A = arith.addf %get3A_1, %mul3A_10 : vector<1024x48xf32>
    %slice3A = vector.extract_strided_slice %add3A {offsets = [0, 0], sizes = [1024, 47], strides = [1, 1]} : vector<1024x48xf32> to vector<1024x47xf32>
    %swap3A = arith.constant 0 : index
    %swap3A_11 = arith.constant 0 : index
    %swap3A_12 = vector.load %arg4[%swap3A, %swap3A_11] : memref<1024x47xf32, #tpu.memory_space<vmem>>, vector<1024x47xf32>
    tpu.vector_store %arg4[%swap3A, %swap3A_11], %slice3A {strides = array<i32>} : memref<1024x47xf32, #tpu.memory_space<vmem>>, vector<1024x47xf32>,
    return
  }
  func.func @transform_0(%arg0: i32) -> (i32, i32) {
    %c0_i32 = arith.constant 0 : i32
    %c0_i32_0 = arith.constant 0 : i32
    return %arg0, %c0_i32 : i32, i32
  }
  func.func @transform_1(%arg0: i32) -> (i32, i32, i32) {
    %c0_i32 = arith.constant 0 : i32
    %c0_i32_0 = arith.constant 0 : i32
    %c0_i32_1 = arith.constant 0 : i32
    return %c0_i32, %arg0, %c0_i32_0 : i32, i32, i32
  }
  func.func @transform_2(%arg0: i32) -> (i32, i32) {
    %c0_i32 = arith.constant 0 : i32
    %c0_i32_0 = arith.constant 0 : i32
    return %arg0, %c0_i32 : i32, i32
  }
  func.func @transform_3(%arg0: i32) -> (i32, i32) {
    %c0_i32 = arith.constant 0 : i32
    %c0_i32_0 = arith.constant 0 : i32
    return %arg0, %c0_i32 : i32, i32
  }
}

</mosaic_0001>

<sc_bundles>
// kernel: kernel.6.cloned.1.call-start
scs
__scs_entry_jumppad:
0x0: {  	(pc) =	sbr.rel $0x88, $3  }
0x1: {  	(tag) =	ssettag $0x0;
	lr =	simm.s32 $0x1  }
0x2: {  	[smem:$0x3F99] =	sst lr;
	_ =	strace $0xD0000000  }
0x3: {  	_ = 	snop  }
0x4: {  	_ = 	snop  }
0x5: {  	_ = 	snop  }
0x6: {  	_ = 	snop  }
0x7: {  	_ = 	snop  }
__scs_overlays_trampoline_lowered:
0x8: {  	[smem:$0x3FA8] =	sst s0  }
0x9: {  	[smem:$0x3FA9] =	sst s1  }
0xa: {  	[smem:$0x3FAA] =	sst s2  }
0xb: {  	[smem:$0x3FAB] =	sst s3  }
0xc: {  	[smem:$0x3FAC] =	sst s4  }
0xd: {  	[smem:$0x3FAD] =	sst s5  }
0xe: {  	[smem:$0x3FAE] =	sst s6  }
0xf: {  	[smem:$0x3FAF] =	sst s7  }
0x10: {  	[smem:$0x3FB0] =	sst s8  }
0x11: {  	[smem:$0x3FB1] =	sst s9;
	s0 =	simm.s32 @!p0 $0x0  }
0x12: {  	s1 =	sld [smem:$0x3F97];
	s0 =	simm.s32 @p0 $0x1  }
0x13: {  	[smem:$0x3FB2] =	sst s0;
	s0 =	simm.s32 @!p1 $0x0  }
0x14: {  	s2 =	sld [smem:$0x3F96];
	s0 =	simm.s32 @p1 $0x1  }
0x15: {  	[smem:$0x3FB3] =	sst s0;
	s0 =	simm.s32 @!p2 $0x0  }
0x16: {  	s3 =	sld [smem:$0x3FDB];
	s0 =	simm.s32 @p2 $0x1  }
0x17: {  	s4 =	simm.s32 $0x1BF5;
	[smem:$0x3FB5] =	sst s0  }
0x18: {  	s0 =	sld [smem:$0x3F98];
	_ =	swait.ge [sflag:s4], $0x0  }
0x19: {  	s7 =	sld [smem:$0x3F99]  }
0x1a: {  	s8 =	sadd.s32 $0xFFFFE003, lr  }
0x1b: {  	s9 =	sadd.s32 $0xFFFFFEF7, lr;
	s5 =	simm.s32 $0xFFFFFFFF;
	p2 =	slt.u32 s8, $0xFFFFF086  }
0x1c: {  	p1 =	slt.u32 s9, $0xF7A;
	s5 =	simm.s32 @!p2 $0x0  }
0x1d: {  	s5 =	simm.s32 @p1 $0x1;
	p0 =	seq.s32 s7, s2  }
0x1e: {  	s7 =	smul.u32 @!p0 $0xF7A, s2;
	p2 =	seq.s32 @!p0 s5, $0x0  }
0x1f: {  	s9 =	smul.u32 $0xF7A, s1;
	s8 =	simm.s32 @!p0 $0x1BF5;
	p2 =	por !p2, p0  }
0x20: {  	[sflag:s8] =	ssyncset.s32 @!p0 $0xFFFFF086;
	s6 =	sadd.s32 @!p0 s3, s7;
	s7 =	simm.s32 @!p0 $0x108  }
0x21: {  	s3 =	sadd.s32 s3, s9;
	s6 =	sadd.s32 @!p0 $0x88, s6;
	s7 =	simm.s32 @p2 $0x1082  }
0x22: {  	[simem:s7], [sflag:s8] =	dma.local @!p0 [hbm:s6], $0xF7A  }
0x23: {  	s9 =	sor.u32 $0xD0000000, s2;
	s6 =	simm.s32 $0x108;
	_ =	swait.ge @!p0 [sflag:s8], $0x0  }
0x24: {  	s3 =	sadd.s32 $0x88, s3;
	s6 =	simm.s32 @!p1 $0x1082;
	[sflag:s4] =	ssyncset.s32 $0xFFFFF086  }
0x25: {  	[simem:s6], [sflag:s4] =	dma.local [hbm:s3], $0xF7A  }
0x26: {  	[smem:$0x3F99] =	sst s1;
	(tag) =	ssettag s2;
	_ =	strace s9  }
0x27: {  	s1 =	sld [smem:$0x3FA9]  }
0x28: {  	s2 =	sld [smem:$0x3FAA]  }
0x29: {  	s4 =	sld [smem:$0x3FAC]  }
0x2a: {  	p0 =	seq.s32 s5, $0x0;
	s5 =	sld [smem:$0x3FAD]  }
0x2b: {  	s6 =	sld [smem:$0x3FAE]  }
0x2c: {  	s7 =	sld [smem:$0x3FAF]  }
0x2d: {  	s3 =	simm.s32 $0x108;
	s8 =	sld [smem:$0x3FB0]  }
0x2e: {  	s3 =	simm.s32 @!p0 $0x1082;
	s9 =	sld [smem:$0x3FB1]  }
0x2f: {  	lr =	sadd.s32 s0, s3;
	s0 =	sld [smem:$0x3FA8]  }
0x30: {  	s3 =	sld [smem:$0x3FAB]  }
0x31: {  	[smem:$0x3FB4] =	sst s10  }
0x32: {  	s10 =	sld [smem:$0x3FB2];
	_ =	sdelay $0x3  }
0x33: {  	p0 =	seq.s32 s10, $0x1;
	s10 =	sld [smem:$0x3FB4];
	_ =	sdelay $0x3  }
0x34: {  	[smem:$0x3FB4] =	sst s10  }
0x35: {  	s10 =	sld [smem:$0x3FB3];
	_ =	sdelay $0x3  }
0x36: {  	p1 =	seq.s32 s10, $0x1;
	s10 =	sld [smem:$0x3FB4];
	_ =	sdelay $0x3  }
0x37: {  	[smem:$0x3FB4] =	sst s10  }
0x38: {  	s10 =	sld [smem:$0x3FB5]  }
0x39: {  	_ = 	snop;
	(pc) =	sbr.ind lr, $3  }
0x3a: {  	_ = 	snop  }
0x3b: {  	_ = 	snop  }
0x3c: {  	p2 =	seq.s32 s10, $0x1;
	s10 =	sld [smem:$0x3FB4]  }
0x3d: {  	_ =	shalt  }
0x3e: {  	_ =	shalt  }
0x3f: {  	_ =	shalt  }
0x40: {  	_ =	shalt  }
0x41: {  	_ =	shalt  }
0x42: {  	_ =	shalt  }
0x43: {  	_ =	shalt  }
0x44: {  	_ =	shalt  }
0x45: {  	_ =	shalt  }
0x46: {  	_ =	shalt  }
0x47: {  	_ =	shalt  }
0x48: {  	_ =	shalt  }
0x49: {  	_ =	shalt  }
0x4a: {  	_ =	shalt  }
0x4b: {  	_ =	shalt  }
0x4c: {  	_ =	shalt  }
0x4d: {  	_ =	shalt  }
0x4e: {  	_ =	shalt  }
0x4f: {  	_ =	shalt  }
0x50: {  	_ =	shalt  }
0x51: {  	_ =	shalt  }
0x52: {  	_ =	shalt  }
0x53: {  	_ =	shalt  }
0x54: {  	_ =	shalt  }
0x55: {  	_ =	shalt  }
0x56: {  	_ =	shalt  }
0x57: {  	_ =	shalt  }
0x58: {  	_ =	shalt  }
0x59: {  	_ =	shalt  }
0x5a: {  	_ =	shalt  }
0x5b: {  	_ =	shalt  }
0x5c: {  	_ =	shalt  }
0x5d: {  	_ =	shalt  }
0x5e: {  	_ =	shalt  }
0x5f: {  	_ =	shalt  }
0x60: {  	_ =	shalt  }
0x61: {  	_ =	shalt  }
0x62: {  	_ =	shalt  }
0x63: {  	_ =	shalt  }
0x64: {  	_ =	shalt  }
0x65: {  	_ =	shalt  }
0x66: {  	_ =	shalt  }
0x67: {  	_ =	shalt  }
0x68: {  	_ =	shalt  }
0x69: {  	_ =	shalt  }
0x6a: {  	_ =	shalt  }
0x6b: {  	_ =	shalt  }
0x6c: {  	_ =	shalt  }
0x6d: {  	_ =	shalt  }
0x6e: {  	_ =	shalt  }
0x6f: {  	_ =	shalt  }
0x70: {  	_ =	shalt  }
0x71: {  	_ =	shalt  }
0x72: {  	_ =	shalt  }
0x73: {  	_ =	shalt  }
0x74: {  	_ =	shalt  }
0x75: {  	_ =	shalt  }
0x76: {  	_ =	shalt  }
0x77: {  	_ =	shalt  }
0x78: {  	_ =	shalt  }
0x79: {  	_ =	shalt  }
0x7a: {  	_ =	shalt  }
0x7b: {  	_ =	shalt  }
0x7c: {  	_ =	shalt  }
0x7d: {  	_ =	shalt  }
0x7e: {  	_ =	shalt  }
0x7f: {  	_ =	shalt  }
0x80: {  	_ =	shalt  }
0x81: {  	_ =	shalt  }
0x82: {  	_ =	shalt  }
0x83: {  	_ =	shalt  }
0x84: {  	_ =	shalt  }
0x85: {  	_ =	shalt  }
0x86: {  	_ =	shalt  }
0x87: {  	_ =	shalt  }
.Lfunc_end0:
.L_simem_size_0:
called_computation_lowered:
.L_overlay_start_0:
0x88: {  	s2 =	sld [smem:$0x3FD9]  }
0x89: {  	s3 =	sld [smem:$0x3FFE];
	_ =	sdelay $0x1  }
0x8a: {  	s1 =	srdreg.scid  }
0x8b: {  	s0 =	sand.u32 $0x1, s1  }
0x8c: {  	s17 =	sshll.u32 s0, $0xA;
	s2 =	sadd.s32 s3, s2  }
0x8d: {  	s2 =	sadd.s32 s2, s17  }
0x8e: {  	[smem:$0x3FC0] =	sst s2  }
0x8f: {  	_ = 	snop  }
0x90: {  	s2 =	sld [smem:$0x3FC8];
	(tm) =	ssettm $0x1  }
0x91: {  	s18 =	sld [smem:$0x3FFB];
	_ =	sdelay $0x3  }
0x92: {  	_ =	strace s18  }
0x93: {  	s3 =	sld [smem:$0x3FFC];
	_ =	sdelay $0x3  }
0x94: {  	_ =	strace s3  }
0x95: {  	s3 =	sld [smem:$0x3FFD];
	_ =	sdelay $0x3  }
0x96: {  	_ =	strace s3  }
0x97: {  	_ =	strace $0x8FFFFFFF  }
0x98: {  	s19 =	sld [smem:$0x3FDB];
	_ =	sdelay $0x1  }
0x99: {  	s4 =	simm.s32 $_scs_section_size  }
0x9a: {  	s5 =	simm.s32 $_size__tile_overlayer_lowered;
	s6 =	simm.s32 $_tile_overlayer_lowered  }
0x9b: {  	s22 =	simm.s32 $0x1BFF;
	s21 =	sshll.u32 s6, $0x1;
	s3 =	sadd.s32 s4, s19  }
0x9c: {  	s7 =	simm.s32 $0x0;
	s20 =	sshll.u32 s5, $0x1;
	s5 =	sadd.s32 s21, s3  }
0x9d: {  	[timem:s7], [sflag:s22] =	dma.local [hbm:s5], s20  }
0x9e: {  	_ =	swait.ge [sflag:s22], s20  }
0x9f: {  	s4 =	ssub.s32 $0x0, s20;
	[sflag:s22] =	ssyncset.done $0x0  }
0xa0: {  	[sflag:s22] =	ssyncadd.s32 s4;
	_ =	sdelay $0x1  }
0xa1: {  	s23 =	simm.s32 $0x1B8B  }
0xa2: {  	_ =	swait.ge [sflag:s23], $0x1  }
0xa3: {  	[sflag:s23] =	ssyncset.done $0x0  }
0xa4: {  	s25 =	simm.s32 $0x1B8E;
	s24 =	sld [smem:$0x3FFE];
	[sflag:s23] =	ssyncadd.s32 $0xFFFFFFFF  }
0xa5: {  	s26 =	simm.s32 $execute0_lowered;
	[smem:$0x3FD2] =	sst s25  }
0xa6: {  	s5 =	sshll.u32 s26, $0x1;
	_ =	strace $0x80000046;
	[dreg:$0x1] =	wrdreg $0xFFFFFFFF  }
0xa7: {  	s28 =	simm.s32 $_size_execute0_lowered;
	s3 =	sadd.s32 s3, s5;
	[dreg:$0x0] =	wrdreg $0x0  }
0xa8: {  	s5 =	sshll.u32 s28, $0x1;
	[dreg:$0x2] =	wrdreg s3  }
0xa9: {  	[dreg:$0x3] =	wrdreg s5  }
0xaa: {  	[dreg:$0x4] =	wrdreg $0xC0  }
0xab: {  	_ =	task [dreg:s7], $0x5FFFF  }
0xac: {  	[dreg:$0x1] =	wrdreg $0xFFFFFFFF  }
0xad: {  	[dreg:$0x0] =	wrdreg $0x60  }
0xae: {  	[dreg:$0x2] =	wrdreg s2  }
0xaf: {  	[dreg:$0x3] =	wrdreg s24  }
0xb0: {  	[dreg:$0x4] =	wrdreg $0x0  }
0xb1: {  	[dreg:$0x5] =	wrdreg $0x140000  }
0xb2: {  	[dreg:$0x6] =	wrdreg $0x9  }
0xb3: {  	_ =	task.clear_ibuf [dreg:s7], $0x7FFFF;
	_ =	strace $0x90000046  }
0xb4: {  	s29 =	simm.s32 $0x9;
	_ =	strace $0x80000048  }
0xb5: {  	_ =	swait.ge [sflag:s29], $0x1  }
0xb6: {  	[sflag:s29] =	ssyncadd.s32 $0xFFFFFFFF  }
0xb7: {  	_ =	strace $0x90000048  }
0xb8: {  	_ =	sfence  }
0xb9: {  	s30 =	sld [smem:$0x0];
	_ =	sdelay $0x2  }
0xba: {  	s31 =	sshll.u32 s1, $0xD;
	s1 =	sshrl.u32 s1, $0x2  }
0xbb: {  	s3 =	sand.u32 $0x4000, s31;
	s1 =	sadd.s32 s1, s30  }
0xbc: {  	s0 =	sor.u32 s3, s0;
	s1 =	sshll.u32 s1, $0x11  }
0xbd: {  	s0 =	sor.u32 s1, s0  }
0xbe: {  	s0 =	sadd.s32 $0x8F2B, s0  }
0xbf: {  	[sflag:s0] =	ssyncadd.remote.s32 $0x1  }
0xc0: {  	_ =	sfence.sel $0xFFFF  }
0xc1: {  	[dreg:$0x0] =	wrdreg $0xFFFFFFFF;
	(pc) =	sbr.abs _section_cstart, $3  }
0xc2: {  	[dreg:$0x1] =	wrdreg $0xFFFFFFFF  }
0xc3: {  	_ =	task.clear_ibuf [dreg:s7], $0x2FFFF;
	_ =	strace $0x9FFFFFFF  }
0xc4: {  	(tm) =	ssettm $0x7FFFFFFF  }
0xc5: {  	_ =	shalt  }
tec
execute0_lowered:
.L_overlay_start_1:
0x0: {  	(tag) =	ssettag $0x1  }
0x1: {  	s0 =	rddreg [dreg:$0x0]  }
0x2: {  	s3 =	rddreg [dreg:$0x1];
	s1 =	simm.s32 $0x0;
	s2 =	srdreg.scid  }
0x3: {  	s10 =	stileid.u32;
	[smem:$0x7FF] =	sst s1  }
0x4: {  	s4 =	sadd.s32 $0x34600, s3;
	s5 =	sand.u32 $0x1, s2;
	s9 =	smul.u32 $0x14000, s10  }
0x5: {  	s6 =	sadd.s32 $0x2A600, s3;
	s8 =	sshll.u32 s10, $0x1;
	s2 =	ssub.s32 $0x2, s5  }
0x6: {  	s12 =	smul.u32 $0x140000, s5;
	s7 =	sshrl.u32 s2, $0x1;
	s11 =	sadd.s32 $0x7D00, s9  }
0x7: {  	s13 =	sadd.s32 $0xBB80, s9;
	s15 =	sadd.s32 $0xFA00, s9;
	s16 =	sadd.s32 $0x13880, s9  }
0x8: {  	s2 =	ssub.s32 s2, s7;
	s7 =	sor.u32 s5, s8;
	s8 =	smul.u32 $0x2800, s10  }
0x9: {  	s10 =	sor.u32 $0x3E80, s9;
	s14 =	sadd.s32 s9, s12;
	s20 =	sadd.s32 s12, s11  }
0xa: {  	s28 =	sadd.s32 s12, s13;
	s29 =	sadd.s32 s12, s15;
	s5 =	smul.u32 $0x28000, s5  }
0xb: {  	s14 =	sshrl.u32 s14, $0x3;
	s17 =	sadd.s32 s12, s10;
	s25 =	sshrl.u32 s20, $0x3  }
0xc: {  	s12 =	sadd.s32 s12, s16;
	s2 =	smax.u32 s2, $0x1;
	s18 =	sadd.s32 $0x800, s8  }
0xd: {  	s19 =	sadd.s32 $0x1000, s8;
	s14 =	sadd.s32 s4, s14;
	s24 =	sshrl.u32 s17, $0x3  }
0xe: {  	s26 =	sadd.s32 s4, s25;
	s17 =	sshrl.u32 s29, $0x3;
	s12 =	sshrl.u32 s12, $0x3  }
0xf: {  	s21 =	sadd.s32 s8, s5;
	[dreg:$0x5] =	wrdreg s14;
	s14 =	sadd.s32 s4, s24  }
0x10: {  	[dreg:$0x7] =	wrdreg s26;
	s20 =	sadd.s32 s4, s17;
	s22 =	sadd.s32 s5, s18  }
0x11: {  	s23 =	sadd.s32 s5, s19;
	s26 =	sadd.s32 $0x1800, s8;
	[dreg:$0x6] =	wrdreg s14  }
0x12: {  	s14 =	sshrl.u32 s28, $0x3;
	[dreg:$0x9] =	wrdreg s20;
	s28 =	sadd.s32 $0x2000, s8  }
0x13: {  	s29 =	sadd.s32 s5, s26;
	s14 =	sadd.s32 s4, s14;
	s4 =	sadd.s32 s4, s12  }
0x14: {  	s12 =	sshrl.u32 s22, $0x3;
	s5 =	sadd.s32 s5, s28;
	[dreg:$0x8] =	wrdreg s14  }
0x15: {  	s17 =	sshrl.u32 s29, $0x3;
	[dreg:$0xa] =	wrdreg s4;
	s4 =	sshrl.u32 s21, $0x3  }
0x16: {  	s14 =	sshrl.u32 s23, $0x3;
	s24 =	sadd.s32 s6, s12;
	s12 =	rddreg [dreg:$0x2]  }
0x17: {  	s5 =	sshrl.u32 s5, $0x3;
	s17 =	sadd.s32 s6, s17;
	[dreg:$0xc] =	wrdreg s24  }
0x18: {  	s4 =	sadd.s32 s6, s4;
	s25 =	sadd.s32 s6, s14;
	s14 =	rddreg [dreg:$0x3]  }
0x19: {  	[dreg:$0xe] =	wrdreg s17;
	s5 =	sadd.s32 s6, s5;
	s17 =	sadd.s32 $0x16600, s3  }
0x1a: {  	s21 =	sadd.s32 s9, s12;
	s22 =	sadd.s32 s10, s12;
	[dreg:$0xb] =	wrdreg s4  }
0x1b: {  	s23 =	sadd.s32 s11, s12;
	s24 =	sadd.s32 s13, s12;
	[dreg:$0xd] =	wrdreg s25  }
0x1c: {  	[dreg:$0xf] =	wrdreg s5;
	s25 =	sadd.s32 s15, s12;
	s13 =	sadd.s32 s8, s14  }
0x1d: {  	s15 =	sadd.s32 s18, s14;
	_ =	strace $0x80000047;
	[dreg:$0x13] =	wrdreg s13  }
0x1e: {  	s30 =	sadd.s32 s16, s12;
	s16 =	sadd.s32 s19, s14;
	[dreg:$0x14] =	wrdreg s15  }
0x1f: {  	s11 =	smul.u32 $0x2800, s7;
	s4 =	sadd.s32 s26, s14;
	[dreg:$0x15] =	wrdreg s16  }
0x20: {  	s6 =	simm.s32 $0x7;
	s7 =	simm.s32 $0x1F4D0;
	[dreg:$0x16] =	wrdreg s4  }
0x21: {  	s9 =	simm.s32 $0x7D;
	s10 =	simm.s32 $0x1AE80;
	[dreg:$0x19] =	wrdreg s2  }
0x22: {  	s3 =	simm.s32 $0x0;
	s20 =	sadd.s32 s28, s14;
	[dreg:$0x10] =	wrdreg s24  }
0x23: {  	s5 =	simm.s32 $0x17000;
	s8 =	simm.s32 $0x5;
	[dreg:$0x11] =	wrdreg s25  }
0x24: {  	s18 =	sshrl.u32 s11, $0x3;
	s31 =	sor.u32 $0x200, s11;
	[dreg:$0x12] =	wrdreg s30  }
.Ltmp0:
0x25: {  	[dreg:$0x17] =	wrdreg s20;
	s19 =	sadd.s32 s17, s18;
	(pc) =	sbr.rel .LBB2_1-.Ltmp0, $4  }
0x26: {  	s11 =	simm.s32 $0x1;
	s26 =	sadd.s32 $0xA000, s19;
	[dreg:$0x18] =	wrdreg s19  }
0x27: {  	s15 =	simm.s32 $0x1ED00;
	s28 =	sadd.s32 $0x40, s19;
	[dreg:$0x1a] =	wrdreg s26  }
0x28: {  	s16 =	simm.s32 $0x2;
	s29 =	sadd.s32 $0xA040, s19;
	[dreg:$0x1b] =	wrdreg s28  }
0x29: {  	v0 =	vimm.f32 $0.0e+00;
	v1 =	vimm.f32 $1.000000000e+00;
	s13 =	simm.s32 $0x3;
	s2 =	simm.s32 $0x4;
	[dreg:$0x1c] =	wrdreg s29  }
.LBB2_10:
0x2a: {  	_ =	swait.ge [sflag:s11], $0x3E80  }
0x2b: {  	[sflag:s11] =	ssyncset.done $0x0  }
0x2c: {  	s4 =	simm.s32 $0x16F00;
	[sflag:s11] =	ssyncadd.s32 $0xFFFFC180  }
0x2d: {  	[spmem:s12] =	stream.indirect.scatter.add.f32 [tilespmem:s5], [sflag:$0x3], $0x80, s4, s9, $0xb8;
	[tilespmem:$0x1FCD0] =	vst v63  }
0x2e: {  	_ = 	snop  }
0x2f: {  	[spmem:s14] =	stream.indirect.scatter.add.f32 [tilespmem:s15], [sflag:$0x5], $0x10, s4, s9, $0xb8;
	[tilespmem:$0x1FCD0] =	vst v63  }
0x30: {  	_ =	swait.ge [sflag:s16], $0x3E80  }
0x31: {  	[sflag:s16] =	ssyncset.done $0x0  }
0x32: {  	s24 =	simm.s32 $0x16F80;
	[sflag:s16] =	ssyncadd.s32 $0xFFFFC180  }
0x33: {  	[spmem:s12] =	stream.indirect.scatter.add.f32 [tilespmem:s10], [sflag:$0x4], $0x80, s24, s9, $0xb8;
	[tilespmem:$0x1FCD0] =	vst v63  }
0x34: {  	_ = 	snop  }
0x35: {  	[spmem:s14] =	stream.indirect.scatter.add.f32 [tilespmem:s15], [sflag:$0x5], $0x10, s24, s9, $0xb8;
	[tilespmem:$0x1FCD0] =	vst v63  }
0x36: {  	_ =	swait.ge [sflag:s13], $0x3E80  }
0x37: {  	[sflag:s13] =	ssyncset.done $0x0  }
0x38: {  	[sflag:s13] =	ssyncadd.s32 $0xFFFFC180  }
0x39: {  	_ =	swait.ge [sflag:s2], $0x3E80  }
0x3a: {  	[sflag:s2] =	ssyncset.done $0x0  }
0x3b: {  	[sflag:s2] =	ssyncadd.s32 $0xFFFFC180  }
0x3c: {  	_ =	swait.ge [sflag:s8], $0x7D0  }
0x3d: {  	[sflag:s8] =	ssyncset.done $0x0  }
0x3e: {  	[sflag:s8] =	ssyncadd.s32 $0xFFFFF830  }
0x3f: {  	_ =	swait.ge [sflag:s8], $0x7D0  }
0x40: {  	[sflag:s8] =	ssyncset.done $0x0  }
0x41: {  	[sflag:s8] =	ssyncadd.s32 $0xFFFFF830  }
0x42: {  	[bflag:$0x0] =	sbarrier.arrive $0xFFFF  }
0x43: {  	[tilespmem:s5], [sflag:$0x7] =	stream.linear.gather [spmem:s26], $0x3E80, $0x38;
	[tilespmem:$0x1FCD0] =	vst v63  }
0x44: {  	_ =	swait.ge [sflag:s6], $0x3E80  }
0x45: {  	[sflag:s6] =	ssyncset.done $0x0  }
0x46: {  	s25 =	rddreg [dreg:$0x5];
	[sflag:s6] =	ssyncadd.s32 $0xFFFFC180  }
0x47: {  	[hbm4b:s25+s1] =	stream.linear.scatter [tilespmem:s5], [sflag:$0x7], $0x3E80, $0x38;
	[tilespmem:$0x1FCD0] =	vst v63  }
0x48: {  	_ =	swait.ge [sflag:s6], $0x3E80  }
0x49: {  	[sflag:s6] =	ssyncset.done $0x0  }
0x4a: {  	[sflag:s6] =	ssyncadd.s32 $0xFFFFC180  }
0x4b: {  	[tilespmem:s5], [sflag:$0x7] =	stream.linear.gather [spmem:s28], $0x3E80, $0x38;
	[tilespmem:$0x1FCD0] =	vst v63  }
0x4c: {  	_ =	swait.ge [sflag:s6], $0x3E80  }
0x4d: {  	[sflag:s6] =	ssyncset.done $0x0  }
0x4e: {  	s21 =	smov.u32 s26;
	s26 =	rddreg [dreg:$0x6];
	[sflag:s6] =	ssyncadd.s32 $0xFFFFC180  }
0x4f: {  	[hbm4b:s26+s1] =	stream.linear.scatter [tilespmem:s5], [sflag:$0x7], $0x3E80, $0x38;
	[tilespmem:$0x1FCD0] =	vst v63  }
0x50: {  	_ =	swait.ge [sflag:s6], $0x3E80  }
0x51: {  	[sflag:s6] =	ssyncset.done $0x0  }
0x52: {  	[sflag:s6] =	ssyncadd.s32 $0xFFFFC180  }
0x53: {  	[tilespmem:s5], [sflag:$0x7] =	stream.linear.gather [spmem:s29], $0x3E80, $0x38;
	[tilespmem:$0x1FCD0] =	vst v63  }
0x54: {  	_ =	swait.ge [sflag:s6], $0x3E80  }
0x55: {  	[sflag:s6] =	ssyncset.done $0x0  }
0x56: {  	s22 =	smov.u32 s28;
	s28 =	rddreg [dreg:$0x7];
	[sflag:s6] =	ssyncadd.s32 $0xFFFFC180  }
0x57: {  	[hbm4b:s28+s1] =	stream.linear.scatter [tilespmem:s5], [sflag:$0x7], $0x3E80, $0x38;
	[tilespmem:$0x1FCD0] =	vst v63  }
0x58: {  	_ =	swait.ge [sflag:s6], $0x3E80  }
0x59: {  	[sflag:s6] =	ssyncset.done $0x0  }
0x5a: {  	s24 =	rddreg [dreg:$0x10];
	[sflag:s6] =	ssyncadd.s32 $0xFFFFC180  }
0x5b: {  	[tilespmem:s5], [sflag:$0x7] =	stream.linear.gather [spmem:s24], $0x3E80, $0x38;
	[tilespmem:$0x1FCD0] =	vst v63  }
0x5c: {  	_ =	swait.ge [sflag:s6], $0x3E80  }
0x5d: {  	[sflag:s6] =	ssyncset.done $0x0  }
0x5e: {  	s23 =	smov.u32 s29;
	s29 =	rddreg [dreg:$0x8];
	[sflag:s6] =	ssyncadd.s32 $0xFFFFC180  }
0x5f: {  	[hbm4b:s29+s1] =	stream.linear.scatter [tilespmem:s5], [sflag:$0x7], $0x3E80, $0x38;
	[tilespmem:$0x1FCD0] =	vst v63  }
0x60: {  	_ =	swait.ge [sflag:s6], $0x3E80  }
0x61: {  	[sflag:s6] =	ssyncset.done $0x0  }
0x62: {  	s25 =	rddreg [dreg:$0x11];
	[sflag:s6] =	ssyncadd.s32 $0xFFFFC180  }
0x63: {  	[tilespmem:s5], [sflag:$0x7] =	stream.linear.gather [spmem:s25], $0x3E80, $0x38;
	[tilespmem:$0x1FCD0] =	vst v63  }
0x64: {  	_ =	swait.ge [sflag:s6], $0x3E80  }
0x65: {  	[sflag:s6] =	ssyncset.done $0x0  }
0x66: {  	s18 =	rddreg [dreg:$0x9];
	[sflag:s6] =	ssyncadd.s32 $0xFFFFC180  }
0x67: {  	[hbm4b:s18+s1] =	stream.linear.scatter [tilespmem:s5], [sflag:$0x7], $0x3E80, $0x38;
	[tilespmem:$0x1FCD0] =	vst v63  }
0x68: {  	_ =	swait.ge [sflag:s6], $0x3E80  }
0x69: {  	[sflag:s6] =	ssyncset.done $0x0  }
0x6a: {  	s30 =	rddreg [dreg:$0x12];
	[sflag:s6] =	ssyncadd.s32 $0xFFFFC180  }
0x6b: {  	[tilespmem:s5], [sflag:$0x7] =	stream.linear.gather [spmem:s30], $0x780, $0x38;
	[tilespmem:$0x1FCD0] =	vst v63  }
0x6c: {  	_ =	swait.ge [sflag:s6], $0x780  }
0x6d: {  	[sflag:s6] =	ssyncset.done $0x0  }
0x6e: {  	s19 =	rddreg [dreg:$0xa];
	[sflag:s6] =	ssyncadd.s32 $0xFFFFF880  }
0x6f: {  	[hbm4b:s19+s1] =	stream.linear.scatter [tilespmem:s5], [sflag:$0x7], $0x780, $0x38;
	[tilespmem:$0x1FCD0] =	vst v63  }
0x70: {  	_ =	swait.ge [sflag:s6], $0x780  }
0x71: {  	[sflag:s6] =	ssyncset.done $0x0  }
0x72: {  	s20 =	rddreg [dreg:$0x13];
	[sflag:s6] =	ssyncadd.s32 $0xFFFFF880  }
0x73: {  	[tilespmem:s7], [sflag:$0x7] =	stream.linear.gather [spmem:s20], $0x800, $0x38;
	[tilespmem:$0x1FCD0] =	vst v63  }
0x74: {  	_ =	swait.ge [sflag:s6], $0x800  }
0x75: {  	[sflag:s6] =	ssyncset.done $0x0  }
0x76: {  	s26 =	rddreg [dreg:$0xb];
	[sflag:s6] =	ssyncadd.s32 $0xFFFFF800  }
0x77: {  	[hbm4b:s26+s1] =	stream.linear.scatter [tilespmem:s7], [sflag:$0x7], $0x800, $0x38;
	[tilespmem:$0x1FCD0] =	vst v63  }
0x78: {  	_ =	swait.ge [sflag:s6], $0x800  }
0x79: {  	[sflag:s6] =	ssyncset.done $0x0  }
0x7a: {  	s28 =	rddreg [dreg:$0x14];
	[sflag:s6] =	ssyncadd.s32 $0xFFFFF800  }
0x7b: {  	[tilespmem:s7], [sflag:$0x7] =	stream.linear.gather [spmem:s28], $0x800, $0x38;
	[tilespmem:$0x1FCD0] =	vst v63  }
0x7c: {  	_ =	swait.ge [sflag:s6], $0x800  }
0x7d: {  	[sflag:s6] =	ssyncset.done $0x0  }
0x7e: {  	s29 =	rddreg [dreg:$0xc];
	[sflag:s6] =	ssyncadd.s32 $0xFFFFF800  }
0x7f: {  	[hbm4b:s29+s1] =	stream.linear.scatter [tilespmem:s7], [sflag:$0x7], $0x800, $0x38;
	[tilespmem:$0x1FCD0] =	vst v63  }
0x80: {  	_ =	swait.ge [sflag:s6], $0x800  }
0x81: {  	[sflag:s6] =	ssyncset.done $0x0  }
0x82: {  	s18 =	rddreg [dreg:$0x15];
	[sflag:s6] =	ssyncadd.s32 $0xFFFFF800  }
0x83: {  	[tilespmem:s7], [sflag:$0x7] =	stream.linear.gather [spmem:s18], $0x800, $0x38;
	[tilespmem:$0x1FCD0] =	vst v63  }
0x84: {  	_ =	swait.ge [sflag:s6], $0x800  }
0x85: {  	[sflag:s6] =	ssyncset.done $0x0  }
0x86: {  	s19 =	rddreg [dreg:$0xd];
	[sflag:s6] =	ssyncadd.s32 $0xFFFFF800  }
0x87: {  	[hbm4b:s19+s1] =	stream.linear.scatter [tilespmem:s7], [sflag:$0x7], $0x800, $0x38;
	[tilespmem:$0x1FCD0] =	vst v63  }
0x88: {  	_ =	swait.ge [sflag:s6], $0x800  }
0x89: {  	[sflag:s6] =	ssyncset.done $0x0  }
0x8a: {  	s20 =	rddreg [dreg:$0x16];
	[sflag:s6] =	ssyncadd.s32 $0xFFFFF800  }
0x8b: {  	[tilespmem:s7], [sflag:$0x7] =	stream.linear.gather [spmem:s20], $0x800, $0x38;
	[tilespmem:$0x1FCD0] =	vst v63  }
0x8c: {  	_ =	swait.ge [sflag:s6], $0x800  }
0x8d: {  	[sflag:s6] =	ssyncset.done $0x0  }
0x8e: {  	s26 =	rddreg [dreg:$0xe];
	[sflag:s6] =	ssyncadd.s32 $0xFFFFF800  }
0x8f: {  	[hbm4b:s26+s1] =	stream.linear.scatter [tilespmem:s7], [sflag:$0x7], $0x800, $0x38;
	[tilespmem:$0x1FCD0] =	vst v63  }
0x90: {  	_ =	swait.ge [sflag:s6], $0x800  }
0x91: {  	[sflag:s6] =	ssyncset.done $0x0  }
0x92: {  	s20 =	rddreg [dreg:$0x17];
	[sflag:s6] =	ssyncadd.s32 $0xFFFFF800  }
0x93: {  	[tilespmem:s7], [sflag:$0x7] =	stream.linear.gather [spmem:s20], $0x800, $0x38;
	[tilespmem:$0x1FCD0] =	vst v63  }
0x94: {  	_ =	swait.ge [sflag:s6], $0x800  }
0x95: {  	[sflag:s6] =	ssyncset.done $0x0  }
0x96: {  	s28 =	rddreg [dreg:$0xf];
	[sflag:s6] =	ssyncadd.s32 $0xFFFFF800  }
0x97: {  	[hbm4b:s28+s1] =	stream.linear.scatter [tilespmem:s7], [sflag:$0x7], $0x800, $0x38;
	[tilespmem:$0x1FCD0] =	vst v63  }
0x98: {  	_ =	swait.ge [sflag:s6], $0x800  }
0x99: {  	s3 =	sadd.s32 $0x1, s3;
	s29 =	rddreg [dreg:$0x19]  }
0x9a: {  	p0 =	sne.s32 s3, s29  }
.Ltmp1:
0x9b: {  	_ = 	snop;
	(pc) =	sbr.rel @!p0 .LBB2_11-.Ltmp1, $3  }
0x9c: {  	_ =	sdelay $0x1  }
0x9d: {  	[sflag:s6] =	ssyncset.done $0x0  }
0x9e: {  	[sflag:s6] =	ssyncadd.s32 $0xFFFFF800  }
.LBB2_1:
0x9f: {  	s4 =	simm.s32 $0x0;
	s18 =	simm.s32 $0x200  }
.LBB2_2:
0xa0: {  	p0 =	sne.s32 s18, $0xF800;
	[tilespmem:s4+$0x17070] =	vst v0  }
0xa1: {  	[tilespmem:s4+$0x17000] =	vst v0  }
0xa2: {  	[tilespmem:s4+$0x17010] =	vst v0  }
.Ltmp2:
0xa3: {  	[tilespmem:s4+$0x17020] =	vst v0;
	(pc) =	sbr.rel @p0 .LBB2_2-.Ltmp2, $4  }
0xa4: {  	[tilespmem:s4+$0x17030] =	vst v0  }
0xa5: {  	[tilespmem:s4+$0x17040] =	vst v0  }
0xa6: {  	[tilespmem:s4+$0x17050] =	vst v0  }
0xa7: {  	[tilespmem:s4+$0x17060] =	vst v0;
	s4 =	sshra.s32 s18, $0x2;
	s18 =	sadd.s32 $0x200, s18  }
0xa8: {  	[tilespmem:s4+$0x17070] =	vst v0  }
0xa9: {  	[tilespmem:s4+$0x17000] =	vst v0  }
0xaa: {  	[tilespmem:s4+$0x17010] =	vst v0  }
0xab: {  	[tilespmem:s4+$0x17020] =	vst v0  }
0xac: {  	[tilespmem:s4+$0x17030] =	vst v0  }
0xad: {  	[tilespmem:s4+$0x17040] =	vst v0  }
0xae: {  	[tilespmem:s4+$0x17050] =	vst v0  }
0xaf: {  	[tilespmem:s4+$0x17060] =	vst v0;
	s4 =	simm.s32 $0x40;
	s18 =	simm.s32 $0x0  }
.LBB2_4:
0xb0: {  	p0 =	sne.s32 s4, $0x1F00;
	[tilespmem:s18+$0x1ED00] =	vst v1;
	s19 =	smov.u32 s4;
	s4 =	sadd.s32 $0x40, s4  }
.Ltmp3:
0xb1: {  	[tilespmem:s18+$0x1F4D0] =	vst v0;
	(pc) =	sbr.rel @p0 .LBB2_4-.Ltmp3, $2  }
0xb2: {  	_ =	sdelay $0x2  }
0xb3: {  	s18 =	sshra.s32 s19, $0x2  }
0xb4: {  	[tilespmem:s18+$0x1ED00] =	vst v1  }
0xb5: {  	[tilespmem:s18+$0x1F4D0] =	vst v0  }
0xb6: {  	[tilespmem:$0x1FCA0] =	vst v0  }
0xb7: {  	[tilespmem:$0x1FCB0] =	vst v0  }
0xb8: {  	[tilespmem:$0x1FCC0] =	vst v0  }
0xb9: {  	[spmem:s21] =	stream.linear.scatter [tilespmem:s5], [sflag:$0x7], $0x3E80, $0x38;
	[tilespmem:$0x1FCD0] =	vst v63  }
0xba: {  	_ =	swait.ge [sflag:s6], $0x3E80  }
0xbb: {  	[sflag:s6] =	ssyncset.done $0x0  }
0xbc: {  	[sflag:s6] =	ssyncadd.s32 $0xFFFFC180  }
0xbd: {  	[spmem:s22] =	stream.linear.scatter [tilespmem:s5], [sflag:$0x7], $0x3E80, $0x38;
	[tilespmem:$0x1FCD0] =	vst v63  }
0xbe: {  	_ =	swait.ge [sflag:s6], $0x3E80  }
0xbf: {  	[sflag:s6] =	ssyncset.done $0x0  }
0xc0: {  	[sflag:s6] =	ssyncadd.s32 $0xFFFFC180  }
0xc1: {  	[spmem:s23] =	stream.linear.scatter [tilespmem:s5], [sflag:$0x7], $0x3E80, $0x38;
	[tilespmem:$0x1FCD0] =	vst v63  }
0xc2: {  	_ =	swait.ge [sflag:s6], $0x3E80  }
0xc3: {  	[sflag:s6] =	ssyncset.done $0x0  }
0xc4: {  	[sflag:s6] =	ssyncadd.s32 $0xFFFFC180  }
0xc5: {  	[spmem:s24] =	stream.linear.scatter [tilespmem:s5], [sflag:$0x7], $0x3E80, $0x38;
	[tilespmem:$0x1FCD0] =	vst v63  }
0xc6: {  	_ =	swait.ge [sflag:s6], $0x3E80  }
0xc7: {  	[sflag:s6] =	ssyncset.done $0x0  }
0xc8: {  	[sflag:s6] =	ssyncadd.s32 $0xFFFFC180  }
0xc9: {  	[spmem:s25] =	stream.linear.scatter [tilespmem:s5], [sflag:$0x7], $0x3E80, $0x38;
	[tilespmem:$0x1FCD0] =	vst v63  }
0xca: {  	_ =	swait.ge [sflag:s6], $0x3E80  }
0xcb: {  	[sflag:s6] =	ssyncset.done $0x0  }
0xcc: {  	[sflag:s6] =	ssyncadd.s32 $0xFFFFC180  }
0xcd: {  	[spmem:s30] =	stream.linear.scatter [tilespmem:s5], [sflag:$0x7], $0x780, $0x38;
	[tilespmem:$0x1FCD0] =	vst v63  }
0xce: {  	_ =	swait.ge [sflag:s6], $0x780  }
0xcf: {  	[sflag:s6] =	ssyncset.done $0x0  }
0xd0: {  	s4 =	rddreg [dreg:$0x13];
	[sflag:s6] =	ssyncadd.s32 $0xFFFFF880  }
0xd1: {  	[spmem:s4] =	stream.linear.scatter [tilespmem:s7], [sflag:$0x7], $0x800, $0x38;
	[tilespmem:$0x1FCD0] =	vst v63  }
0xd2: {  	_ =	swait.ge [sflag:s6], $0x800  }
0xd3: {  	[sflag:s6] =	ssyncset.done $0x0  }
0xd4: {  	s19 =	rddreg [dreg:$0x14];
	[sflag:s6] =	ssyncadd.s32 $0xFFFFF800  }
0xd5: {  	[spmem:s19] =	stream.linear.scatter [tilespmem:s7], [sflag:$0x7], $0x800, $0x38;
	[tilespmem:$0x1FCD0] =	vst v63  }
0xd6: {  	_ =	swait.ge [sflag:s6], $0x800  }
0xd7: {  	[sflag:s6] =	ssyncset.done $0x0  }
0xd8: {  	s26 =	smov.u32 s21;
	s21 =	rddreg [dreg:$0x15];
	[sflag:s6] =	ssyncadd.s32 $0xFFFFF800  }
0xd9: {  	[spmem:s21] =	stream.linear.scatter [tilespmem:s7], [sflag:$0x7], $0x800, $0x38;
	[tilespmem:$0x1FCD0] =	vst v63  }
0xda: {  	_ =	swait.ge [sflag:s6], $0x800  }
0xdb: {  	[sflag:s6] =	ssyncset.done $0x0  }
0xdc: {  	s28 =	smov.u32 s22;
	s22 =	rddreg [dreg:$0x16];
	[sflag:s6] =	ssyncadd.s32 $0xFFFFF800  }
0xdd: {  	[spmem:s22] =	stream.linear.scatter [tilespmem:s7], [sflag:$0x7], $0x800, $0x38;
	[tilespmem:$0x1FCD0] =	vst v63  }
0xde: {  	_ =	swait.ge [sflag:s6], $0x800  }
0xdf: {  	[sflag:s6] =	ssyncset.done $0x0  }
0xe0: {  	[sflag:s6] =	ssyncadd.s32 $0xFFFFF800  }
0xe1: {  	[spmem:s20] =	stream.linear.scatter [tilespmem:s7], [sflag:$0x7], $0x800, $0x38;
	[tilespmem:$0x1FCD0] =	vst v63  }
0xe2: {  	_ =	swait.ge [sflag:s6], $0x800  }
0xe3: {  	[sflag:s6] =	ssyncset.done $0x0  }
0xe4: {  	[sflag:s6] =	ssyncadd.s32 $0xFFFFF800  }
0xe5: {  	s29 =	smov.u32 s23;
	[bflag:$0x0] =	sbarrier.arrive $0xFFFF  }
0xe6: {  	s4 =	simm.s32 $0x0;
	s19 =	simm.s32 $0x16800;
	s23 =	rddreg [dreg:$0x18]  }
0xe7: {  	[tilespmem:s19], [sflag:$0x7] =	stream.linear.gather [hbm4b:s23+s4], $0x200, $0x38;
	[tilespmem:$0x1FCD0] =	vst v63  }
0xe8: {  	_ =	swait.ge [sflag:s6], $0x200  }
0xe9: {  	[sflag:s6] =	ssyncset.done $0x0  }
0xea: {  	s25 =	simm.s32 $0x16C00;
	s24 =	rddreg [dreg:$0x1a];
	[sflag:s6] =	ssyncadd.s32 $0xFFFFFE00  }
0xeb: {  	[tilespmem:s25], [sflag:$0x7] =	stream.linear.gather [hbm4b:s24+s4], $0x200, $0x38;
	[tilespmem:$0x1FCD0] =	vst v63  }
0xec: {  	_ =	swait.ge [sflag:s6], $0x200  }
0xed: {  	[sflag:s6] =	ssyncset.done $0x0  }
0xee: {  	s22 =	simm.s32 $0x16A00;
	s21 =	rddreg [dreg:$0x1b];
	[sflag:s6] =	ssyncadd.s32 $0xFFFFFE00  }
0xef: {  	[tilespmem:s22], [sflag:$0x6] =	stream.linear.gather [hbm4b:s21+s4], $0x200, $0x38;
	[tilespmem:$0x1FCD0] =	vst v63  }
0xf0: {  	s24 =	simm.s32 $0x16E00;
	s23 =	rddreg [dreg:$0x1c]  }
0xf1: {  	[tilespmem:s24], [sflag:$0x6] =	stream.linear.gather [hbm4b:s23+s4], $0x200, $0x38;
	[tilespmem:$0x1FCD0] =	vst v63  }
.Ltmp4:
0xf2: {  	_ = 	snop;
	(pc) =	sbr.rel .LBB2_6-.Ltmp4, $4  }
0xf3: {  	s18 =	simm.s32 $0x400  }
0xf4: {  	[tilespmem:s5], [sflag:$0x1] =	stream.indirect.gather [hbm4b:s0+s9], $0x80, s19, s9, $0xb8;
	[tilespmem:$0x1FCD0] =	vst v63  }
0xf5: {  	s30 =	simm.s32 $0x100;
	s25 =	simm.s32 $0x16880;
	s19 =	simm.s32 $0x0  }
0xf6: {  	[tilespmem:s10], [sflag:$0x2] =	stream.indirect.gather [hbm4b:s0+s9], $0x80, s25, s9, $0xb8;
	[tilespmem:$0x1FCD0] =	vst v63  }
.LBB2_8:
0xf7: {  	p0 =	seq.s32 s20, $0x0  }
0xf8: {  	s20 =	simm.s32 @!p0 $0x6  }
0xf9: {  	_ =	swait.ge @!p0 [sflag:s20], $0x200  }
0xfa: {  	[sflag:s20] =	ssyncset.done @!p0 $0x0  }
0xfb: {  	[sflag:s20] =	ssyncadd.s32 @!p0 $0xFFFFFE00  }
0xfc: {  	_ =	swait.ge @!p0 [sflag:s20], $0x200  }
0xfd: {  	[sflag:s20] =	ssyncset.done @!p0 $0x0  }
0xfe: {  	[sflag:s20] =	ssyncadd.s32 @!p0 $0xFFFFFE00  }
.LBB2_9:
0xff: {  	s20 =	sand.u32 $0x400, s18  }
0x100: {  	_ =	swait.ge [sflag:s13], $0x3E80;
	s21 =	sand.u32 $0x200, s30;
	s20 =	sshrl.u32 s20, $0x2  }
0x101: {  	[sflag:s13] =	ssyncset.done $0x0;
	s20 =	sor.u32 s20, s21  }
0x102: {  	[sflag:s13] =	ssyncadd.s32 $0xFFFFC180;
	s21 =	sor.u32 $0x16800, s20  }
0x103: {  	[tilespmem:s5], [sflag:$0x1] =	stream.indirect.gather [hbm4b:s0+s9], $0x80, s21, s9, $0xb8;
	[tilespmem:$0x1FCD0] =	vst v63  }
0x104: {  	_ =	swait.ge [sflag:s2], $0x3E80  }
0x105: {  	[sflag:s2] =	ssyncset.done $0x0  }
0x106: {  	s30 =	sadd.s32 $0x100, s30;
	s20 =	sor.u32 $0x16880, s20;
	[sflag:s2] =	ssyncadd.s32 $0xFFFFC180  }
0x107: {  	[tilespmem:s10], [sflag:$0x2] =	stream.indirect.gather [hbm4b:s0+s9], $0x80, s20, s9, $0xb8;
	[tilespmem:$0x1FCD0] =	vst v63  }
0x108: {  	p0 =	sne.s32 s30, $0x2800;
	_ =	swait.ge [sflag:s8], $0x7D0  }
.Ltmp5:
0x109: {  	[sflag:s8] =	ssyncset.done $0x0;
	(pc) =	sbr.rel @!p0 .LBB2_10-.Ltmp5, $4  }
0x10a: {  	[sflag:s8] =	ssyncadd.s32 $0xFFFFF830  }
0x10b: {  	_ =	swait.ge [sflag:s8], $0x7D0  }
0x10c: {  	s19 =	sadd.s32 $0x1, s19;
	[sflag:s8] =	ssyncset.done $0x0  }
0x10d: {  	s4 =	sadd.s32 $0x2, s4;
	s18 =	sadd.s32 $0x400, s18;
	[sflag:s8] =	ssyncadd.s32 $0xFFFFF830  }
.LBB2_6:
0x10e: {  	s23 =	sshrl.u32 s19, $0x1  }
0x10f: {  	s20 =	sand.u32 $0x2, s4;
	s21 =	sshll.u32 s23, $0x9  }
0x110: {  	_ =	swait.ge [sflag:s11], $0x3E80;
	s24 =	sshll.u32 s20, $0x7;
	s22 =	sand.u32 $0x200, s21  }
0x111: {  	[sflag:s11] =	ssyncset.done $0x0;
	p0 =	sne.s32 s20, $0x0;
	s24 =	sor.u32 s24, s22  }
0x112: {  	s23 =	sadd.s32 $0xFFFFFFFF, s23;
	[sflag:s11] =	ssyncadd.s32 $0xFFFFC180;
	s25 =	sor.u32 $0x16C00, s24  }
0x113: {  	[spmem:s12] =	stream.indirect.scatter.add.f32 [tilespmem:s5], [sflag:$0x3], $0x80, s25, s9, $0xb8;
	[tilespmem:$0x1FCD0] =	vst v63  }
0x114: {  	p1 =	sgt.u32 @!p0 s23, $0x11  }
0x115: {  	[spmem:s14] =	stream.indirect.scatter.add.f32 [tilespmem:s15], [sflag:$0x5], $0x10, s25, s9, $0xb8;
	[tilespmem:$0x1FCD0] =	vst v63  }
0x116: {  	p0 =	por p0, p1;
	_ =	swait.ge [sflag:s16], $0x3E80  }
.Ltmp6:
0x117: {  	[sflag:s16] =	ssyncset.done $0x0;
	(pc) =	sbr.rel @p0 .LBB2_8-.Ltmp6, $4  }
0x118: {  	s24 =	sor.u32 $0x16C80, s24;
	[sflag:s16] =	ssyncadd.s32 $0xFFFFC180  }
0x119: {  	[spmem:s12] =	stream.indirect.scatter.add.f32 [tilespmem:s10], [sflag:$0x4], $0x80, s24, s9, $0xb8;
	[tilespmem:$0x1FCD0] =	vst v63  }
0x11a: {  	_ = 	snop  }
0x11b: {  	[spmem:s14] =	stream.indirect.scatter.add.f32 [tilespmem:s15], [sflag:$0x5], $0x10, s24, s9, $0xb8;
	[tilespmem:$0x1FCD0] =	vst v63  }
0x11c: {  	s20 =	sadd.s32 s21, s31  }
.Ltmp7:
0x11d: {  	s25 =	sxor.u32 $0x200, s22;
	s20 =	sshrl.u32 s20, $0x3;
	(pc) =	sbr.rel .LBB2_9-.Ltmp7, $4  }
0x11e: {  	s22 =	sor.u32 $0x16800, s25;
	s20 =	sadd.s32 s17, s20  }
0x11f: {  	[tilespmem:s22], [sflag:$0x6] =	stream.linear.gather [hbm4b:s20+s1], $0x200, $0x38;
	[tilespmem:$0x1FCD0] =	vst v63  }
0x120: {  	s21 =	sor.u32 $0x16C00, s25;
	s20 =	sadd.s32 $0xA000, s20  }
0x121: {  	[tilespmem:s21], [sflag:$0x6] =	stream.linear.gather [hbm4b:s20+s1], $0x200, $0x38;
	[tilespmem:$0x1FCD0] =	vst v63  }
.LBB2_11:
0x122: {  	_ =	sfence.sel $0x180000  }
0x123: {  	[bflag:$0x0] =	sbarrier.arrive $0xFFFF  }
0x124: {  	_ =	strace $0x90000047  }
0x125: {  	s0 =	stileid.u32;
	[bflag:$0x2] =	sbarrier.arrive $0xFFFF  }
0x126: {  	p0 =	sne.s32 s0, $0x0;
	s0 =	rddreg [dreg:$0x4]  }
0x127: {  	s0 =	sadd.s32 @!p0 $0x100000, s0  }
0x128: {  	[sflag:s0] =	ssyncadd.tile.s32 @!p0 $0x1;
	_ =	shalt  }
.Lfunc_end2:
_tile_overlayer_lowered:
.L_overlay_start_2:
0x129: {  	(tag) =	ssettag $0x2  }
0x12a: {  	s0 =	rddreg [dreg:$0x0];
	s2 =	stileid.u32  }
0x12b: {  	s1 =	rddreg [dreg:$0x1];
	p0 =	sne.s32 s2, $0x0  }
0x12c: {  	s3 =	rddreg [dreg:$0x2];
	[bflag:$0x3] =	sbarrier.arrive $0xFFFF;
	s2 =	simm.s32 @!p0 $0x1C07  }
0x12d: {  	[timem:s3], [sflag:s2] =	dma.local @!p0 [hbm:s0], s1  }
0x12e: {  	s0 =	simm.s32 @!p0 $0x7  }
0x12f: {  	_ =	swait.ge @!p0 [sflag:s0], s1  }
0x130: {  	s1 =	ssub.s32 @!p0 $0x0, s1;
	[sflag:s0] =	ssyncset.done @!p0 $0x0  }
0x131: {  	[sflag:s0] =	ssyncadd.s32 @!p0 s1  }
0x132: {  	[bflag:$0x3] =	sbarrier.arrive $0xFFFF  }
0x133: {  	_ =	shalt  }

// kernel: kernel.9.cloned.1.call-start
scs
__scs_entry_jumppad:
0x0: {  	(pc) =	sbr.rel $0x88, $3  }
0x1: {  	(tag) =	ssettag $0x0;
	lr =	simm.s32 $0x1  }
0x2: {  	[smem:$0x3F99] =	sst lr;
	_ =	strace $0xD0000000  }
0x3: {  	_ = 	snop  }
0x4: {  	_ = 	snop  }
0x5: {  	_ = 	snop  }
0x6: {  	_ = 	snop  }
0x7: {  	_ = 	snop  }
__scs_overlays_trampoline_lowered:
0x8: {  	[smem:$0x3FA8] =	sst s0  }
0x9: {  	[smem:$0x3FA9] =	sst s1  }
0xa: {  	[smem:$0x3FAA] =	sst s2  }
0xb: {  	[smem:$0x3FAB] =	sst s3  }
0xc: {  	[smem:$0x3FAC] =	sst s4  }
0xd: {  	[smem:$0x3FAD] =	sst s5  }
0xe: {  	[smem:$0x3FAE] =	sst s6  }
0xf: {  	[smem:$0x3FAF] =	sst s7  }
0x10: {  	[smem:$0x3FB0] =	sst s8  }
0x11: {  	[smem:$0x3FB1] =	sst s9;
	s0 =	simm.s32 @!p0 $0x0  }
0x12: {  	s1 =	sld [smem:$0x3F97];
	s0 =	simm.s32 @p0 $0x1  }
0x13: {  	[smem:$0x3FB2] =	sst s0;
	s0 =	simm.s32 @!p1 $0x0  }
0x14: {  	s2 =	sld [smem:$0x3F96];
	s0 =	simm.s32 @p1 $0x1  }
0x15: {  	[smem:$0x3FB3] =	sst s0;
	s0 =	simm.s32 @!p2 $0x0  }
0x16: {  	s3 =	sld [smem:$0x3FDB];
	s0 =	simm.s32 @p2 $0x1  }
0x17: {  	s4 =	simm.s32 $0x1BF5;
	[smem:$0x3FB5] =	sst s0  }
0x18: {  	s0 =	sld [smem:$0x3F98];
	_ =	swait.ge [sflag:s4], $0x0  }
0x19: {  	s7 =	sld [smem:$0x3F99]  }
0x1a: {  	s8 =	sadd.s32 $0xFFFFE003, lr  }
0x1b: {  	s9 =	sadd.s32 $0xFFFFFEF7, lr;
	s5 =	simm.s32 $0xFFFFFFFF;
	p2 =	slt.u32 s8, $0xFFFFF086  }
0x1c: {  	p1 =	slt.u32 s9, $0xF7A;
	s5 =	simm.s32 @!p2 $0x0  }
0x1d: {  	s5 =	simm.s32 @p1 $0x1;
	p0 =	seq.s32 s7, s2  }
0x1e: {  	s7 =	smul.u32 @!p0 $0xF7A, s2;
	p2 =	seq.s32 @!p0 s5, $0x0  }
0x1f: {  	s9 =	smul.u32 $0xF7A, s1;
	s8 =	simm.s32 @!p0 $0x1BF5;
	p2 =	por !p2, p0  }
0x20: {  	[sflag:s8] =	ssyncset.s32 @!p0 $0xFFFFF086;
	s6 =	sadd.s32 @!p0 s3, s7;
	s7 =	simm.s32 @!p0 $0x108  }
0x21: {  	s3 =	sadd.s32 s3, s9;
	s6 =	sadd.s32 @!p0 $0x88, s6;
	s7 =	simm.s32 @p2 $0x1082  }
0x22: {  	[simem:s7], [sflag:s8] =	dma.local @!p0 [hbm:s6], $0xF7A  }
0x23: {  	s9 =	sor.u32 $0xD0000000, s2;
	s6 =	simm.s32 $0x108;
	_ =	swait.ge @!p0 [sflag:s8], $0x0  }
0x24: {  	s3 =	sadd.s32 $0x88, s3;
	s6 =	simm.s32 @!p1 $0x1082;
	[sflag:s4] =	ssyncset.s32 $0xFFFFF086  }
0x25: {  	[simem:s6], [sflag:s4] =	dma.local [hbm:s3], $0xF7A  }
0x26: {  	[smem:$0x3F99] =	sst s1;
	(tag) =	ssettag s2;
	_ =	strace s9  }
0x27: {  	s1 =	sld [smem:$0x3FA9]  }
0x28: {  	s2 =	sld [smem:$0x3FAA]  }
0x29: {  	s4 =	sld [smem:$0x3FAC]  }
0x2a: {  	p0 =	seq.s32 s5, $0x0;
	s5 =	sld [smem:$0x3FAD]  }
0x2b: {  	s6 =	sld [smem:$0x3FAE]  }
0x2c: {  	s7 =	sld [smem:$0x3FAF]  }
0x2d: {  	s3 =	simm.s32 $0x108;
	s8 =	sld [smem:$0x3FB0]  }
0x2e: {  	s3 =	simm.s32 @!p0 $0x1082;
	s9 =	sld [smem:$0x3FB1]  }
0x2f: {  	lr =	sadd.s32 s0, s3;
	s0 =	sld [smem:$0x3FA8]  }
0x30: {  	s3 =	sld [smem:$0x3FAB]  }
0x31: {  	[smem:$0x3FB4] =	sst s10  }
0x32: {  	s10 =	sld [smem:$0x3FB2];
	_ =	sdelay $0x3  }
0x33: {  	p0 =	seq.s32 s10, $0x1;
	s10 =	sld [smem:$0x3FB4];
	_ =	sdelay $0x3  }
0x34: {  	[smem:$0x3FB4] =	sst s10  }
0x35: {  	s10 =	sld [smem:$0x3FB3];
	_ =	sdelay $0x3  }
0x36: {  	p1 =	seq.s32 s10, $0x1;
	s10 =	sld [smem:$0x3FB4];
	_ =	sdelay $0x3  }
0x37: {  	[smem:$0x3FB4] =	sst s10  }
0x38: {  	s10 =	sld [smem:$0x3FB5]  }
0x39: {  	_ = 	snop;
	(pc) =	sbr.ind lr, $3  }
0x3a: {  	_ = 	snop  }
0x3b: {  	_ = 	snop  }
0x3c: {  	p2 =	seq.s32 s10, $0x1;
	s10 =	sld [smem:$0x3FB4]  }
0x3d: {  	_ =	shalt  }
0x3e: {  	_ =	shalt  }
0x3f: {  	_ =	shalt  }
0x40: {  	_ =	shalt  }
0x41: {  	_ =	shalt  }
0x42: {  	_ =	shalt  }
0x43: {  	_ =	shalt  }
0x44: {  	_ =	shalt  }
0x45: {  	_ =	shalt  }
0x46: {  	_ =	shalt  }
0x47: {  	_ =	shalt  }
0x48: {  	_ =	shalt  }
0x49: {  	_ =	shalt  }
0x4a: {  	_ =	shalt  }
0x4b: {  	_ =	shalt  }
0x4c: {  	_ =	shalt  }
0x4d: {  	_ =	shalt  }
0x4e: {  	_ =	shalt  }
0x4f: {  	_ =	shalt  }
0x50: {  	_ =	shalt  }
0x51: {  	_ =	shalt  }
0x52: {  	_ =	shalt  }
0x53: {  	_ =	shalt  }
0x54: {  	_ =	shalt  }
0x55: {  	_ =	shalt  }
0x56: {  	_ =	shalt  }
0x57: {  	_ =	shalt  }
0x58: {  	_ =	shalt  }
0x59: {  	_ =	shalt  }
0x5a: {  	_ =	shalt  }
0x5b: {  	_ =	shalt  }
0x5c: {  	_ =	shalt  }
0x5d: {  	_ =	shalt  }
0x5e: {  	_ =	shalt  }
0x5f: {  	_ =	shalt  }
0x60: {  	_ =	shalt  }
0x61: {  	_ =	shalt  }
0x62: {  	_ =	shalt  }
0x63: {  	_ =	shalt  }
0x64: {  	_ =	shalt  }
0x65: {  	_ =	shalt  }
0x66: {  	_ =	shalt  }
0x67: {  	_ =	shalt  }
0x68: {  	_ =	shalt  }
0x69: {  	_ =	shalt  }
0x6a: {  	_ =	shalt  }
0x6b: {  	_ =	shalt  }
0x6c: {  	_ =	shalt  }
0x6d: {  	_ =	shalt  }
0x6e: {  	_ =	shalt  }
0x6f: {  	_ =	shalt  }
0x70: {  	_ =	shalt  }
0x71: {  	_ =	shalt  }
0x72: {  	_ =	shalt  }
0x73: {  	_ =	shalt  }
0x74: {  	_ =	shalt  }
0x75: {  	_ =	shalt  }
0x76: {  	_ =	shalt  }
0x77: {  	_ =	shalt  }
0x78: {  	_ =	shalt  }
0x79: {  	_ =	shalt  }
0x7a: {  	_ =	shalt  }
0x7b: {  	_ =	shalt  }
0x7c: {  	_ =	shalt  }
0x7d: {  	_ =	shalt  }
0x7e: {  	_ =	shalt  }
0x7f: {  	_ =	shalt  }
0x80: {  	_ =	shalt  }
0x81: {  	_ =	shalt  }
0x82: {  	_ =	shalt  }
0x83: {  	_ =	shalt  }
0x84: {  	_ =	shalt  }
0x85: {  	_ =	shalt  }
0x86: {  	_ =	shalt  }
0x87: {  	_ =	shalt  }
.Lfunc_end0:
.L_simem_size_0:
called_computation.1_lowered:
.L_overlay_start_0:
0x88: {  	s2 =	sld [smem:$0x3FD9]  }
0x89: {  	s3 =	sld [smem:$0x3FFE];
	_ =	sdelay $0x1  }
0x8a: {  	s1 =	srdreg.scid  }
0x8b: {  	s0 =	sand.u32 $0x1, s1  }
0x8c: {  	s17 =	sshll.u32 s0, $0xA;
	s2 =	sadd.s32 s3, s2  }
0x8d: {  	s2 =	sadd.s32 s2, s17  }
0x8e: {  	[smem:$0x3FC0] =	sst s2  }
0x8f: {  	_ = 	snop  }
0x90: {  	s2 =	sld [smem:$0x3FD0];
	(tm) =	ssettm $0x1  }
0x91: {  	s18 =	sld [smem:$0x3FFB];
	_ =	sdelay $0x3  }
0x92: {  	_ =	strace s18  }
0x93: {  	s3 =	sld [smem:$0x3FFC];
	_ =	sdelay $0x3  }
0x94: {  	_ =	strace s3  }
0x95: {  	s3 =	sld [smem:$0x3FFD];
	_ =	sdelay $0x3  }
0x96: {  	_ =	strace s3  }
0x97: {  	_ =	strace $0x8FFFFFFF  }
0x98: {  	s19 =	sld [smem:$0x3FDB];
	_ =	sdelay $0x1  }
0x99: {  	s4 =	simm.s32 $_scs_section_size  }
0x9a: {  	s5 =	simm.s32 $_size__tile_overlayer_lowered;
	s6 =	simm.s32 $_tile_overlayer_lowered  }
0x9b: {  	s22 =	simm.s32 $0x1BFF;
	s21 =	sshll.u32 s6, $0x1;
	s3 =	sadd.s32 s4, s19  }
0x9c: {  	s7 =	simm.s32 $0x0;
	s20 =	sshll.u32 s5, $0x1;
	s5 =	sadd.s32 s21, s3  }
0x9d: {  	[timem:s7], [sflag:s22] =	dma.local [hbm:s5], s20  }
0x9e: {  	_ =	swait.ge [sflag:s22], s20  }
0x9f: {  	s4 =	ssub.s32 $0x0, s20;
	[sflag:s22] =	ssyncset.done $0x0  }
0xa0: {  	[sflag:s22] =	ssyncadd.s32 s4;
	_ =	sdelay $0x1  }
0xa1: {  	s23 =	simm.s32 $0x1B8B  }
0xa2: {  	_ =	swait.ge [sflag:s23], $0x1  }
0xa3: {  	[sflag:s23] =	ssyncset.done $0x0  }
0xa4: {  	s25 =	simm.s32 $0x1B8E;
	s24 =	sld [smem:$0x3FFE];
	[sflag:s23] =	ssyncadd.s32 $0xFFFFFFFF  }
0xa5: {  	s26 =	simm.s32 $execute0_lowered;
	[smem:$0x3FD2] =	sst s25  }
0xa6: {  	s5 =	sshll.u32 s26, $0x1;
	_ =	strace $0x80000049;
	[dreg:$0x1] =	wrdreg $0xFFFFFFFF  }
0xa7: {  	s28 =	simm.s32 $_size_execute0_lowered;
	s3 =	sadd.s32 s3, s5;
	[dreg:$0x0] =	wrdreg $0x0  }
0xa8: {  	s5 =	sshll.u32 s28, $0x1;
	[dreg:$0x2] =	wrdreg s3  }
0xa9: {  	[dreg:$0x3] =	wrdreg s5  }
0xaa: {  	[dreg:$0x4] =	wrdreg $0xC0  }
0xab: {  	_ =	task [dreg:s7], $0x5FFFF  }
0xac: {  	[dreg:$0x1] =	wrdreg $0xFFFFFFFF  }
0xad: {  	[dreg:$0x0] =	wrdreg $0x60  }
0xae: {  	[dreg:$0x2] =	wrdreg s24  }
0xaf: {  	[dreg:$0x3] =	wrdreg s2  }
0xb0: {  	[dreg:$0x4] =	wrdreg $0x0  }
0xb1: {  	[dreg:$0x5] =	wrdreg $0x9  }
0xb2: {  	_ =	task.clear_ibuf [dreg:s7], $0x6FFFF;
	_ =	strace $0x90000049  }
0xb3: {  	s29 =	simm.s32 $0x9;
	_ =	strace $0x8000004B  }
0xb4: {  	_ =	swait.ge [sflag:s29], $0x1  }
0xb5: {  	[sflag:s29] =	ssyncadd.s32 $0xFFFFFFFF  }
0xb6: {  	_ =	strace $0x9000004B  }
0xb7: {  	_ =	sfence  }
0xb8: {  	s30 =	sld [smem:$0x0];
	_ =	sdelay $0x2  }
0xb9: {  	s31 =	sshll.u32 s1, $0xD;
	s1 =	sshrl.u32 s1, $0x2  }
0xba: {  	s3 =	sand.u32 $0x4000, s31;
	s1 =	sadd.s32 s1, s30  }
0xbb: {  	s0 =	sor.u32 s3, s0;
	s1 =	sshll.u32 s1, $0x11  }
0xbc: {  	s0 =	sor.u32 s1, s0  }
0xbd: {  	s0 =	sadd.s32 $0x8F2B, s0  }
0xbe: {  	[sflag:s0] =	ssyncadd.remote.s32 $0x1  }
0xbf: {  	_ =	sfence.sel $0xFFFF  }
0xc0: {  	[dreg:$0x0] =	wrdreg $0xFFFFFFFF;
	(pc) =	sbr.abs _section_cstart, $3  }
0xc1: {  	[dreg:$0x1] =	wrdreg $0xFFFFFFFF  }
0xc2: {  	_ =	task.clear_ibuf [dreg:s7], $0x2FFFF;
	_ =	strace $0x9FFFFFFF  }
0xc3: {  	(tm) =	ssettm $0x7FFFFFFF  }
tec
execute0_lowered:
.L_overlay_start_1:
0x0: {  	(tag) =	ssettag $0x1  }
0x1: {  	s0 =	rddreg [dreg:$0x0]  }
0x2: {  	s13 =	rddreg [dreg:$0x1]  }
0x3: {  	s1 =	rddreg [dreg:$0x2]  }
0x4: {  	s3 =	simm.s32 $0x0;
	s2 =	simm.s32 $0x0;
	s26 =	srdreg.scid  }
0x5: {  	s12 =	stileid.u32;
	s31 =	simm.s32 $0x7;
	s28 =	simm.s32 $0x1  }
0x6: {  	s29 =	simm.s32 $0x7D;
	[smem:$0x7FF] =	sst s3;
	s8 =	smul.u32 $0x7800, s12  }
0x7: {  	s4 =	sadd.s32 $0x2600, s0;
	s3 =	sand.u32 $0x1, s26;
	s17 =	smul.u32 $0x5000, s12  }
0x8: {  	s5 =	sshll.u32 s12, $0x1;
	s20 =	smul.u32 $0x4EC0, s12;
	s12 =	simm.s32 $0x7E70  }
0x9: {  	_ =	strace $0x8000004A;
	s6 =	ssub.s32 $0x2, s3;
	s15 =	smul.u32 $0x78000, s3  }
0xa: {  	s7 =	sor.u32 s3, s5;
	s5 =	sadd.s32 $0x84600, s0;
	s19 =	smul.u32 $0x2800, s3  }
0xb: {  	s0 =	sadd.s32 $0x11600, s0;
	s3 =	smul.u32 $0x2760, s3;
	s9 =	sshrl.u32 s6, $0x1  }
0xc: {  	s10 =	smul.u32 $0x2760, s7;
	s23 =	sadd.s32 s8, s1;
	s30 =	sadd.s32 $0x5DC0, s8  }
0xd: {  	s7 =	smul.u32 $0x2800, s7;
	s6 =	ssub.s32 s6, s9;
	s25 =	sadd.s32 s30, s1  }
0xe: {  	s8 =	sadd.s32 s8, s15;
	s9 =	sadd.s32 s15, s30;
	s3 =	sadd.s32 s3, s20  }
0xf: {  	[dreg:$0x4] =	wrdreg s23;
	s11 =	sshrl.u32 s10, $0x3;
	s10 =	sadd.s32 $0x1F8, s10  }
0x10: {  	s7 =	sshrl.u32 s7, $0x3;
	s8 =	sshrl.u32 s8, $0x3;
	s9 =	sshrl.u32 s9, $0x3  }
0x11: {  	s6 =	smax.u32 s6, $0x1;
	s24 =	sadd.s32 $0x5E8, s3;
	s3 =	sadd.s32 $0x3F0, s3  }
0x12: {  	[dreg:$0x5] =	wrdreg s25;
	s11 =	sadd.s32 s5, s11;
	s10 =	sshrl.u32 s10, $0x3  }
0x13: {  	s14 =	sadd.s32 s13, s7;
	s7 =	sadd.s32 s19, s17;
	[dreg:$0xc] =	wrdreg s6  }
0x14: {  	s8 =	sadd.s32 s0, s8;
	s0 =	sadd.s32 s0, s9;
	[dreg:$0xd] =	wrdreg s3  }
0x15: {  	s26 =	sshrl.u32 s24, $0x3;
	s19 =	simm.s32 $0x7FF0;
	[dreg:$0x6] =	wrdreg s11  }
0x16: {  	s24 =	simm.s32 $0x7DF0;
	s9 =	simm.s32 $0x2;
	[dreg:$0x7] =	wrdreg s14  }
0x17: {  	s6 =	simm.s32 $0x4;
	s3 =	simm.s32 $0x6;
	[dreg:$0xa] =	wrdreg s8  }
0x18: {  	s16 =	sadd.s32 s5, s10;
	s18 =	sadd.s32 $0x40, s14;
	[dreg:$0xb] =	wrdreg s0  }
0x19: {  	s21 =	sor.u32 $0x400, s7;
	s22 =	sor.u32 $0x600, s7;
	s30 =	sadd.s32 s26, s5  }
0x1a: {  	s26 =	simm.s32 $0xDDB0;
	s11 =	simm.s32 $0x3;
	s14 =	simm.s32 $0x7EF0  }
.Ltmp0:
0x1b: {  	s7 =	simm.s32 $0x5;
	[dreg:$0x8] =	wrdreg s16;
	(pc) =	sbr.rel .LBB2_1-.Ltmp0, $4  }
0x1c: {  	s8 =	simm.s32 $0x0;
	s10 =	simm.s32 $0x1F4;
	[dreg:$0x9] =	wrdreg s18  }
0x1d: {  	s0 =	sshrl.u32 s21, $0x3;
	[dreg:$0xe] =	wrdreg s30;
	s16 =	simm.s32 $0x10C90  }
0x1e: {  	s21 =	simm.s32 $0x7F70;
	s15 =	sadd.s32 s0, s13;
	s0 =	sshrl.u32 s22, $0x3  }
0x1f: {  	v0 =	vimm.f32 $0.0e+00;
	s18 =	simm.s32 $0x12400;
	s17 =	sadd.s32 s0, s13;
	s13 =	simm.s32 $0xF520  }
.LBB2_6:
0x20: {  	[bflag:$0x0] =	sbarrier.arrive $0xFFFF  }
0x21: {  	s31 =	simm.s32 $0x7;
	s23 =	rddreg [dreg:$0x4]  }
0x22: {  	[tilespmem:s19], [sflag:$0x7] =	stream.linear.gather [spmem:s23], $0x5DC0, $0x38;
	[tilespmem:$0x13B70] =	vst v63  }
0x23: {  	_ =	swait.ge [sflag:s31], $0x5DC0  }
0x24: {  	[sflag:s31] =	ssyncset.done $0x0  }
0x25: {  	s0 =	simm.s32 $0x0;
	s2 =	rddreg [dreg:$0xa];
	[sflag:s31] =	ssyncadd.s32 $0xFFFFA240  }
0x26: {  	[hbm4b:s2+s0] =	stream.linear.scatter [tilespmem:s19], [sflag:$0x7], $0x5DC0, $0x38;
	[tilespmem:$0x13B70] =	vst v63  }
0x27: {  	_ =	swait.ge [sflag:s31], $0x5DC0  }
0x28: {  	[sflag:s31] =	ssyncset.done $0x0  }
0x29: {  	s25 =	rddreg [dreg:$0x5];
	[sflag:s31] =	ssyncadd.s32 $0xFFFFA240  }
0x2a: {  	[tilespmem:s19], [sflag:$0x7] =	stream.linear.gather [spmem:s25], $0x1A40, $0x38;
	[tilespmem:$0x13B70] =	vst v63  }
0x2b: {  	_ =	swait.ge [sflag:s31], $0x1A40  }
0x2c: {  	[sflag:s31] =	ssyncset.done $0x0  }
0x2d: {  	s20 =	rddreg [dreg:$0xb];
	[sflag:s31] =	ssyncadd.s32 $0xFFFFE5C0  }
0x2e: {  	[hbm4b:s20+s0] =	stream.linear.scatter [tilespmem:s19], [sflag:$0x7], $0x1A40, $0x38;
	[tilespmem:$0x13B70] =	vst v63  }
0x2f: {  	_ =	swait.ge [sflag:s31], $0x1A40  }
0x30: {  	s8 =	rddreg [dreg:$0xf]  }
0x31: {  	s30 =	rddreg [dreg:$0xc];
	s8 =	sadd.s32 $0x1, s8  }
0x32: {  	p0 =	sne.s32 s8, s30  }
.Ltmp1:
0x33: {  	_ = 	snop;
	(pc) =	sbr.rel @!p0 .LBB2_7-.Ltmp1, $3  }
0x34: {  	_ =	sdelay $0x1  }
0x35: {  	[sflag:s31] =	ssyncset.done $0x0  }
0x36: {  	s2 =	simm.s32 $0x0;
	[sflag:s31] =	ssyncadd.s32 $0xFFFFE5C0  }
.LBB2_1:
0x37: {  	[dreg:$0xf] =	wrdreg s8;
	s20 =	simm.s32 $0xC0;
	s22 =	simm.s32 $0x0  }
.LBB2_2:
0x38: {  	p0 =	sne.s32 s20, $0x17640;
	[tilespmem:s22+$0x8010] =	vst v0;
	s30 =	smov.u32 s20;
	s20 =	sadd.s32 $0xC0, s20  }
.Ltmp2:
0x39: {  	[tilespmem:s22+$0x7FF0] =	vst v0;
	(pc) =	sbr.rel @p0 .LBB2_2-.Ltmp2, $2  }
0x3a: {  	[tilespmem:s22+$0x8000] =	vst v0;
	_ =	sdelay $0x2  }
0x3b: {  	s22 =	sshra.s32 s30, $0x2  }
0x3c: {  	[tilespmem:s22+$0x8010] =	vst v0  }
0x3d: {  	[tilespmem:s22+$0x7FF0] =	vst v0  }
0x3e: {  	[tilespmem:s22+$0x8000] =	vst v0  }
0x3f: {  	[spmem:s23] =	stream.linear.scatter [tilespmem:s19], [sflag:$0x7], $0x5DC0, $0x38;
	[tilespmem:$0x13B70] =	vst v63  }
0x40: {  	_ =	swait.ge [sflag:s31], $0x5DC0  }
0x41: {  	[sflag:s31] =	ssyncset.done $0x0  }
0x42: {  	[sflag:s31] =	ssyncadd.s32 $0xFFFFA240  }
0x43: {  	[spmem:s25] =	stream.linear.scatter [tilespmem:s19], [sflag:$0x7], $0x1A40, $0x38;
	[tilespmem:$0x13B70] =	vst v63  }
0x44: {  	_ =	swait.ge [sflag:s31], $0x1A40  }
0x45: {  	[sflag:s31] =	ssyncset.done $0x0  }
0x46: {  	[sflag:s31] =	ssyncadd.s32 $0xFFFFE5C0  }
0x47: {  	[bflag:$0x0] =	sbarrier.arrive $0xFFFF  }
0x48: {  	s20 =	simm.s32 $0x0;
	s22 =	simm.s32 $0x7800;
	s0 =	rddreg [dreg:$0x6]  }
0x49: {  	[tilespmem:s22], [sflag:$0x7] =	stream.linear.gather [hbm4b:s0+s20], $0x1F8, $0x38;
	[tilespmem:$0x13B70] =	vst v63  }
0x4a: {  	_ =	swait.ge [sflag:s31], $0x1F8  }
0x4b: {  	[sflag:s31] =	ssyncset.done $0x0  }
0x4c: {  	s25 =	simm.s32 $0x7BF0;
	s23 =	rddreg [dreg:$0x7];
	[sflag:s31] =	ssyncadd.s32 $0xFFFFFE08  }
0x4d: {  	[tilespmem:s25], [sflag:$0x7] =	stream.linear.gather [hbm4b:s23+s20], $0x200, $0x38;
	[tilespmem:$0x13B70] =	vst v63  }
0x4e: {  	_ =	swait.ge [sflag:s31], $0x200  }
0x4f: {  	[sflag:s31] =	ssyncset.done $0x0  }
0x50: {  	s23 =	simm.s32 $0x79F8;
	s8 =	rddreg [dreg:$0x8];
	[sflag:s31] =	ssyncadd.s32 $0xFFFFFE00  }
0x51: {  	[tilespmem:s23], [sflag:$0x7] =	stream.linear.gather [hbm4b:s8+s20], $0x1F8, $0x38;
	[tilespmem:$0x13B70] =	vst v63  }
0x52: {  	_ =	swait.ge [sflag:s31], $0x1F8  }
0x53: {  	[sflag:s31] =	ssyncset.done $0x0  }
0x54: {  	s25 =	rddreg [dreg:$0x9];
	[sflag:s31] =	ssyncadd.s32 $0xFFFFFE08  }
0x55: {  	[tilespmem:s24], [sflag:$0x7] =	stream.linear.gather [hbm4b:s25+s20], $0x200, $0x38;
	[tilespmem:$0x13B70] =	vst v63  }
0x56: {  	_ =	swait.ge [sflag:s31], $0x200  }
0x57: {  	[sflag:s31] =	ssyncset.done $0x0  }
0x58: {  	s30 =	rddreg [dreg:$0xd];
	[sflag:s31] =	ssyncadd.s32 $0xFFFFFE00;
	s31 =	simm.s32 $0x1F4  }
0x59: {  	[tilespmem:s19], [sflag:$0x1] =	stream.indirect.gather [hbm4b:s4+s31], $0x30, s22, s31, $0xb8;
	[tilespmem:$0x13B70] =	vst v63  }
0x5a: {  	s8 =	simm.s32 $0x79F8;
	s22 =	rddreg [dreg:$0xe]  }
0x5b: {  	[tilespmem:s26], [sflag:$0x2] =	stream.indirect.gather [hbm4b:s4+s31], $0x30, s23, s31, $0xb8;
	[tilespmem:$0x13B70] =	vst v63  }
.LBB2_4:
0x5c: {  	_ =	swait.ge [sflag:s28], $0x5DC0;
	p0 =	seq.s32 s20, $0x480  }
0x5d: {  	[sflag:s28] =	ssyncset.done $0x0;
	s23 =	sshrl.u32 @!p0 s30, $0x3;
	s31 =	simm.s32 @!p0 $0x0  }
0x5e: {  	s0 =	simm.s32 @!p0 $0x7800;
	[sflag:s28] =	ssyncadd.s32 $0xFFFFA240;
	s23 =	sadd.s32 @!p0 s5, s23  }
0x5f: {  	[tilespmem:s0], [sflag:$0x5] =	stream.linear.gather @!p0 [hbm4b:s23+s31], $0x1F8, $0x38;
	[tilespmem:$0x13B70] =	vst v63  }
0x60: {  	s25 =	simm.s32 $0x7BF0  }
0x61: {  	[spmem:s1] =	stream.indirect.scatter.add.f32 [tilespmem:s19], [sflag:$0x3], $0x30, s25, s29, $0xb8;
	[tilespmem:$0x13B70] =	vst v63  }
0x62: {  	s23 =	simm.s32 $0x7C70;
	s25 =	simm.s32 $0x9760  }
0x63: {  	[spmem:s1] =	stream.indirect.scatter.add.f32 [tilespmem:s25], [sflag:$0x3], $0x30, s23, s29, $0xb8;
	[tilespmem:$0x13B70] =	vst v63  }
0x64: {  	s23 =	simm.s32 $0x7CF0;
	s25 =	simm.s32 $0xAED0  }
0x65: {  	[spmem:s1] =	stream.indirect.scatter.add.f32 [tilespmem:s25], [sflag:$0x3], $0x30, s23, s29, $0xb8;
	[tilespmem:$0x13B70] =	vst v63  }
0x66: {  	s23 =	simm.s32 $0x7D70;
	s25 =	simm.s32 $0xC640  }
0x67: {  	[spmem:s1] =	stream.indirect.scatter.add.f32 [tilespmem:s25], [sflag:$0x3], $0x30, s23, s29, $0xb8;
	[tilespmem:$0x13B70] =	vst v63  }
0x68: {  	_ =	swait.ge [sflag:s11], $0x1770  }
0x69: {  	[sflag:s11] =	ssyncset.done $0x0  }
0x6a: {  	[sflag:s11] =	ssyncadd.s32 $0xFFFFE890  }
0x6b: {  	_ =	swait.ge [sflag:s11], $0x1770  }
0x6c: {  	[sflag:s11] =	ssyncset.done $0x0  }
0x6d: {  	[sflag:s11] =	ssyncadd.s32 $0xFFFFE890  }
0x6e: {  	_ =	swait.ge [sflag:s11], $0x1770  }
0x6f: {  	[sflag:s11] =	ssyncset.done $0x0  }
0x70: {  	[sflag:s11] =	ssyncadd.s32 $0xFFFFE890  }
0x71: {  	_ =	swait.ge [sflag:s11], $0x1770  }
0x72: {  	[sflag:s11] =	ssyncset.done $0x0  }
0x73: {  	s23 =	sadd.s32 @!p0 s20, s15;
	s25 =	simm.s32 @!p0 $0x7BF0;
	[sflag:s11] =	ssyncadd.s32 $0xFFFFE890  }
0x74: {  	[tilespmem:s25], [sflag:$0x6] =	stream.linear.gather @!p0 [hbm4b:s23+s31], $0x200, $0x38;
	[tilespmem:$0x13B70] =	vst v63  }
0x75: {  	s23 =	simm.s32 @!p0 $0x5  }
0x76: {  	_ =	swait.ge @!p0 [sflag:s23], $0x1F8  }
0x77: {  	[sflag:s23] =	ssyncset.done @!p0 $0x0  }
0x78: {  	s25 =	simm.s32 @!p0 $0x7FF0;
	[sflag:s23] =	ssyncadd.s32 @!p0 $0xFFFFFE08;
	s23 =	simm.s32 @!p0 $0x1F4  }
0x79: {  	[tilespmem:s25], [sflag:$0x1] =	stream.indirect.gather @!p0 [hbm4b:s4+s23], $0x30, s0, s23, $0xb8;
	[tilespmem:$0x13B70] =	vst v63  }
0x7a: {  	s0 =	simm.s32 @!p0 $0x6  }
0x7b: {  	_ =	swait.ge @!p0 [sflag:s0], $0x200  }
0x7c: {  	[sflag:s0] =	ssyncset.done @!p0 $0x0  }
0x7d: {  	[sflag:s0] =	ssyncadd.s32 @!p0 $0xFFFFFE00  }
0x7e: {  	_ =	swait.ge [sflag:s9], $0x5DC0  }
0x7f: {  	[sflag:s9] =	ssyncset.done $0x0  }
0x80: {  	s0 =	simm.s32 @!p0 $0x79F8;
	[sflag:s9] =	ssyncadd.s32 $0xFFFFA240  }
0x81: {  	[tilespmem:s0], [sflag:$0x5] =	stream.linear.gather @!p0 [hbm4b:s22+s31], $0x1F8, $0x38;
	[tilespmem:$0x13B70] =	vst v63  }
0x82: {  	_ = 	snop  }
0x83: {  	[spmem:s1] =	stream.indirect.scatter.add.f32 [tilespmem:s26], [sflag:$0x4], $0x30, s24, s29, $0xb8;
	[tilespmem:$0x13B70] =	vst v63  }
0x84: {  	_ = 	snop  }
0x85: {  	[spmem:s1] =	stream.indirect.scatter.add.f32 [tilespmem:s13], [sflag:$0x4], $0x30, s12, s29, $0xb8;
	[tilespmem:$0x13B70] =	vst v63  }
0x86: {  	_ = 	snop  }
0x87: {  	[spmem:s1] =	stream.indirect.scatter.add.f32 [tilespmem:s16], [sflag:$0x4], $0x30, s14, s29, $0xb8;
	[tilespmem:$0x13B70] =	vst v63  }
0x88: {  	_ = 	snop  }
0x89: {  	[spmem:s1] =	stream.indirect.scatter.add.f32 [tilespmem:s18], [sflag:$0x4], $0x30, s21, s29, $0xb8;
	[tilespmem:$0x13B70] =	vst v63  }
0x8a: {  	_ =	swait.ge [sflag:s6], $0x1770  }
0x8b: {  	[sflag:s6] =	ssyncset.done $0x0  }
0x8c: {  	[sflag:s6] =	ssyncadd.s32 $0xFFFFE890  }
0x8d: {  	_ =	swait.ge [sflag:s6], $0x1770  }
0x8e: {  	[sflag:s6] =	ssyncset.done $0x0  }
0x8f: {  	[sflag:s6] =	ssyncadd.s32 $0xFFFFE890  }
0x90: {  	_ =	swait.ge [sflag:s6], $0x1770  }
.Ltmp3:
0x91: {  	[sflag:s6] =	ssyncset.done $0x0;
	(pc) =	sbr.rel @p0 .LBB2_6-.Ltmp3, $4  }
0x92: {  	[sflag:s6] =	ssyncadd.s32 $0xFFFFE890  }
0x93: {  	_ =	swait.ge [sflag:s6], $0x1770  }
0x94: {  	[sflag:s6] =	ssyncset.done $0x0  }
0x95: {  	[sflag:s6] =	ssyncadd.s32 $0xFFFFE890  }
0x96: {  	s0 =	sadd.s32 s20, s17  }
0x97: {  	[tilespmem:s24], [sflag:$0x6] =	stream.linear.gather [hbm4b:s0+s2], $0x200, $0x38;
	[tilespmem:$0x13B70] =	vst v63  }
0x98: {  	_ =	swait.ge [sflag:s7], $0x1F8  }
0x99: {  	[sflag:s7] =	ssyncset.done $0x0  }
.Ltmp4:
0x9a: {  	[sflag:s7] =	ssyncadd.s32 $0xFFFFFE08;
	(pc) =	sbr.rel .LBB2_4-.Ltmp4, $4  }
0x9b: {  	[tilespmem:s26], [sflag:$0x2] =	stream.indirect.gather [hbm4b:s4+s10], $0x30, s8, s10, $0xb8;
	[tilespmem:$0x13B70] =	vst v63  }
0x9c: {  	_ =	swait.ge [sflag:s3], $0x200  }
0x9d: {  	s20 =	sadd.s32 $0x80, s20;
	[sflag:s3] =	ssyncset.done $0x0  }
0x9e: {  	s30 =	sadd.s32 $0x3F0, s30;
	s22 =	sadd.s32 $0x7E, s22;
	[sflag:s3] =	ssyncadd.s32 $0xFFFFFE00  }
.LBB2_7:
0x9f: {  	_ =	sfence.sel $0x180000  }
0xa0: {  	[bflag:$0x0] =	sbarrier.arrive $0xFFFF  }
0xa1: {  	_ =	strace $0x9000004A  }
0xa2: {  	s0 =	stileid.u32;
	[bflag:$0x2] =	sbarrier.arrive $0xFFFF  }
0xa3: {  	p0 =	sne.s32 s0, $0x0;
	s0 =	rddreg [dreg:$0x3]  }
0xa4: {  	s0 =	sadd.s32 @!p0 $0x100000, s0  }
0xa5: {  	[sflag:s0] =	ssyncadd.tile.s32 @!p0 $0x1;
	_ =	shalt  }
.Lfunc_end2:
_tile_overlayer_lowered:
.L_overlay_start_2:
0xa6: {  	(tag) =	ssettag $0x2  }
0xa7: {  	s0 =	rddreg [dreg:$0x0];
	s2 =	stileid.u32  }
0xa8: {  	s1 =	rddreg [dreg:$0x1];
	p0 =	sne.s32 s2, $0x0  }
0xa9: {  	s3 =	rddreg [dreg:$0x2];
	[bflag:$0x3] =	sbarrier.arrive $0xFFFF;
	s2 =	simm.s32 @!p0 $0x1C07  }
0xaa: {  	[timem:s3], [sflag:s2] =	dma.local @!p0 [hbm:s0], s1  }
0xab: {  	s0 =	simm.s32 @!p0 $0x7  }
0xac: {  	_ =	swait.ge @!p0 [sflag:s0], s1  }
0xad: {  	s1 =	ssub.s32 @!p0 $0x0, s1;
	[sflag:s0] =	ssyncset.done @!p0 $0x0  }
0xae: {  	[sflag:s0] =	ssyncadd.s32 @!p0 s1  }
0xaf: {  	[bflag:$0x3] =	sbarrier.arrive $0xFFFF  }
0xb0: {  	_ =	shalt  }

</sc_bundles>
